<compile_context>
chip_gen: v7x
topology: tpu7x:2x2x1
jax: 0.10.2.dev20260603
libtpu: 0.0.44.dev20260713+nightly
codegen_flags: <defaults>
</compile_context>

<pallas_src>
import functools

import jax
import jax.numpy as jnp
from jax import lax
from jax.experimental import pallas as pl
from jax.experimental.pallas import tpu as pltpu
from jax.experimental.pallas import tpu_sc as plsc

B = 8
C = 256
K = 1024
P = 1024
N = B * P
_LOSS_SCALE = 0.75 / (N * C)


def _tc_body(z_ref, cb_ref, idx_ref, loss_ref):
    b = pl.program_id(0)
    zb = z_ref[0]
    cb = cb_ref[...]

    dot2 = lax.dot_general(cb, zb + zb, (((1,), (0,)), ((), ())),
                           preferred_element_type=jnp.float32)
    z2 = jnp.sum(zb * zb, axis=0, keepdims=True)
    c2 = jnp.sum(cb * cb, axis=1, keepdims=True)
    a = z2 + c2
    dist = a - dot2

    minv = jnp.min(dist, axis=0, keepdims=True)
    iota = lax.broadcasted_iota(jnp.int32, (K, P), 0).astype(jnp.float32)
    idx_f = jnp.min(jnp.where(dist == minv, iota, float(K)),
                    axis=0, keepdims=True)
    idx_ref[0] = idx_f.astype(jnp.int32)

    part = jnp.sum(minv)
    @pl.when(b == 0)
    def _():
        loss_ref[0, 0] = part

    @pl.when(b > 0)
    def _():
        loss_ref[0, 0] = loss_ref[0, 0] + part

    @pl.when(b == B - 1)
    def _():
        loss_ref[0, 0] = loss_ref[0, 0] * _LOSS_SCALE


_NC = 2
_NS = 16
_NW = _NC * _NS
_CW = C // _NW
_L = 16


@functools.partial(
    pl.kernel,
    mesh=plsc.VectorSubcoreMesh(core_axis_name="c", subcore_axis_name="s"),
    out_type=jax.ShapeDtypeStruct((B, C, P), jnp.float32),
    compiler_params=pltpu.CompilerParams(
        needs_layout_passes=False, use_tc_tiling_on_sc=False),
    scratch_types=[
        pltpu.VMEM((B * P,), jnp.int32),
        pltpu.VMEM((K, _CW), jnp.float32),
        pltpu.VMEM((_CW, P), jnp.float32),
        pltpu.VMEM((_CW, P), jnp.float32),
        pltpu.SemaphoreType.DMA,
        pltpu.SemaphoreType.DMA,
    ],
)
def _sc_gather(cb_hbm, idx_hbm, zq_hbm, idx_v, rows_v, out0, out1, sem0, sem1):
    wid = lax.axis_index("s") * _NC + lax.axis_index("c")
    cc = wid
    pltpu.sync_copy(cb_hbm.at[:, pl.ds(cc * _CW, _CW)], rows_v)
    pltpu.sync_copy(idx_hbm, idx_v)
    bufs = (out0, out1)
    sems = (sem0, sem1)
    pending = [None, None]
    for b in range(B):
        out_v = bufs[b % 2]
        if pending[b % 2] is not None:
            pending[b % 2].wait()

        @plsc.parallel_loop(0, P // _L, 1, unroll=8)
        def _px(p, out_v=out_v):
            pix = idx_v[pl.ds(b * P + p * _L, _L)]
            for c in range(_CW):
                col = jnp.full((_L,), c, jnp.int32)
                out_v[c, pl.ds(p * _L, _L)] = plsc.load_gather(
                    rows_v, [pix, col])
        pending[b % 2] = pltpu.async_copy(
            out_v, zq_hbm.at[b, pl.ds(cc * _CW, _CW)], sems[b % 2])
    pending[0].wait()
    pending[1].wait()


@jax.jit
def kernel(z, codebook):
    z3 = z.reshape(B, C, P)
    idx3, loss = pl.pallas_call(
        _tc_body,
        grid=(B,),
        in_specs=[
            pl.BlockSpec((1, C, P), lambda b: (b, 0, 0)),
            pl.BlockSpec((K, C), lambda b: (0, 0)),
        ],
        out_specs=[
            pl.BlockSpec((1, 1, P), lambda b: (b, 0, 0)),
            pl.BlockSpec(memory_space=pltpu.SMEM),
        ],
        out_shape=[
            jax.ShapeDtypeStruct((B, 1, P), jnp.int32),
            jax.ShapeDtypeStruct((1, 1), jnp.float32),
        ],
    )(z3, codebook)
    zq3 = _sc_gather(codebook, idx3.reshape(B * P))
    return (zq3.reshape(B, C, 32, 32), idx3.reshape(N), loss[0, 0])

# --- scband reference (transcript-rebuilt; emitter-appended) ---
"""Pipeline reference for scband-codebook-12249246728357 (READ-ONLY COPY).

The authoritative reference and input builder live on the scoring server;
editing this copy changes nothing except your own understanding.
"""

import jax, jax.numpy as jnp
import numpy as np

NUM_CODES = 1024
LATENT_DIM = 256
BETA = 0.25

def setup_inputs(seed: int = 0) -> dict:
    key = jax.random.key(seed)
    k1, k2 = jax.random.split(key)
    z = jax.random.normal(k1, (8, 256, 32, 32), dtype=jnp.float32)
    codebook = jax.random.uniform(
        k2, (NUM_CODES, LATENT_DIM), dtype=jnp.float32,
        minval=-1.0 / NUM_CODES, maxval=1.0 / NUM_CODES)
    return {"z": z, "codebook": codebook}

def reference(z, codebook):
    # z: [B, C, H, W] -> [B, H, W, C]
    z_p = jnp.transpose(z, (0, 2, 3, 1))
    z_flat = z_p.reshape(-1, LATENT_DIM)
    # squared L2 distances to every codebook vector
    e_distances = (
        jnp.sum(z_flat ** 2, axis=1, keepdims=True)
        + jnp.sum(codebook ** 2, axis=1)
        - 2.0 * (z_flat @ codebook.T)
    )
    dist_indices = jnp.argmin(e_distances, axis=1)
    zq = jnp.take(codebook, dist_indices, axis=0).reshape(z_p.shape)
    loss = (
        jnp.mean((zq - jax.lax.stop_gradient(z_p)) ** 2)
        - BETA * jnp.mean((z_p - jax.lax.stop_gradient(zq)) ** 2)
    )
    # straight-through estimator
    zq_st = z_p + jax.lax.stop_gradient(zq - z_p)
    zq_out = jnp.transpose(zq_st, (0, 3, 1, 2))
    return (zq_out, dist_indices, loss)

if __name__ == "__main__":
    import jax
    _d = setup_inputs()
    print(jax.jit(kernel)(*tuple(_d.values())))

</pallas_src>

<mosaic_0001>
#map = affine_map<(d0, d1) -> (0, 0)>
#map1 = affine_map<(d0, d1) -> (0)>
#map2 = affine_map<(d0, d1) -> (0, 0, 0)>
module attributes {stable_mosaic.version = 14 : i64} {
  func.func @_sc_gather(%arg0: i32, %arg1: i32, %arg2: memref<1024x256xf32, #tpu.memory_space<hbm>>, %arg3: memref<8192xi32, #tpu.memory_space<hbm>>, %arg4: memref<8x256x1024xf32, #tpu.memory_space<hbm>>, %arg5: memref<8192xi32, #tpu.memory_space<vmem>>, %arg6: memref<1024x8xf32, #tpu.memory_space<vmem>>, %arg7: memref<8x1024xf32, #tpu.memory_space<vmem>>, %arg8: memref<8x1024xf32, #tpu.memory_space<vmem>>, %arg9: memref<!tpu.dma_semaphore, #tpu.memory_space<semaphore_mem>>, %arg10: memref<!tpu.dma_semaphore, #tpu.memory_space<semaphore_mem>>) attributes {dimension_semantics = [#tpu.dimension_semantics<core_parallel>, #tpu.dimension_semantics<subcore_parallel>], iteration_bounds = array<i64: 2, 16>, scalar_prefetch = 0 : i64, scratch_operands = 6 : i64, tpu.core_type = #tpu.core_type<sc_vector_subcore>, window_params = [{transform_indices = #map}, {transform_indices = #map1}, {transform_indices = #map2}]} {
    %mul3A = arith.constant 2 : i32
    %mul3A_0 = arith.muli %arg1, %mul3A : i32
    %add3A = arith.addi %mul3A_0, %arg0 : i32
    %mul3A_1 = arith.constant 8 : i32
    %mul3A_2 = arith.muli %add3A, %mul3A_1 : i32
    "tpu.region"() ({
      %run_scoped3A = tpu.sem_alloc : memref<!tpu.dma_semaphore, #tpu.memory_space<semaphore_mem>>
      %dma_start3A_152 = arith.constant 0 : i32
      %dma_start3A_153 = tpu.memref_slice %arg2[%dma_start3A_152, %mul3A_2] : memref<1024x256xf32, #tpu.memory_space<hbm>> -> memref<1024x8xf32, #tpu.memory_space<hbm>>
      %dma_start3A_154 = arith.constant 0 : i32
      %dma_start3A_155 = tpu.memref_slice %arg2[%dma_start3A_154, %mul3A_2] : memref<1024x256xf32, #tpu.memory_space<hbm>> -> memref<1024x8xf32, #tpu.memory_space<hbm>>
      tpu.enqueue_dma source(%dma_start3A_155 : memref<1024x8xf32, #tpu.memory_space<hbm>>) target(%arg6 : memref<1024x8xf32, #tpu.memory_space<vmem>>) target_semaphore(%run_scoped3A : memref<!tpu.dma_semaphore, #tpu.memory_space<semaphore_mem>>)
      %dma_wait3A_156 = arith.constant 0 : i32
      %dma_wait3A_157 = tpu.memref_slice %arg2[%dma_wait3A_156, %mul3A_2] : memref<1024x256xf32, #tpu.memory_space<hbm>> -> memref<1024x8xf32, #tpu.memory_space<hbm>>
      %dma_wait3A_158 = arith.constant 0 : i32
      %dma_wait3A_159 = tpu.memref_slice %arg2[%dma_wait3A_158, %mul3A_2] : memref<1024x256xf32, #tpu.memory_space<hbm>> -> memref<1024x8xf32, #tpu.memory_space<hbm>>
      tpu.wait_dma2 semaphore(%run_scoped3A : memref<!tpu.dma_semaphore, #tpu.memory_space<semaphore_mem>>) src(%dma_wait3A_159 : memref<1024x8xf32, #tpu.memory_space<hbm>>) dst(%arg6 : memref<1024x8xf32, #tpu.memory_space<vmem>>)
      tpu.yield
    }) : () -> ()
    "tpu.region"() ({
      %run_scoped3A = tpu.sem_alloc : memref<!tpu.dma_semaphore, #tpu.memory_space<semaphore_mem>>
      tpu.enqueue_dma source(%arg3 : memref<8192xi32, #tpu.memory_space<hbm>>) target(%arg5 : memref<8192xi32, #tpu.memory_space<vmem>>) target_semaphore(%run_scoped3A : memref<!tpu.dma_semaphore, #tpu.memory_space<semaphore_mem>>)
      tpu.wait_dma2 semaphore(%run_scoped3A : memref<!tpu.dma_semaphore, #tpu.memory_space<semaphore_mem>>) src(%arg3 : memref<8192xi32, #tpu.memory_space<hbm>>) dst(%arg5 : memref<8192xi32, #tpu.memory_space<vmem>>)
      tpu.yield
    }) : () -> ()
    %parallel_loop3A = arith.constant 0 : i32
    %parallel_loop3A_3 = arith.constant 64 : i32
    %parallel_loop3A_4 = arith.constant 1 : i32
    scf.for %parallel_loop3A_152 = %parallel_loop3A to %parallel_loop3A_3 step %parallel_loop3A_4  : i32 {
      %parallel_loop3A_153 = arith.constant 16 : i32
      %parallel_loop3A_154 = arith.muli %parallel_loop3A_152, %parallel_loop3A_153 : i32
      %parallel_loop3A_155 = arith.constant 0 : i32
      %parallel_loop3A_156 = arith.addi %parallel_loop3A_155, %parallel_loop3A_154 : i32
      %parallel_loop3A_157 = arith.index_cast %parallel_loop3A_156 : i32 to index
      %parallel_loop3A_158 = tpu.vector_load %arg5[%parallel_loop3A_157] {strides = array<i32>} : memref<8192xi32, #tpu.memory_space<vmem>>, vector<16xi32>,
      %parallel_loop3A_159 = arith.constant 0 : i32
      %parallel_loop3A_160 = vector.broadcast %parallel_loop3A_159 : i32 to vector<16xi32>
      %parallel_loop3A_161 = tpu.vector_load_idx %arg6[%parallel_loop3A_158, %parallel_loop3A_160] : memref<1024x8xf32, #tpu.memory_space<vmem>>[vector<16xi32>, vector<16xi32>], vector<16xf32>,
      %parallel_loop3A_162 = arith.constant 16 : i32
      %parallel_loop3A_163 = arith.muli %parallel_loop3A_152, %parallel_loop3A_162 : i32
      %parallel_loop3A_164 = arith.constant 0 : i32
      %parallel_loop3A_165 = arith.index_cast %parallel_loop3A_164 : i32 to index
      %parallel_loop3A_166 = arith.index_cast %parallel_loop3A_163 : i32 to index
      %parallel_loop3A_167 = tpu.vector_load %arg7[%parallel_loop3A_165, %parallel_loop3A_166] {strides = array<i32>} : memref<8x1024xf32, #tpu.memory_space<vmem>>, vector<16xf32>,
      tpu.vector_store %arg7[%parallel_loop3A_165, %parallel_loop3A_166], %parallel_loop3A_161 {strides = array<i32>} : memref<8x1024xf32, #tpu.memory_space<vmem>>, vector<16xf32>,
      %parallel_loop3A_168 = arith.constant 1 : i32
      %parallel_loop3A_169 = vector.broadcast %parallel_loop3A_168 : i32 to vector<16xi32>
      %parallel_loop3A_170 = tpu.vector_load_idx %arg6[%parallel_loop3A_158, %parallel_loop3A_169] : memref<1024x8xf32, #tpu.memory_space<vmem>>[vector<16xi32>, vector<16xi32>], vector<16xf32>,
      %parallel_loop3A_171 = arith.constant 16 : i32
      %parallel_loop3A_172 = arith.muli %parallel_loop3A_152, %parallel_loop3A_171 : i32
      %parallel_loop3A_173 = arith.constant 1 : i32
      %parallel_loop3A_174 = arith.index_cast %parallel_loop3A_173 : i32 to index
      %parallel_loop3A_175 = arith.index_cast %parallel_loop3A_172 : i32 to index
      %parallel_loop3A_176 = tpu.vector_load %arg7[%parallel_loop3A_174, %parallel_loop3A_175] {strides = array<i32>} : memref<8x1024xf32, #tpu.memory_space<vmem>>, vector<16xf32>,
      tpu.vector_store %arg7[%parallel_loop3A_174, %parallel_loop3A_175], %parallel_loop3A_170 {strides = array<i32>} : memref<8x1024xf32, #tpu.memory_space<vmem>>, vector<16xf32>,
      %parallel_loop3A_177 = arith.constant 2 : i32
      %parallel_loop3A_178 = vector.broadcast %parallel_loop3A_177 : i32 to vector<16xi32>
      %parallel_loop3A_179 = tpu.vector_load_idx %arg6[%parallel_loop3A_158, %parallel_loop3A_178] : memref<1024x8xf32, #tpu.memory_space<vmem>>[vector<16xi32>, vector<16xi32>], vector<16xf32>,
      %parallel_loop3A_180 = arith.constant 16 : i32
      %parallel_loop3A_181 = arith.muli %parallel_loop3A_152, %parallel_loop3A_180 : i32
      %parallel_loop3A_182 = arith.constant 2 : i32
      %parallel_loop3A_183 = arith.index_cast %parallel_loop3A_182 : i32 to index
      %parallel_loop3A_184 = arith.index_cast %parallel_loop3A_181 : i32 to index
      %parallel_loop3A_185 = tpu.vector_load %arg7[%parallel_loop3A_183, %parallel_loop3A_184] {strides = array<i32>} : memref<8x1024xf32, #tpu.memory_space<vmem>>, vector<16xf32>,
      tpu.vector_store %arg7[%parallel_loop3A_183, %parallel_loop3A_184], %parallel_loop3A_179 {strides = array<i32>} : memref<8x1024xf32, #tpu.memory_space<vmem>>, vector<16xf32>,
      %parallel_loop3A_186 = arith.constant 3 : i32
      %parallel_loop3A_187 = vector.broadcast %parallel_loop3A_186 : i32 to vector<16xi32>
      %parallel_loop3A_188 = tpu.vector_load_idx %arg6[%parallel_loop3A_158, %parallel_loop3A_187] : memref<1024x8xf32, #tpu.memory_space<vmem>>[vector<16xi32>, vector<16xi32>], vector<16xf32>,
      %parallel_loop3A_189 = arith.constant 16 : i32
      %parallel_loop3A_190 = arith.muli %parallel_loop3A_152, %parallel_loop3A_189 : i32
      %parallel_loop3A_191 = arith.constant 3 : i32
      %parallel_loop3A_192 = arith.index_cast %parallel_loop3A_191 : i32 to index
      %parallel_loop3A_193 = arith.index_cast %parallel_loop3A_190 : i32 to index
      %parallel_loop3A_194 = tpu.vector_load %arg7[%parallel_loop3A_192, %parallel_loop3A_193] {strides = array<i32>} : memref<8x1024xf32, #tpu.memory_space<vmem>>, vector<16xf32>,
      tpu.vector_store %arg7[%parallel_loop3A_192, %parallel_loop3A_193], %parallel_loop3A_188 {strides = array<i32>} : memref<8x1024xf32, #tpu.memory_space<vmem>>, vector<16xf32>,
      %parallel_loop3A_195 = arith.constant 4 : i32
      %parallel_loop3A_196 = vector.broadcast %parallel_loop3A_195 : i32 to vector<16xi32>
      %parallel_loop3A_197 = tpu.vector_load_idx %arg6[%parallel_loop3A_158, %parallel_loop3A_196] : memref<1024x8xf32, #tpu.memory_space<vmem>>[vector<16xi32>, vector<16xi32>], vector<16xf32>,
      %parallel_loop3A_198 = arith.constant 16 : i32
      %parallel_loop3A_199 = arith.muli %parallel_loop3A_152, %parallel_loop3A_198 : i32
      %parallel_loop3A_200 = arith.constant 4 : i32
      %parallel_loop3A_201 = arith.index_cast %parallel_loop3A_200 : i32 to index
      %parallel_loop3A_202 = arith.index_cast %parallel_loop3A_199 : i32 to index
      %parallel_loop3A_203 = tpu.vector_load %arg7[%parallel_loop3A_201, %parallel_loop3A_202] {strides = array<i32>} : memref<8x1024xf32, #tpu.memory_space<vmem>>, vector<16xf32>,
      tpu.vector_store %arg7[%parallel_loop3A_201, %parallel_loop3A_202], %parallel_loop3A_197 {strides = array<i32>} : memref<8x1024xf32, #tpu.memory_space<vmem>>, vector<16xf32>,
      %parallel_loop3A_204 = arith.constant 5 : i32
      %parallel_loop3A_205 = vector.broadcast %parallel_loop3A_204 : i32 to vector<16xi32>
      %parallel_loop3A_206 = tpu.vector_load_idx %arg6[%parallel_loop3A_158, %parallel_loop3A_205] : memref<1024x8xf32, #tpu.memory_space<vmem>>[vector<16xi32>, vector<16xi32>], vector<16xf32>,
      %parallel_loop3A_207 = arith.constant 16 : i32
      %parallel_loop3A_208 = arith.muli %parallel_loop3A_152, %parallel_loop3A_207 : i32
      %parallel_loop3A_209 = arith.constant 5 : i32
      %parallel_loop3A_210 = arith.index_cast %parallel_loop3A_209 : i32 to index
      %parallel_loop3A_211 = arith.index_cast %parallel_loop3A_208 : i32 to index
      %parallel_loop3A_212 = tpu.vector_load %arg7[%parallel_loop3A_210, %parallel_loop3A_211] {strides = array<i32>} : memref<8x1024xf32, #tpu.memory_space<vmem>>, vector<16xf32>,
      tpu.vector_store %arg7[%parallel_loop3A_210, %parallel_loop3A_211], %parallel_loop3A_206 {strides = array<i32>} : memref<8x1024xf32, #tpu.memory_space<vmem>>, vector<16xf32>,
      %parallel_loop3A_213 = arith.constant 6 : i32
      %parallel_loop3A_214 = vector.broadcast %parallel_loop3A_213 : i32 to vector<16xi32>
      %parallel_loop3A_215 = tpu.vector_load_idx %arg6[%parallel_loop3A_158, %parallel_loop3A_214] : memref<1024x8xf32, #tpu.memory_space<vmem>>[vector<16xi32>, vector<16xi32>], vector<16xf32>,
      %parallel_loop3A_216 = arith.constant 16 : i32
      %parallel_loop3A_217 = arith.muli %parallel_loop3A_152, %parallel_loop3A_216 : i32
      %parallel_loop3A_218 = arith.constant 6 : i32
      %parallel_loop3A_219 = arith.index_cast %parallel_loop3A_218 : i32 to index
      %parallel_loop3A_220 = arith.index_cast %parallel_loop3A_217 : i32 to index
      %parallel_loop3A_221 = tpu.vector_load %arg7[%parallel_loop3A_219, %parallel_loop3A_220] {strides = array<i32>} : memref<8x1024xf32, #tpu.memory_space<vmem>>, vector<16xf32>,
      tpu.vector_store %arg7[%parallel_loop3A_219, %parallel_loop3A_220], %parallel_loop3A_215 {strides = array<i32>} : memref<8x1024xf32, #tpu.memory_space<vmem>>, vector<16xf32>,
      %parallel_loop3A_222 = arith.constant 7 : i32
      %parallel_loop3A_223 = vector.broadcast %parallel_loop3A_222 : i32 to vector<16xi32>
      %parallel_loop3A_224 = tpu.vector_load_idx %arg6[%parallel_loop3A_158, %parallel_loop3A_223] : memref<1024x8xf32, #tpu.memory_space<vmem>>[vector<16xi32>, vector<16xi32>], vector<16xf32>,
      %parallel_loop3A_225 = arith.constant 16 : i32
      %parallel_loop3A_226 = arith.muli %parallel_loop3A_152, %parallel_loop3A_225 : i32
      %parallel_loop3A_227 = arith.constant 7 : i32
      %parallel_loop3A_228 = arith.index_cast %parallel_loop3A_227 : i32 to index
      %parallel_loop3A_229 = arith.index_cast %parallel_loop3A_226 : i32 to index
      %parallel_loop3A_230 = tpu.vector_load %arg7[%parallel_loop3A_228, %parallel_loop3A_229] {strides = array<i32>} : memref<8x1024xf32, #tpu.memory_space<vmem>>, vector<16xf32>,
      tpu.vector_store %arg7[%parallel_loop3A_228, %parallel_loop3A_229], %parallel_loop3A_224 {strides = array<i32>} : memref<8x1024xf32, #tpu.memory_space<vmem>>, vector<16xf32>,
    } {sc.loop_unroll_factor = 8 : i64, sc.parallel_access}
    %mul3A_5 = arith.constant 8 : i32
    %mul3A_6 = arith.muli %add3A, %mul3A_5 : i32
    %dma_start3A = arith.constant 0 : i32
    %dma_start3A_7 = arith.constant 0 : i32
    %dma_start3A_8 = tpu.memref_slice %arg4[%dma_start3A, %mul3A_6, %dma_start3A_7] : memref<8x256x1024xf32, #tpu.memory_space<hbm>> -> memref<1x8x1024xf32, #tpu.memory_space<hbm>>
    %dma_start3A_9 = tpu.memref_squeeze %dma_start3A_8 : memref<1x8x1024xf32, #tpu.memory_space<hbm>> -> memref<8x1024xf32, #tpu.memory_space<hbm>>
    %dma_start3A_10 = arith.constant 0 : i32
    %dma_start3A_11 = tpu.memref_slice %arg4[%dma_start3A, %mul3A_6, %dma_start3A_10] : memref<8x256x1024xf32, #tpu.memory_space<hbm>> -> memref<1x8x1024xf32, #tpu.memory_space<hbm>>
    %dma_start3A_12 = tpu.memref_squeeze %dma_start3A_11 : memref<1x8x1024xf32, #tpu.memory_space<hbm>> -> memref<8x1024xf32, #tpu.memory_space<hbm>>
    tpu.enqueue_dma source(%arg7 : memref<8x1024xf32, #tpu.memory_space<vmem>>) target(%dma_start3A_12 : memref<8x1024xf32, #tpu.memory_space<hbm>>) target_semaphore(%arg9 : memref<!tpu.dma_semaphore, #tpu.memory_space<semaphore_mem>>)
    %parallel_loop3A_13 = arith.constant 0 : i32
    %parallel_loop3A_14 = arith.constant 64 : i32
    %parallel_loop3A_15 = arith.constant 1 : i32
    scf.for %parallel_loop3A_152 = %parallel_loop3A_13 to %parallel_loop3A_14 step %parallel_loop3A_15  : i32 {
      %parallel_loop3A_153 = arith.constant 16 : i32
      %parallel_loop3A_154 = arith.muli %parallel_loop3A_152, %parallel_loop3A_153 : i32
      %parallel_loop3A_155 = arith.constant 1024 : i32
      %parallel_loop3A_156 = arith.addi %parallel_loop3A_155, %parallel_loop3A_154 : i32
      %parallel_loop3A_157 = arith.index_cast %parallel_loop3A_156 : i32 to index
      %parallel_loop3A_158 = tpu.vector_load %arg5[%parallel_loop3A_157] {strides = array<i32>} : memref<8192xi32, #tpu.memory_space<vmem>>, vector<16xi32>,
      %parallel_loop3A_159 = arith.constant 0 : i32
      %parallel_loop3A_160 = vector.broadcast %parallel_loop3A_159 : i32 to vector<16xi32>
      %parallel_loop3A_161 = tpu.vector_load_idx %arg6[%parallel_loop3A_158, %parallel_loop3A_160] : memref<1024x8xf32, #tpu.memory_space<vmem>>[vector<16xi32>, vector<16xi32>], vector<16xf32>,
      %parallel_loop3A_162 = arith.constant 16 : i32
      %parallel_loop3A_163 = arith.muli %parallel_loop3A_152, %parallel_loop3A_162 : i32
      %parallel_loop3A_164 = arith.constant 0 : i32
      %parallel_loop3A_165 = arith.index_cast %parallel_loop3A_164 : i32 to index
      %parallel_loop3A_166 = arith.index_cast %parallel_loop3A_163 : i32 to index
      %parallel_loop3A_167 = tpu.vector_load %arg8[%parallel_loop3A_165, %parallel_loop3A_166] {strides = array<i32>} : memref<8x1024xf32, #tpu.memory_space<vmem>>, vector<16xf32>,
      tpu.vector_store %arg8[%parallel_loop3A_165, %parallel_loop3A_166], %parallel_loop3A_161 {strides = array<i32>} : memref<8x1024xf32, #tpu.memory_space<vmem>>, vector<16xf32>,
      %parallel_loop3A_168 = arith.constant 1 : i32
      %parallel_loop3A_169 = vector.broadcast %parallel_loop3A_168 : i32 to vector<16xi32>
      %parallel_loop3A_170 = tpu.vector_load_idx %arg6[%parallel_loop3A_158, %parallel_loop3A_169] : memref<1024x8xf32, #tpu.memory_space<vmem>>[vector<16xi32>, vector<16xi32>], vector<16xf32>,
      %parallel_loop3A_171 = arith.constant 16 : i32
      %parallel_loop3A_172 = arith.muli %parallel_loop3A_152, %parallel_loop3A_171 : i32
      %parallel_loop3A_173 = arith.constant 1 : i32
      %parallel_loop3A_174 = arith.index_cast %parallel_loop3A_173 : i32 to index
      %parallel_loop3A_175 = arith.index_cast %parallel_loop3A_172 : i32 to index
      %parallel_loop3A_176 = tpu.vector_load %arg8[%parallel_loop3A_174, %parallel_loop3A_175] {strides = array<i32>} : memref<8x1024xf32, #tpu.memory_space<vmem>>, vector<16xf32>,
      tpu.vector_store %arg8[%parallel_loop3A_174, %parallel_loop3A_175], %parallel_loop3A_170 {strides = array<i32>} : memref<8x1024xf32, #tpu.memory_space<vmem>>, vector<16xf32>,
      %parallel_loop3A_177 = arith.constant 2 : i32
      %parallel_loop3A_178 = vector.broadcast %parallel_loop3A_177 : i32 to vector<16xi32>
      %parallel_loop3A_179 = tpu.vector_load_idx %arg6[%parallel_loop3A_158, %parallel_loop3A_178] : memref<1024x8xf32, #tpu.memory_space<vmem>>[vector<16xi32>, vector<16xi32>], vector<16xf32>,
      %parallel_loop3A_180 = arith.constant 16 : i32
      %parallel_loop3A_181 = arith.muli %parallel_loop3A_152, %parallel_loop3A_180 : i32
      %parallel_loop3A_182 = arith.constant 2 : i32
      %parallel_loop3A_183 = arith.index_cast %parallel_loop3A_182 : i32 to index
      %parallel_loop3A_184 = arith.index_cast %parallel_loop3A_181 : i32 to index
      %parallel_loop3A_185 = tpu.vector_load %arg8[%parallel_loop3A_183, %parallel_loop3A_184] {strides = array<i32>} : memref<8x1024xf32, #tpu.memory_space<vmem>>, vector<16xf32>,
      tpu.vector_store %arg8[%parallel_loop3A_183, %parallel_loop3A_184], %parallel_loop3A_179 {strides = array<i32>} : memref<8x1024xf32, #tpu.memory_space<vmem>>, vector<16xf32>,
      %parallel_loop3A_186 = arith.constant 3 : i32
      %parallel_loop3A_187 = vector.broadcast %parallel_loop3A_186 : i32 to vector<16xi32>
      %parallel_loop3A_188 = tpu.vector_load_idx %arg6[%parallel_loop3A_158, %parallel_loop3A_187] : memref<1024x8xf32, #tpu.memory_space<vmem>>[vector<16xi32>, vector<16xi32>], vector<16xf32>,
      %parallel_loop3A_189 = arith.constant 16 : i32
      %parallel_loop3A_190 = arith.muli %parallel_loop3A_152, %parallel_loop3A_189 : i32
      %parallel_loop3A_191 = arith.constant 3 : i32
      %parallel_loop3A_192 = arith.index_cast %parallel_loop3A_191 : i32 to index
      %parallel_loop3A_193 = arith.index_cast %parallel_loop3A_190 : i32 to index
      %parallel_loop3A_194 = tpu.vector_load %arg8[%parallel_loop3A_192, %parallel_loop3A_193] {strides = array<i32>} : memref<8x1024xf32, #tpu.memory_space<vmem>>, vector<16xf32>,
      tpu.vector_store %arg8[%parallel_loop3A_192, %parallel_loop3A_193], %parallel_loop3A_188 {strides = array<i32>} : memref<8x1024xf32, #tpu.memory_space<vmem>>, vector<16xf32>,
      %parallel_loop3A_195 = arith.constant 4 : i32
      %parallel_loop3A_196 = vector.broadcast %parallel_loop3A_195 : i32 to vector<16xi32>
      %parallel_loop3A_197 = tpu.vector_load_idx %arg6[%parallel_loop3A_158, %parallel_loop3A_196] : memref<1024x8xf32, #tpu.memory_space<vmem>>[vector<16xi32>, vector<16xi32>], vector<16xf32>,
      %parallel_loop3A_198 = arith.constant 16 : i32
      %parallel_loop3A_199 = arith.muli %parallel_loop3A_152, %parallel_loop3A_198 : i32
      %parallel_loop3A_200 = arith.constant 4 : i32
      %parallel_loop3A_201 = arith.index_cast %parallel_loop3A_200 : i32 to index
      %parallel_loop3A_202 = arith.index_cast %parallel_loop3A_199 : i32 to index
      %parallel_loop3A_203 = tpu.vector_load %arg8[%parallel_loop3A_201, %parallel_loop3A_202] {strides = array<i32>} : memref<8x1024xf32, #tpu.memory_space<vmem>>, vector<16xf32>,
      tpu.vector_store %arg8[%parallel_loop3A_201, %parallel_loop3A_202], %parallel_loop3A_197 {strides = array<i32>} : memref<8x1024xf32, #tpu.memory_space<vmem>>, vector<16xf32>,
      %parallel_loop3A_204 = arith.constant 5 : i32
      %parallel_loop3A_205 = vector.broadcast %parallel_loop3A_204 : i32 to vector<16xi32>
      %parallel_loop3A_206 = tpu.vector_load_idx %arg6[%parallel_loop3A_158, %parallel_loop3A_205] : memref<1024x8xf32, #tpu.memory_space<vmem>>[vector<16xi32>, vector<16xi32>], vector<16xf32>,
      %parallel_loop3A_207 = arith.constant 16 : i32
      %parallel_loop3A_208 = arith.muli %parallel_loop3A_152, %parallel_loop3A_207 : i32
      %parallel_loop3A_209 = arith.constant 5 : i32
      %parallel_loop3A_210 = arith.index_cast %parallel_loop3A_209 : i32 to index
      %parallel_loop3A_211 = arith.index_cast %parallel_loop3A_208 : i32 to index
      %parallel_loop3A_212 = tpu.vector_load %arg8[%parallel_loop3A_210, %parallel_loop3A_211] {strides = array<i32>} : memref<8x1024xf32, #tpu.memory_space<vmem>>, vector<16xf32>,
      tpu.vector_store %arg8[%parallel_loop3A_210, %parallel_loop3A_211], %parallel_loop3A_206 {strides = array<i32>} : memref<8x1024xf32, #tpu.memory_space<vmem>>, vector<16xf32>,
      %parallel_loop3A_213 = arith.constant 6 : i32
      %parallel_loop3A_214 = vector.broadcast %parallel_loop3A_213 : i32 to vector<16xi32>
      %parallel_loop3A_215 = tpu.vector_load_idx %arg6[%parallel_loop3A_158, %parallel_loop3A_214] : memref<1024x8xf32, #tpu.memory_space<vmem>>[vector<16xi32>, vector<16xi32>], vector<16xf32>,
      %parallel_loop3A_216 = arith.constant 16 : i32
      %parallel_loop3A_217 = arith.muli %parallel_loop3A_152, %parallel_loop3A_216 : i32
      %parallel_loop3A_218 = arith.constant 6 : i32
      %parallel_loop3A_219 = arith.index_cast %parallel_loop3A_218 : i32 to index
      %parallel_loop3A_220 = arith.index_cast %parallel_loop3A_217 : i32 to index
      %parallel_loop3A_221 = tpu.vector_load %arg8[%parallel_loop3A_219, %parallel_loop3A_220] {strides = array<i32>} : memref<8x1024xf32, #tpu.memory_space<vmem>>, vector<16xf32>,
      tpu.vector_store %arg8[%parallel_loop3A_219, %parallel_loop3A_220], %parallel_loop3A_215 {strides = array<i32>} : memref<8x1024xf32, #tpu.memory_space<vmem>>, vector<16xf32>,
      %parallel_loop3A_222 = arith.constant 7 : i32
      %parallel_loop3A_223 = vector.broadcast %parallel_loop3A_222 : i32 to vector<16xi32>
      %parallel_loop3A_224 = tpu.vector_load_idx %arg6[%parallel_loop3A_158, %parallel_loop3A_223] : memref<1024x8xf32, #tpu.memory_space<vmem>>[vector<16xi32>, vector<16xi32>], vector<16xf32>,
      %parallel_loop3A_225 = arith.constant 16 : i32
      %parallel_loop3A_226 = arith.muli %parallel_loop3A_152, %parallel_loop3A_225 : i32
      %parallel_loop3A_227 = arith.constant 7 : i32
      %parallel_loop3A_228 = arith.index_cast %parallel_loop3A_227 : i32 to index
      %parallel_loop3A_229 = arith.index_cast %parallel_loop3A_226 : i32 to index
      %parallel_loop3A_230 = tpu.vector_load %arg8[%parallel_loop3A_228, %parallel_loop3A_229] {strides = array<i32>} : memref<8x1024xf32, #tpu.memory_space<vmem>>, vector<16xf32>,
      tpu.vector_store %arg8[%parallel_loop3A_228, %parallel_loop3A_229], %parallel_loop3A_224 {strides = array<i32>} : memref<8x1024xf32, #tpu.memory_space<vmem>>, vector<16xf32>,
    } {sc.loop_unroll_factor = 8 : i64, sc.parallel_access}
    %mul3A_16 = arith.constant 8 : i32
    %mul3A_17 = arith.muli %add3A, %mul3A_16 : i32
    %dma_start3A_18 = arith.constant 1 : i32
    %dma_start3A_19 = arith.constant 0 : i32
    %dma_start3A_20 = tpu.memref_slice %arg4[%dma_start3A_18, %mul3A_17, %dma_start3A_19] : memref<8x256x1024xf32, #tpu.memory_space<hbm>> -> memref<1x8x1024xf32, #tpu.memory_space<hbm>>
    %dma_start3A_21 = tpu.memref_squeeze %dma_start3A_20 : memref<1x8x1024xf32, #tpu.memory_space<hbm>> -> memref<8x1024xf32, #tpu.memory_space<hbm>>
    %dma_start3A_22 = arith.constant 0 : i32
    %dma_start3A_23 = tpu.memref_slice %arg4[%dma_start3A_18, %mul3A_17, %dma_start3A_22] : memref<8x256x1024xf32, #tpu.memory_space<hbm>> -> memref<1x8x1024xf32, #tpu.memory_space<hbm>>
    %dma_start3A_24 = tpu.memref_squeeze %dma_start3A_23 : memref<1x8x1024xf32, #tpu.memory_space<hbm>> -> memref<8x1024xf32, #tpu.memory_space<hbm>>
    tpu.enqueue_dma source(%arg8 : memref<8x1024xf32, #tpu.memory_space<vmem>>) target(%dma_start3A_24 : memref<8x1024xf32, #tpu.memory_space<hbm>>) target_semaphore(%arg10 : memref<!tpu.dma_semaphore, #tpu.memory_space<semaphore_mem>>)
    %dma_wait3A = arith.constant 0 : i32
    %dma_wait3A_25 = arith.constant 0 : i32
    %dma_wait3A_26 = tpu.memref_slice %arg4[%dma_wait3A, %mul3A_6, %dma_wait3A_25] : memref<8x256x1024xf32, #tpu.memory_space<hbm>> -> memref<1x8x1024xf32, #tpu.memory_space<hbm>>
    %dma_wait3A_27 = tpu.memref_squeeze %dma_wait3A_26 : memref<1x8x1024xf32, #tpu.memory_space<hbm>> -> memref<8x1024xf32, #tpu.memory_space<hbm>>
    %dma_wait3A_28 = arith.constant 0 : i32
    %dma_wait3A_29 = tpu.memref_slice %arg4[%dma_wait3A, %mul3A_6, %dma_wait3A_28] : memref<8x256x1024xf32, #tpu.memory_space<hbm>> -> memref<1x8x1024xf32, #tpu.memory_space<hbm>>
    %dma_wait3A_30 = tpu.memref_squeeze %dma_wait3A_29 : memref<1x8x1024xf32, #tpu.memory_space<hbm>> -> memref<8x1024xf32, #tpu.memory_space<hbm>>
    tpu.wait_dma2 semaphore(%arg9 : memref<!tpu.dma_semaphore, #tpu.memory_space<semaphore_mem>>) src(%arg7 : memref<8x1024xf32, #tpu.memory_space<vmem>>) dst(%dma_wait3A_30 : memref<8x1024xf32, #tpu.memory_space<hbm>>)
    %parallel_loop3A_31 = arith.constant 0 : i32
    %parallel_loop3A_32 = arith.constant 64 : i32
    %parallel_loop3A_33 = arith.constant 1 : i32
    scf.for %parallel_loop3A_152 = %parallel_loop3A_31 to %parallel_loop3A_32 step %parallel_loop3A_33  : i32 {
      %parallel_loop3A_153 = arith.constant 16 : i32
      %parallel_loop3A_154 = arith.muli %parallel_loop3A_152, %parallel_loop3A_153 : i32
      %parallel_loop3A_155 = arith.constant 2048 : i32
      %parallel_loop3A_156 = arith.addi %parallel_loop3A_155, %parallel_loop3A_154 : i32
      %parallel_loop3A_157 = arith.index_cast %parallel_loop3A_156 : i32 to index
      %parallel_loop3A_158 = tpu.vector_load %arg5[%parallel_loop3A_157] {strides = array<i32>} : memref<8192xi32, #tpu.memory_space<vmem>>, vector<16xi32>,
      %parallel_loop3A_159 = arith.constant 0 : i32
      %parallel_loop3A_160 = vector.broadcast %parallel_loop3A_159 : i32 to vector<16xi32>
      %parallel_loop3A_161 = tpu.vector_load_idx %arg6[%parallel_loop3A_158, %parallel_loop3A_160] : memref<1024x8xf32, #tpu.memory_space<vmem>>[vector<16xi32>, vector<16xi32>], vector<16xf32>,
      %parallel_loop3A_162 = arith.constant 16 : i32
      %parallel_loop3A_163 = arith.muli %parallel_loop3A_152, %parallel_loop3A_162 : i32
      %parallel_loop3A_164 = arith.constant 0 : i32
      %parallel_loop3A_165 = arith.index_cast %parallel_loop3A_164 : i32 to index
      %parallel_loop3A_166 = arith.index_cast %parallel_loop3A_163 : i32 to index
      %parallel_loop3A_167 = tpu.vector_load %arg7[%parallel_loop3A_165, %parallel_loop3A_166] {strides = array<i32>} : memref<8x1024xf32, #tpu.memory_space<vmem>>, vector<16xf32>,
      tpu.vector_store %arg7[%parallel_loop3A_165, %parallel_loop3A_166], %parallel_loop3A_161 {strides = array<i32>} : memref<8x1024xf32, #tpu.memory_space<vmem>>, vector<16xf32>,
      %parallel_loop3A_168 = arith.constant 1 : i32
      %parallel_loop3A_169 = vector.broadcast %parallel_loop3A_168 : i32 to vector<16xi32>
      %parallel_loop3A_170 = tpu.vector_load_idx %arg6[%parallel_loop3A_158, %parallel_loop3A_169] : memref<1024x8xf32, #tpu.memory_space<vmem>>[vector<16xi32>, vector<16xi32>], vector<16xf32>,
      %parallel_loop3A_171 = arith.constant 16 : i32
      %parallel_loop3A_172 = arith.muli %parallel_loop3A_152, %parallel_loop3A_171 : i32
      %parallel_loop3A_173 = arith.constant 1 : i32
      %parallel_loop3A_174 = arith.index_cast %parallel_loop3A_173 : i32 to index
      %parallel_loop3A_175 = arith.index_cast %parallel_loop3A_172 : i32 to index
      %parallel_loop3A_176 = tpu.vector_load %arg7[%parallel_loop3A_174, %parallel_loop3A_175] {strides = array<i32>} : memref<8x1024xf32, #tpu.memory_space<vmem>>, vector<16xf32>,
      tpu.vector_store %arg7[%parallel_loop3A_174, %parallel_loop3A_175], %parallel_loop3A_170 {strides = array<i32>} : memref<8x1024xf32, #tpu.memory_space<vmem>>, vector<16xf32>,
      %parallel_loop3A_177 = arith.constant 2 : i32
      %parallel_loop3A_178 = vector.broadcast %parallel_loop3A_177 : i32 to vector<16xi32>
      %parallel_loop3A_179 = tpu.vector_load_idx %arg6[%parallel_loop3A_158, %parallel_loop3A_178] : memref<1024x8xf32, #tpu.memory_space<vmem>>[vector<16xi32>, vector<16xi32>], vector<16xf32>,
      %parallel_loop3A_180 = arith.constant 16 : i32
      %parallel_loop3A_181 = arith.muli %parallel_loop3A_152, %parallel_loop3A_180 : i32
      %parallel_loop3A_182 = arith.constant 2 : i32
      %parallel_loop3A_183 = arith.index_cast %parallel_loop3A_182 : i32 to index
      %parallel_loop3A_184 = arith.index_cast %parallel_loop3A_181 : i32 to index
      %parallel_loop3A_185 = tpu.vector_load %arg7[%parallel_loop3A_183, %parallel_loop3A_184] {strides = array<i32>} : memref<8x1024xf32, #tpu.memory_space<vmem>>, vector<16xf32>,
      tpu.vector_store %arg7[%parallel_loop3A_183, %parallel_loop3A_184], %parallel_loop3A_179 {strides = array<i32>} : memref<8x1024xf32, #tpu.memory_space<vmem>>, vector<16xf32>,
      %parallel_loop3A_186 = arith.constant 3 : i32
      %parallel_loop3A_187 = vector.broadcast %parallel_loop3A_186 : i32 to vector<16xi32>
      %parallel_loop3A_188 = tpu.vector_load_idx %arg6[%parallel_loop3A_158, %parallel_loop3A_187] : memref<1024x8xf32, #tpu.memory_space<vmem>>[vector<16xi32>, vector<16xi32>], vector<16xf32>,
      %parallel_loop3A_189 = arith.constant 16 : i32
      %parallel_loop3A_190 = arith.muli %parallel_loop3A_152, %parallel_loop3A_189 : i32
      %parallel_loop3A_191 = arith.constant 3 : i32
      %parallel_loop3A_192 = arith.index_cast %parallel_loop3A_191 : i32 to index
      %parallel_loop3A_193 = arith.index_cast %parallel_loop3A_190 : i32 to index
      %parallel_loop3A_194 = tpu.vector_load %arg7[%parallel_loop3A_192, %parallel_loop3A_193] {strides = array<i32>} : memref<8x1024xf32, #tpu.memory_space<vmem>>, vector<16xf32>,
      tpu.vector_store %arg7[%parallel_loop3A_192, %parallel_loop3A_193], %parallel_loop3A_188 {strides = array<i32>} : memref<8x1024xf32, #tpu.memory_space<vmem>>, vector<16xf32>,
      %parallel_loop3A_195 = arith.constant 4 : i32
      %parallel_loop3A_196 = vector.broadcast %parallel_loop3A_195 : i32 to vector<16xi32>
      %parallel_loop3A_197 = tpu.vector_load_idx %arg6[%parallel_loop3A_158, %parallel_loop3A_196] : memref<1024x8xf32, #tpu.memory_space<vmem>>[vector<16xi32>, vector<16xi32>], vector<16xf32>,
      %parallel_loop3A_198 = arith.constant 16 : i32
      %parallel_loop3A_199 = arith.muli %parallel_loop3A_152, %parallel_loop3A_198 : i32
      %parallel_loop3A_200 = arith.constant 4 : i32
      %parallel_loop3A_201 = arith.index_cast %parallel_loop3A_200 : i32 to index
      %parallel_loop3A_202 = arith.index_cast %parallel_loop3A_199 : i32 to index
      %parallel_loop3A_203 = tpu.vector_load %arg7[%parallel_loop3A_201, %parallel_loop3A_202] {strides = array<i32>} : memref<8x1024xf32, #tpu.memory_space<vmem>>, vector<16xf32>,
      tpu.vector_store %arg7[%parallel_loop3A_201, %parallel_loop3A_202], %parallel_loop3A_197 {strides = array<i32>} : memref<8x1024xf32, #tpu.memory_space<vmem>>, vector<16xf32>,
      %parallel_loop3A_204 = arith.constant 5 : i32
      %parallel_loop3A_205 = vector.broadcast %parallel_loop3A_204 : i32 to vector<16xi32>
      %parallel_loop3A_206 = tpu.vector_load_idx %arg6[%parallel_loop3A_158, %parallel_loop3A_205] : memref<1024x8xf32, #tpu.memory_space<vmem>>[vector<16xi32>, vector<16xi32>], vector<16xf32>,
      %parallel_loop3A_207 = arith.constant 16 : i32
      %parallel_loop3A_208 = arith.muli %parallel_loop3A_152, %parallel_loop3A_207 : i32
      %parallel_loop3A_209 = arith.constant 5 : i32
      %parallel_loop3A_210 = arith.index_cast %parallel_loop3A_209 : i32 to index
      %parallel_loop3A_211 = arith.index_cast %parallel_loop3A_208 : i32 to index
      %parallel_loop3A_212 = tpu.vector_load %arg7[%parallel_loop3A_210, %parallel_loop3A_211] {strides = array<i32>} : memref<8x1024xf32, #tpu.memory_space<vmem>>, vector<16xf32>,
      tpu.vector_store %arg7[%parallel_loop3A_210, %parallel_loop3A_211], %parallel_loop3A_206 {strides = array<i32>} : memref<8x1024xf32, #tpu.memory_space<vmem>>, vector<16xf32>,
      %parallel_loop3A_213 = arith.constant 6 : i32
      %parallel_loop3A_214 = vector.broadcast %parallel_loop3A_213 : i32 to vector<16xi32>
      %parallel_loop3A_215 = tpu.vector_load_idx %arg6[%parallel_loop3A_158, %parallel_loop3A_214] : memref<1024x8xf32, #tpu.memory_space<vmem>>[vector<16xi32>, vector<16xi32>], vector<16xf32>,
      %parallel_loop3A_216 = arith.constant 16 : i32
      %parallel_loop3A_217 = arith.muli %parallel_loop3A_152, %parallel_loop3A_216 : i32
      %parallel_loop3A_218 = arith.constant 6 : i32
      %parallel_loop3A_219 = arith.index_cast %parallel_loop3A_218 : i32 to index
      %parallel_loop3A_220 = arith.index_cast %parallel_loop3A_217 : i32 to index
      %parallel_loop3A_221 = tpu.vector_load %arg7[%parallel_loop3A_219, %parallel_loop3A_220] {strides = array<i32>} : memref<8x1024xf32, #tpu.memory_space<vmem>>, vector<16xf32>,
      tpu.vector_store %arg7[%parallel_loop3A_219, %parallel_loop3A_220], %parallel_loop3A_215 {strides = array<i32>} : memref<8x1024xf32, #tpu.memory_space<vmem>>, vector<16xf32>,
      %parallel_loop3A_222 = arith.constant 7 : i32
      %parallel_loop3A_223 = vector.broadcast %parallel_loop3A_222 : i32 to vector<16xi32>
      %parallel_loop3A_224 = tpu.vector_load_idx %arg6[%parallel_loop3A_158, %parallel_loop3A_223] : memref<1024x8xf32, #tpu.memory_space<vmem>>[vector<16xi32>, vector<16xi32>], vector<16xf32>,
      %parallel_loop3A_225 = arith.constant 16 : i32
      %parallel_loop3A_226 = arith.muli %parallel_loop3A_152, %parallel_loop3A_225 : i32
      %parallel_loop3A_227 = arith.constant 7 : i32
      %parallel_loop3A_228 = arith.index_cast %parallel_loop3A_227 : i32 to index
      %parallel_loop3A_229 = arith.index_cast %parallel_loop3A_226 : i32 to index
      %parallel_loop3A_230 = tpu.vector_load %arg7[%parallel_loop3A_228, %parallel_loop3A_229] {strides = array<i32>} : memref<8x1024xf32, #tpu.memory_space<vmem>>, vector<16xf32>,
      tpu.vector_store %arg7[%parallel_loop3A_228, %parallel_loop3A_229], %parallel_loop3A_224 {strides = array<i32>} : memref<8x1024xf32, #tpu.memory_space<vmem>>, vector<16xf32>,
    } {sc.loop_unroll_factor = 8 : i64, sc.parallel_access}
    %mul3A_34 = arith.constant 8 : i32
    %mul3A_35 = arith.muli %add3A, %mul3A_34 : i32
    %dma_start3A_36 = arith.constant 2 : i32
    %dma_start3A_37 = arith.constant 0 : i32
    %dma_start3A_38 = tpu.memref_slice %arg4[%dma_start3A_36, %mul3A_35, %dma_start3A_37] : memref<8x256x1024xf32, #tpu.memory_space<hbm>> -> memref<1x8x1024xf32, #tpu.memory_space<hbm>>
    %dma_start3A_39 = tpu.memref_squeeze %dma_start3A_38 : memref<1x8x1024xf32, #tpu.memory_space<hbm>> -> memref<8x1024xf32, #tpu.memory_space<hbm>>
    %dma_start3A_40 = arith.constant 0 : i32
    %dma_start3A_41 = tpu.memref_slice %arg4[%dma_start3A_36, %mul3A_35, %dma_start3A_40] : memref<8x256x1024xf32, #tpu.memory_space<hbm>> -> memref<1x8x1024xf32, #tpu.memory_space<hbm>>
    %dma_start3A_42 = tpu.memref_squeeze %dma_start3A_41 : memref<1x8x1024xf32, #tpu.memory_space<hbm>> -> memref<8x1024xf32, #tpu.memory_space<hbm>>
    tpu.enqueue_dma source(%arg7 : memref<8x1024xf32, #tpu.memory_space<vmem>>) target(%dma_start3A_42 : memref<8x1024xf32, #tpu.memory_space<hbm>>) target_semaphore(%arg9 : memref<!tpu.dma_semaphore, #tpu.memory_space<semaphore_mem>>)
    %dma_wait3A_43 = arith.constant 1 : i32
    %dma_wait3A_44 = arith.constant 0 : i32
    %dma_wait3A_45 = tpu.memref_slice %arg4[%dma_wait3A_43, %mul3A_17, %dma_wait3A_44] : memref<8x256x1024xf32, #tpu.memory_space<hbm>> -> memref<1x8x1024xf32, #tpu.memory_space<hbm>>
    %dma_wait3A_46 = tpu.memref_squeeze %dma_wait3A_45 : memref<1x8x1024xf32, #tpu.memory_space<hbm>> -> memref<8x1024xf32, #tpu.memory_space<hbm>>
    %dma_wait3A_47 = arith.constant 0 : i32
    %dma_wait3A_48 = tpu.memref_slice %arg4[%dma_wait3A_43, %mul3A_17, %dma_wait3A_47] : memref<8x256x1024xf32, #tpu.memory_space<hbm>> -> memref<1x8x1024xf32, #tpu.memory_space<hbm>>
    %dma_wait3A_49 = tpu.memref_squeeze %dma_wait3A_48 : memref<1x8x1024xf32, #tpu.memory_space<hbm>> -> memref<8x1024xf32, #tpu.memory_space<hbm>>
    tpu.wait_dma2 semaphore(%arg10 : memref<!tpu.dma_semaphore, #tpu.memory_space<semaphore_mem>>) src(%arg8 : memref<8x1024xf32, #tpu.memory_space<vmem>>) dst(%dma_wait3A_49 : memref<8x1024xf32, #tpu.memory_space<hbm>>)
    %parallel_loop3A_50 = arith.constant 0 : i32
    %parallel_loop3A_51 = arith.constant 64 : i32
    %parallel_loop3A_52 = arith.constant 1 : i32
    scf.for %parallel_loop3A_152 = %parallel_loop3A_50 to %parallel_loop3A_51 step %parallel_loop3A_52  : i32 {
      %parallel_loop3A_153 = arith.constant 16 : i32
      %parallel_loop3A_154 = arith.muli %parallel_loop3A_152, %parallel_loop3A_153 : i32
      %parallel_loop3A_155 = arith.constant 3072 : i32
      %parallel_loop3A_156 = arith.addi %parallel_loop3A_155, %parallel_loop3A_154 : i32
      %parallel_loop3A_157 = arith.index_cast %parallel_loop3A_156 : i32 to index
      %parallel_loop3A_158 = tpu.vector_load %arg5[%parallel_loop3A_157] {strides = array<i32>} : memref<8192xi32, #tpu.memory_space<vmem>>, vector<16xi32>,
      %parallel_loop3A_159 = arith.constant 0 : i32
      %parallel_loop3A_160 = vector.broadcast %parallel_loop3A_159 : i32 to vector<16xi32>
      %parallel_loop3A_161 = tpu.vector_load_idx %arg6[%parallel_loop3A_158, %parallel_loop3A_160] : memref<1024x8xf32, #tpu.memory_space<vmem>>[vector<16xi32>, vector<16xi32>], vector<16xf32>,
      %parallel_loop3A_162 = arith.constant 16 : i32
      %parallel_loop3A_163 = arith.muli %parallel_loop3A_152, %parallel_loop3A_162 : i32
      %parallel_loop3A_164 = arith.constant 0 : i32
      %parallel_loop3A_165 = arith.index_cast %parallel_loop3A_164 : i32 to index
      %parallel_loop3A_166 = arith.index_cast %parallel_loop3A_163 : i32 to index
      %parallel_loop3A_167 = tpu.vector_load %arg8[%parallel_loop3A_165, %parallel_loop3A_166] {strides = array<i32>} : memref<8x1024xf32, #tpu.memory_space<vmem>>, vector<16xf32>,
      tpu.vector_store %arg8[%parallel_loop3A_165, %parallel_loop3A_166], %parallel_loop3A_161 {strides = array<i32>} : memref<8x1024xf32, #tpu.memory_space<vmem>>, vector<16xf32>,
      %parallel_loop3A_168 = arith.constant 1 : i32
      %parallel_loop3A_169 = vector.broadcast %parallel_loop3A_168 : i32 to vector<16xi32>
      %parallel_loop3A_170 = tpu.vector_load_idx %arg6[%parallel_loop3A_158, %parallel_loop3A_169] : memref<1024x8xf32, #tpu.memory_space<vmem>>[vector<16xi32>, vector<16xi32>], vector<16xf32>,
      %parallel_loop3A_171 = arith.constant 16 : i32
      %parallel_loop3A_172 = arith.muli %parallel_loop3A_152, %parallel_loop3A_171 : i32
      %parallel_loop3A_173 = arith.constant 1 : i32
      %parallel_loop3A_174 = arith.index_cast %parallel_loop3A_173 : i32 to index
      %parallel_loop3A_175 = arith.index_cast %parallel_loop3A_172 : i32 to index
      %parallel_loop3A_176 = tpu.vector_load %arg8[%parallel_loop3A_174, %parallel_loop3A_175] {strides = array<i32>} : memref<8x1024xf32, #tpu.memory_space<vmem>>, vector<16xf32>,
      tpu.vector_store %arg8[%parallel_loop3A_174, %parallel_loop3A_175], %parallel_loop3A_170 {strides = array<i32>} : memref<8x1024xf32, #tpu.memory_space<vmem>>, vector<16xf32>,
      %parallel_loop3A_177 = arith.constant 2 : i32
      %parallel_loop3A_178 = vector.broadcast %parallel_loop3A_177 : i32 to vector<16xi32>
      %parallel_loop3A_179 = tpu.vector_load_idx %arg6[%parallel_loop3A_158, %parallel_loop3A_178] : memref<1024x8xf32, #tpu.memory_space<vmem>>[vector<16xi32>, vector<16xi32>], vector<16xf32>,
      %parallel_loop3A_180 = arith.constant 16 : i32
      %parallel_loop3A_181 = arith.muli %parallel_loop3A_152, %parallel_loop3A_180 : i32
      %parallel_loop3A_182 = arith.constant 2 : i32
      %parallel_loop3A_183 = arith.index_cast %parallel_loop3A_182 : i32 to index
      %parallel_loop3A_184 = arith.index_cast %parallel_loop3A_181 : i32 to index
      %parallel_loop3A_185 = tpu.vector_load %arg8[%parallel_loop3A_183, %parallel_loop3A_184] {strides = array<i32>} : memref<8x1024xf32, #tpu.memory_space<vmem>>, vector<16xf32>,
      tpu.vector_store %arg8[%parallel_loop3A_183, %parallel_loop3A_184], %parallel_loop3A_179 {strides = array<i32>} : memref<8x1024xf32, #tpu.memory_space<vmem>>, vector<16xf32>,
      %parallel_loop3A_186 = arith.constant 3 : i32
      %parallel_loop3A_187 = vector.broadcast %parallel_loop3A_186 : i32 to vector<16xi32>
      %parallel_loop3A_188 = tpu.vector_load_idx %arg6[%parallel_loop3A_158, %parallel_loop3A_187] : memref<1024x8xf32, #tpu.memory_space<vmem>>[vector<16xi32>, vector<16xi32>], vector<16xf32>,
      %parallel_loop3A_189 = arith.constant 16 : i32
      %parallel_loop3A_190 = arith.muli %parallel_loop3A_152, %parallel_loop3A_189 : i32
      %parallel_loop3A_191 = arith.constant 3 : i32
      %parallel_loop3A_192 = arith.index_cast %parallel_loop3A_191 : i32 to index
      %parallel_loop3A_193 = arith.index_cast %parallel_loop3A_190 : i32 to index
      %parallel_loop3A_194 = tpu.vector_load %arg8[%parallel_loop3A_192, %parallel_loop3A_193] {strides = array<i32>} : memref<8x1024xf32, #tpu.memory_space<vmem>>, vector<16xf32>,
      tpu.vector_store %arg8[%parallel_loop3A_192, %parallel_loop3A_193], %parallel_loop3A_188 {strides = array<i32>} : memref<8x1024xf32, #tpu.memory_space<vmem>>, vector<16xf32>,
      %parallel_loop3A_195 = arith.constant 4 : i32
      %parallel_loop3A_196 = vector.broadcast %parallel_loop3A_195 : i32 to vector<16xi32>
      %parallel_loop3A_197 = tpu.vector_load_idx %arg6[%parallel_loop3A_158, %parallel_loop3A_196] : memref<1024x8xf32, #tpu.memory_space<vmem>>[vector<16xi32>, vector<16xi32>], vector<16xf32>,
      %parallel_loop3A_198 = arith.constant 16 : i32
      %parallel_loop3A_199 = arith.muli %parallel_loop3A_152, %parallel_loop3A_198 : i32
      %parallel_loop3A_200 = arith.constant 4 : i32
      %parallel_loop3A_201 = arith.index_cast %parallel_loop3A_200 : i32 to index
      %parallel_loop3A_202 = arith.index_cast %parallel_loop3A_199 : i32 to index
      %parallel_loop3A_203 = tpu.vector_load %arg8[%parallel_loop3A_201, %parallel_loop3A_202] {strides = array<i32>} : memref<8x1024xf32, #tpu.memory_space<vmem>>, vector<16xf32>,
      tpu.vector_store %arg8[%parallel_loop3A_201, %parallel_loop3A_202], %parallel_loop3A_197 {strides = array<i32>} : memref<8x1024xf32, #tpu.memory_space<vmem>>, vector<16xf32>,
      %parallel_loop3A_204 = arith.constant 5 : i32
      %parallel_loop3A_205 = vector.broadcast %parallel_loop3A_204 : i32 to vector<16xi32>
      %parallel_loop3A_206 = tpu.vector_load_idx %arg6[%parallel_loop3A_158, %parallel_loop3A_205] : memref<1024x8xf32, #tpu.memory_space<vmem>>[vector<16xi32>, vector<16xi32>], vector<16xf32>,
      %parallel_loop3A_207 = arith.constant 16 : i32
      %parallel_loop3A_208 = arith.muli %parallel_loop3A_152, %parallel_loop3A_207 : i32
      %parallel_loop3A_209 = arith.constant 5 : i32
      %parallel_loop3A_210 = arith.index_cast %parallel_loop3A_209 : i32 to index
      %parallel_loop3A_211 = arith.index_cast %parallel_loop3A_208 : i32 to index
      %parallel_loop3A_212 = tpu.vector_load %arg8[%parallel_loop3A_210, %parallel_loop3A_211] {strides = array<i32>} : memref<8x1024xf32, #tpu.memory_space<vmem>>, vector<16xf32>,
      tpu.vector_store %arg8[%parallel_loop3A_210, %parallel_loop3A_211], %parallel_loop3A_206 {strides = array<i32>} : memref<8x1024xf32, #tpu.memory_space<vmem>>, vector<16xf32>,
      %parallel_loop3A_213 = arith.constant 6 : i32
      %parallel_loop3A_214 = vector.broadcast %parallel_loop3A_213 : i32 to vector<16xi32>
      %parallel_loop3A_215 = tpu.vector_load_idx %arg6[%parallel_loop3A_158, %parallel_loop3A_214] : memref<1024x8xf32, #tpu.memory_space<vmem>>[vector<16xi32>, vector<16xi32>], vector<16xf32>,
      %parallel_loop3A_216 = arith.constant 16 : i32
      %parallel_loop3A_217 = arith.muli %parallel_loop3A_152, %parallel_loop3A_216 : i32
      %parallel_loop3A_218 = arith.constant 6 : i32
      %parallel_loop3A_219 = arith.index_cast %parallel_loop3A_218 : i32 to index
      %parallel_loop3A_220 = arith.index_cast %parallel_loop3A_217 : i32 to index
      %parallel_loop3A_221 = tpu.vector_load %arg8[%parallel_loop3A_219, %parallel_loop3A_220] {strides = array<i32>} : memref<8x1024xf32, #tpu.memory_space<vmem>>, vector<16xf32>,
      tpu.vector_store %arg8[%parallel_loop3A_219, %parallel_loop3A_220], %parallel_loop3A_215 {strides = array<i32>} : memref<8x1024xf32, #tpu.memory_space<vmem>>, vector<16xf32>,
      %parallel_loop3A_222 = arith.constant 7 : i32
      %parallel_loop3A_223 = vector.broadcast %parallel_loop3A_222 : i32 to vector<16xi32>
      %parallel_loop3A_224 = tpu.vector_load_idx %arg6[%parallel_loop3A_158, %parallel_loop3A_223] : memref<1024x8xf32, #tpu.memory_space<vmem>>[vector<16xi32>, vector<16xi32>], vector<16xf32>,
      %parallel_loop3A_225 = arith.constant 16 : i32
      %parallel_loop3A_226 = arith.muli %parallel_loop3A_152, %parallel_loop3A_225 : i32
      %parallel_loop3A_227 = arith.constant 7 : i32
      %parallel_loop3A_228 = arith.index_cast %parallel_loop3A_227 : i32 to index
      %parallel_loop3A_229 = arith.index_cast %parallel_loop3A_226 : i32 to index
      %parallel_loop3A_230 = tpu.vector_load %arg8[%parallel_loop3A_228, %parallel_loop3A_229] {strides = array<i32>} : memref<8x1024xf32, #tpu.memory_space<vmem>>, vector<16xf32>,
      tpu.vector_store %arg8[%parallel_loop3A_228, %parallel_loop3A_229], %parallel_loop3A_224 {strides = array<i32>} : memref<8x1024xf32, #tpu.memory_space<vmem>>, vector<16xf32>,
    } {sc.loop_unroll_factor = 8 : i64, sc.parallel_access}
    %mul3A_53 = arith.constant 8 : i32
    %mul3A_54 = arith.muli %add3A, %mul3A_53 : i32
    %dma_start3A_55 = arith.constant 3 : i32
    %dma_start3A_56 = arith.constant 0 : i32
    %dma_start3A_57 = tpu.memref_slice %arg4[%dma_start3A_55, %mul3A_54, %dma_start3A_56] : memref<8x256x1024xf32, #tpu.memory_space<hbm>> -> memref<1x8x1024xf32, #tpu.memory_space<hbm>>
    %dma_start3A_58 = tpu.memref_squeeze %dma_start3A_57 : memref<1x8x1024xf32, #tpu.memory_space<hbm>> -> memref<8x1024xf32, #tpu.memory_space<hbm>>
    %dma_start3A_59 = arith.constant 0 : i32
    %dma_start3A_60 = tpu.memref_slice %arg4[%dma_start3A_55, %mul3A_54, %dma_start3A_59] : memref<8x256x1024xf32, #tpu.memory_space<hbm>> -> memref<1x8x1024xf32, #tpu.memory_space<hbm>>
    %dma_start3A_61 = tpu.memref_squeeze %dma_start3A_60 : memref<1x8x1024xf32, #tpu.memory_space<hbm>> -> memref<8x1024xf32, #tpu.memory_space<hbm>>
    tpu.enqueue_dma source(%arg8 : memref<8x1024xf32, #tpu.memory_space<vmem>>) target(%dma_start3A_61 : memref<8x1024xf32, #tpu.memory_space<hbm>>) target_semaphore(%arg10 : memref<!tpu.dma_semaphore, #tpu.memory_space<semaphore_mem>>)
    %dma_wait3A_62 = arith.constant 2 : i32
    %dma_wait3A_63 = arith.constant 0 : i32
    %dma_wait3A_64 = tpu.memref_slice %arg4[%dma_wait3A_62, %mul3A_35, %dma_wait3A_63] : memref<8x256x1024xf32, #tpu.memory_space<hbm>> -> memref<1x8x1024xf32, #tpu.memory_space<hbm>>
    %dma_wait3A_65 = tpu.memref_squeeze %dma_wait3A_64 : memref<1x8x1024xf32, #tpu.memory_space<hbm>> -> memref<8x1024xf32, #tpu.memory_space<hbm>>
    %dma_wait3A_66 = arith.constant 0 : i32
    %dma_wait3A_67 = tpu.memref_slice %arg4[%dma_wait3A_62, %mul3A_35, %dma_wait3A_66] : memref<8x256x1024xf32, #tpu.memory_space<hbm>> -> memref<1x8x1024xf32, #tpu.memory_space<hbm>>
    %dma_wait3A_68 = tpu.memref_squeeze %dma_wait3A_67 : memref<1x8x1024xf32, #tpu.memory_space<hbm>> -> memref<8x1024xf32, #tpu.memory_space<hbm>>
    tpu.wait_dma2 semaphore(%arg9 : memref<!tpu.dma_semaphore, #tpu.memory_space<semaphore_mem>>) src(%arg7 : memref<8x1024xf32, #tpu.memory_space<vmem>>) dst(%dma_wait3A_68 : memref<8x1024xf32, #tpu.memory_space<hbm>>)
    %parallel_loop3A_69 = arith.constant 0 : i32
    %parallel_loop3A_70 = arith.constant 64 : i32
    %parallel_loop3A_71 = arith.constant 1 : i32
    scf.for %parallel_loop3A_152 = %parallel_loop3A_69 to %parallel_loop3A_70 step %parallel_loop3A_71  : i32 {
      %parallel_loop3A_153 = arith.constant 16 : i32
      %parallel_loop3A_154 = arith.muli %parallel_loop3A_152, %parallel_loop3A_153 : i32
      %parallel_loop3A_155 = arith.constant 4096 : i32
      %parallel_loop3A_156 = arith.addi %parallel_loop3A_155, %parallel_loop3A_154 : i32
      %parallel_loop3A_157 = arith.index_cast %parallel_loop3A_156 : i32 to index
      %parallel_loop3A_158 = tpu.vector_load %arg5[%parallel_loop3A_157] {strides = array<i32>} : memref<8192xi32, #tpu.memory_space<vmem>>, vector<16xi32>,
      %parallel_loop3A_159 = arith.constant 0 : i32
      %parallel_loop3A_160 = vector.broadcast %parallel_loop3A_159 : i32 to vector<16xi32>
      %parallel_loop3A_161 = tpu.vector_load_idx %arg6[%parallel_loop3A_158, %parallel_loop3A_160] : memref<1024x8xf32, #tpu.memory_space<vmem>>[vector<16xi32>, vector<16xi32>], vector<16xf32>,
      %parallel_loop3A_162 = arith.constant 16 : i32
      %parallel_loop3A_163 = arith.muli %parallel_loop3A_152, %parallel_loop3A_162 : i32
      %parallel_loop3A_164 = arith.constant 0 : i32
      %parallel_loop3A_165 = arith.index_cast %parallel_loop3A_164 : i32 to index
      %parallel_loop3A_166 = arith.index_cast %parallel_loop3A_163 : i32 to index
      %parallel_loop3A_167 = tpu.vector_load %arg7[%parallel_loop3A_165, %parallel_loop3A_166] {strides = array<i32>} : memref<8x1024xf32, #tpu.memory_space<vmem>>, vector<16xf32>,
      tpu.vector_store %arg7[%parallel_loop3A_165, %parallel_loop3A_166], %parallel_loop3A_161 {strides = array<i32>} : memref<8x1024xf32, #tpu.memory_space<vmem>>, vector<16xf32>,
      %parallel_loop3A_168 = arith.constant 1 : i32
      %parallel_loop3A_169 = vector.broadcast %parallel_loop3A_168 : i32 to vector<16xi32>
      %parallel_loop3A_170 = tpu.vector_load_idx %arg6[%parallel_loop3A_158, %parallel_loop3A_169] : memref<1024x8xf32, #tpu.memory_space<vmem>>[vector<16xi32>, vector<16xi32>], vector<16xf32>,
      %parallel_loop3A_171 = arith.constant 16 : i32
      %parallel_loop3A_172 = arith.muli %parallel_loop3A_152, %parallel_loop3A_171 : i32
      %parallel_loop3A_173 = arith.constant 1 : i32
      %parallel_loop3A_174 = arith.index_cast %parallel_loop3A_173 : i32 to index
      %parallel_loop3A_175 = arith.index_cast %parallel_loop3A_172 : i32 to index
      %parallel_loop3A_176 = tpu.vector_load %arg7[%parallel_loop3A_174, %parallel_loop3A_175] {strides = array<i32>} : memref<8x1024xf32, #tpu.memory_space<vmem>>, vector<16xf32>,
      tpu.vector_store %arg7[%parallel_loop3A_174, %parallel_loop3A_175], %parallel_loop3A_170 {strides = array<i32>} : memref<8x1024xf32, #tpu.memory_space<vmem>>, vector<16xf32>,
      %parallel_loop3A_177 = arith.constant 2 : i32
      %parallel_loop3A_178 = vector.broadcast %parallel_loop3A_177 : i32 to vector<16xi32>
      %parallel_loop3A_179 = tpu.vector_load_idx %arg6[%parallel_loop3A_158, %parallel_loop3A_178] : memref<1024x8xf32, #tpu.memory_space<vmem>>[vector<16xi32>, vector<16xi32>], vector<16xf32>,
      %parallel_loop3A_180 = arith.constant 16 : i32
      %parallel_loop3A_181 = arith.muli %parallel_loop3A_152, %parallel_loop3A_180 : i32
      %parallel_loop3A_182 = arith.constant 2 : i32
      %parallel_loop3A_183 = arith.index_cast %parallel_loop3A_182 : i32 to index
      %parallel_loop3A_184 = arith.index_cast %parallel_loop3A_181 : i32 to index
      %parallel_loop3A_185 = tpu.vector_load %arg7[%parallel_loop3A_183, %parallel_loop3A_184] {strides = array<i32>} : memref<8x1024xf32, #tpu.memory_space<vmem>>, vector<16xf32>,
      tpu.vector_store %arg7[%parallel_loop3A_183, %parallel_loop3A_184], %parallel_loop3A_179 {strides = array<i32>} : memref<8x1024xf32, #tpu.memory_space<vmem>>, vector<16xf32>,
      %parallel_loop3A_186 = arith.constant 3 : i32
      %parallel_loop3A_187 = vector.broadcast %parallel_loop3A_186 : i32 to vector<16xi32>
      %parallel_loop3A_188 = tpu.vector_load_idx %arg6[%parallel_loop3A_158, %parallel_loop3A_187] : memref<1024x8xf32, #tpu.memory_space<vmem>>[vector<16xi32>, vector<16xi32>], vector<16xf32>,
      %parallel_loop3A_189 = arith.constant 16 : i32
      %parallel_loop3A_190 = arith.muli %parallel_loop3A_152, %parallel_loop3A_189 : i32
      %parallel_loop3A_191 = arith.constant 3 : i32
      %parallel_loop3A_192 = arith.index_cast %parallel_loop3A_191 : i32 to index
      %parallel_loop3A_193 = arith.index_cast %parallel_loop3A_190 : i32 to index
      %parallel_loop3A_194 = tpu.vector_load %arg7[%parallel_loop3A_192, %parallel_loop3A_193] {strides = array<i32>} : memref<8x1024xf32, #tpu.memory_space<vmem>>, vector<16xf32>,
      tpu.vector_store %arg7[%parallel_loop3A_192, %parallel_loop3A_193], %parallel_loop3A_188 {strides = array<i32>} : memref<8x1024xf32, #tpu.memory_space<vmem>>, vector<16xf32>,
      %parallel_loop3A_195 = arith.constant 4 : i32
      %parallel_loop3A_196 = vector.broadcast %parallel_loop3A_195 : i32 to vector<16xi32>
      %parallel_loop3A_197 = tpu.vector_load_idx %arg6[%parallel_loop3A_158, %parallel_loop3A_196] : memref<1024x8xf32, #tpu.memory_space<vmem>>[vector<16xi32>, vector<16xi32>], vector<16xf32>,
      %parallel_loop3A_198 = arith.constant 16 : i32
      %parallel_loop3A_199 = arith.muli %parallel_loop3A_152, %parallel_loop3A_198 : i32
      %parallel_loop3A_200 = arith.constant 4 : i32
      %parallel_loop3A_201 = arith.index_cast %parallel_loop3A_200 : i32 to index
      %parallel_loop3A_202 = arith.index_cast %parallel_loop3A_199 : i32 to index
      %parallel_loop3A_203 = tpu.vector_load %arg7[%parallel_loop3A_201, %parallel_loop3A_202] {strides = array<i32>} : memref<8x1024xf32, #tpu.memory_space<vmem>>, vector<16xf32>,
      tpu.vector_store %arg7[%parallel_loop3A_201, %parallel_loop3A_202], %parallel_loop3A_197 {strides = array<i32>} : memref<8x1024xf32, #tpu.memory_space<vmem>>, vector<16xf32>,
      %parallel_loop3A_204 = arith.constant 5 : i32
      %parallel_loop3A_205 = vector.broadcast %parallel_loop3A_204 : i32 to vector<16xi32>
      %parallel_loop3A_206 = tpu.vector_load_idx %arg6[%parallel_loop3A_158, %parallel_loop3A_205] : memref<1024x8xf32, #tpu.memory_space<vmem>>[vector<16xi32>, vector<16xi32>], vector<16xf32>,
      %parallel_loop3A_207 = arith.constant 16 : i32
      %parallel_loop3A_208 = arith.muli %parallel_loop3A_152, %parallel_loop3A_207 : i32
      %parallel_loop3A_209 = arith.constant 5 : i32
      %parallel_loop3A_210 = arith.index_cast %parallel_loop3A_209 : i32 to index
      %parallel_loop3A_211 = arith.index_cast %parallel_loop3A_208 : i32 to index
      %parallel_loop3A_212 = tpu.vector_load %arg7[%parallel_loop3A_210, %parallel_loop3A_211] {strides = array<i32>} : memref<8x1024xf32, #tpu.memory_space<vmem>>, vector<16xf32>,
      tpu.vector_store %arg7[%parallel_loop3A_210, %parallel_loop3A_211], %parallel_loop3A_206 {strides = array<i32>} : memref<8x1024xf32, #tpu.memory_space<vmem>>, vector<16xf32>,
      %parallel_loop3A_213 = arith.constant 6 : i32
      %parallel_loop3A_214 = vector.broadcast %parallel_loop3A_213 : i32 to vector<16xi32>
      %parallel_loop3A_215 = tpu.vector_load_idx %arg6[%parallel_loop3A_158, %parallel_loop3A_214] : memref<1024x8xf32, #tpu.memory_space<vmem>>[vector<16xi32>, vector<16xi32>], vector<16xf32>,
      %parallel_loop3A_216 = arith.constant 16 : i32
      %parallel_loop3A_217 = arith.muli %parallel_loop3A_152, %parallel_loop3A_216 : i32
      %parallel_loop3A_218 = arith.constant 6 : i32
      %parallel_loop3A_219 = arith.index_cast %parallel_loop3A_218 : i32 to index
      %parallel_loop3A_220 = arith.index_cast %parallel_loop3A_217 : i32 to index
      %parallel_loop3A_221 = tpu.vector_load %arg7[%parallel_loop3A_219, %parallel_loop3A_220] {strides = array<i32>} : memref<8x1024xf32, #tpu.memory_space<vmem>>, vector<16xf32>,
      tpu.vector_store %arg7[%parallel_loop3A_219, %parallel_loop3A_220], %parallel_loop3A_215 {strides = array<i32>} : memref<8x1024xf32, #tpu.memory_space<vmem>>, vector<16xf32>,
      %parallel_loop3A_222 = arith.constant 7 : i32
      %parallel_loop3A_223 = vector.broadcast %parallel_loop3A_222 : i32 to vector<16xi32>
      %parallel_loop3A_224 = tpu.vector_load_idx %arg6[%parallel_loop3A_158, %parallel_loop3A_223] : memref<1024x8xf32, #tpu.memory_space<vmem>>[vector<16xi32>, vector<16xi32>], vector<16xf32>,
      %parallel_loop3A_225 = arith.constant 16 : i32
      %parallel_loop3A_226 = arith.muli %parallel_loop3A_152, %parallel_loop3A_225 : i32
      %parallel_loop3A_227 = arith.constant 7 : i32
      %parallel_loop3A_228 = arith.index_cast %parallel_loop3A_227 : i32 to index
      %parallel_loop3A_229 = arith.index_cast %parallel_loop3A_226 : i32 to index
      %parallel_loop3A_230 = tpu.vector_load %arg7[%parallel_loop3A_228, %parallel_loop3A_229] {strides = array<i32>} : memref<8x1024xf32, #tpu.memory_space<vmem>>, vector<16xf32>,
      tpu.vector_store %arg7[%parallel_loop3A_228, %parallel_loop3A_229], %parallel_loop3A_224 {strides = array<i32>} : memref<8x1024xf32, #tpu.memory_space<vmem>>, vector<16xf32>,
    } {sc.loop_unroll_factor = 8 : i64, sc.parallel_access}
    %mul3A_72 = arith.constant 8 : i32
    %mul3A_73 = arith.muli %add3A, %mul3A_72 : i32
    %dma_start3A_74 = arith.constant 4 : i32
    %dma_start3A_75 = arith.constant 0 : i32
    %dma_start3A_76 = tpu.memref_slice %arg4[%dma_start3A_74, %mul3A_73, %dma_start3A_75] : memref<8x256x1024xf32, #tpu.memory_space<hbm>> -> memref<1x8x1024xf32, #tpu.memory_space<hbm>>
    %dma_start3A_77 = tpu.memref_squeeze %dma_start3A_76 : memref<1x8x1024xf32, #tpu.memory_space<hbm>> -> memref<8x1024xf32, #tpu.memory_space<hbm>>
    %dma_start3A_78 = arith.constant 0 : i32
    %dma_start3A_79 = tpu.memref_slice %arg4[%dma_start3A_74, %mul3A_73, %dma_start3A_78] : memref<8x256x1024xf32, #tpu.memory_space<hbm>> -> memref<1x8x1024xf32, #tpu.memory_space<hbm>>
    %dma_start3A_80 = tpu.memref_squeeze %dma_start3A_79 : memref<1x8x1024xf32, #tpu.memory_space<hbm>> -> memref<8x1024xf32, #tpu.memory_space<hbm>>
    tpu.enqueue_dma source(%arg7 : memref<8x1024xf32, #tpu.memory_space<vmem>>) target(%dma_start3A_80 : memref<8x1024xf32, #tpu.memory_space<hbm>>) target_semaphore(%arg9 : memref<!tpu.dma_semaphore, #tpu.memory_space<semaphore_mem>>)
    %dma_wait3A_81 = arith.constant 3 : i32
    %dma_wait3A_82 = arith.constant 0 : i32
    %dma_wait3A_83 = tpu.memref_slice %arg4[%dma_wait3A_81, %mul3A_54, %dma_wait3A_82] : memref<8x256x1024xf32, #tpu.memory_space<hbm>> -> memref<1x8x1024xf32, #tpu.memory_space<hbm>>
    %dma_wait3A_84 = tpu.memref_squeeze %dma_wait3A_83 : memref<1x8x1024xf32, #tpu.memory_space<hbm>> -> memref<8x1024xf32, #tpu.memory_space<hbm>>
    %dma_wait3A_85 = arith.constant 0 : i32
    %dma_wait3A_86 = tpu.memref_slice %arg4[%dma_wait3A_81, %mul3A_54, %dma_wait3A_85] : memref<8x256x1024xf32, #tpu.memory_space<hbm>> -> memref<1x8x1024xf32, #tpu.memory_space<hbm>>
    %dma_wait3A_87 = tpu.memref_squeeze %dma_wait3A_86 : memref<1x8x1024xf32, #tpu.memory_space<hbm>> -> memref<8x1024xf32, #tpu.memory_space<hbm>>
    tpu.wait_dma2 semaphore(%arg10 : memref<!tpu.dma_semaphore, #tpu.memory_space<semaphore_mem>>) src(%arg8 : memref<8x1024xf32, #tpu.memory_space<vmem>>) dst(%dma_wait3A_87 : memref<8x1024xf32, #tpu.memory_space<hbm>>)
    %parallel_loop3A_88 = arith.constant 0 : i32
    %parallel_loop3A_89 = arith.constant 64 : i32
    %parallel_loop3A_90 = arith.constant 1 : i32
    scf.for %parallel_loop3A_152 = %parallel_loop3A_88 to %parallel_loop3A_89 step %parallel_loop3A_90  : i32 {
      %parallel_loop3A_153 = arith.constant 16 : i32
      %parallel_loop3A_154 = arith.muli %parallel_loop3A_152, %parallel_loop3A_153 : i32
      %parallel_loop3A_155 = arith.constant 5120 : i32
      %parallel_loop3A_156 = arith.addi %parallel_loop3A_155, %parallel_loop3A_154 : i32
      %parallel_loop3A_157 = arith.index_cast %parallel_loop3A_156 : i32 to index
      %parallel_loop3A_158 = tpu.vector_load %arg5[%parallel_loop3A_157] {strides = array<i32>} : memref<8192xi32, #tpu.memory_space<vmem>>, vector<16xi32>,
      %parallel_loop3A_159 = arith.constant 0 : i32
      %parallel_loop3A_160 = vector.broadcast %parallel_loop3A_159 : i32 to vector<16xi32>
      %parallel_loop3A_161 = tpu.vector_load_idx %arg6[%parallel_loop3A_158, %parallel_loop3A_160] : memref<1024x8xf32, #tpu.memory_space<vmem>>[vector<16xi32>, vector<16xi32>], vector<16xf32>,
      %parallel_loop3A_162 = arith.constant 16 : i32
      %parallel_loop3A_163 = arith.muli %parallel_loop3A_152, %parallel_loop3A_162 : i32
      %parallel_loop3A_164 = arith.constant 0 : i32
      %parallel_loop3A_165 = arith.index_cast %parallel_loop3A_164 : i32 to index
      %parallel_loop3A_166 = arith.index_cast %parallel_loop3A_163 : i32 to index
      %parallel_loop3A_167 = tpu.vector_load %arg8[%parallel_loop3A_165, %parallel_loop3A_166] {strides = array<i32>} : memref<8x1024xf32, #tpu.memory_space<vmem>>, vector<16xf32>,
      tpu.vector_store %arg8[%parallel_loop3A_165, %parallel_loop3A_166], %parallel_loop3A_161 {strides = array<i32>} : memref<8x1024xf32, #tpu.memory_space<vmem>>, vector<16xf32>,
      %parallel_loop3A_168 = arith.constant 1 : i32
      %parallel_loop3A_169 = vector.broadcast %parallel_loop3A_168 : i32 to vector<16xi32>
      %parallel_loop3A_170 = tpu.vector_load_idx %arg6[%parallel_loop3A_158, %parallel_loop3A_169] : memref<1024x8xf32, #tpu.memory_space<vmem>>[vector<16xi32>, vector<16xi32>], vector<16xf32>,
      %parallel_loop3A_171 = arith.constant 16 : i32
      %parallel_loop3A_172 = arith.muli %parallel_loop3A_152, %parallel_loop3A_171 : i32
      %parallel_loop3A_173 = arith.constant 1 : i32
      %parallel_loop3A_174 = arith.index_cast %parallel_loop3A_173 : i32 to index
      %parallel_loop3A_175 = arith.index_cast %parallel_loop3A_172 : i32 to index
      %parallel_loop3A_176 = tpu.vector_load %arg8[%parallel_loop3A_174, %parallel_loop3A_175] {strides = array<i32>} : memref<8x1024xf32, #tpu.memory_space<vmem>>, vector<16xf32>,
      tpu.vector_store %arg8[%parallel_loop3A_174, %parallel_loop3A_175], %parallel_loop3A_170 {strides = array<i32>} : memref<8x1024xf32, #tpu.memory_space<vmem>>, vector<16xf32>,
      %parallel_loop3A_177 = arith.constant 2 : i32
      %parallel_loop3A_178 = vector.broadcast %parallel_loop3A_177 : i32 to vector<16xi32>
      %parallel_loop3A_179 = tpu.vector_load_idx %arg6[%parallel_loop3A_158, %parallel_loop3A_178] : memref<1024x8xf32, #tpu.memory_space<vmem>>[vector<16xi32>, vector<16xi32>], vector<16xf32>,
      %parallel_loop3A_180 = arith.constant 16 : i32
      %parallel_loop3A_181 = arith.muli %parallel_loop3A_152, %parallel_loop3A_180 : i32
      %parallel_loop3A_182 = arith.constant 2 : i32
      %parallel_loop3A_183 = arith.index_cast %parallel_loop3A_182 : i32 to index
      %parallel_loop3A_184 = arith.index_cast %parallel_loop3A_181 : i32 to index
      %parallel_loop3A_185 = tpu.vector_load %arg8[%parallel_loop3A_183, %parallel_loop3A_184] {strides = array<i32>} : memref<8x1024xf32, #tpu.memory_space<vmem>>, vector<16xf32>,
      tpu.vector_store %arg8[%parallel_loop3A_183, %parallel_loop3A_184], %parallel_loop3A_179 {strides = array<i32>} : memref<8x1024xf32, #tpu.memory_space<vmem>>, vector<16xf32>,
      %parallel_loop3A_186 = arith.constant 3 : i32
      %parallel_loop3A_187 = vector.broadcast %parallel_loop3A_186 : i32 to vector<16xi32>
      %parallel_loop3A_188 = tpu.vector_load_idx %arg6[%parallel_loop3A_158, %parallel_loop3A_187] : memref<1024x8xf32, #tpu.memory_space<vmem>>[vector<16xi32>, vector<16xi32>], vector<16xf32>,
      %parallel_loop3A_189 = arith.constant 16 : i32
      %parallel_loop3A_190 = arith.muli %parallel_loop3A_152, %parallel_loop3A_189 : i32
      %parallel_loop3A_191 = arith.constant 3 : i32
      %parallel_loop3A_192 = arith.index_cast %parallel_loop3A_191 : i32 to index
      %parallel_loop3A_193 = arith.index_cast %parallel_loop3A_190 : i32 to index
      %parallel_loop3A_194 = tpu.vector_load %arg8[%parallel_loop3A_192, %parallel_loop3A_193] {strides = array<i32>} : memref<8x1024xf32, #tpu.memory_space<vmem>>, vector<16xf32>,
      tpu.vector_store %arg8[%parallel_loop3A_192, %parallel_loop3A_193], %parallel_loop3A_188 {strides = array<i32>} : memref<8x1024xf32, #tpu.memory_space<vmem>>, vector<16xf32>,
      %parallel_loop3A_195 = arith.constant 4 : i32
      %parallel_loop3A_196 = vector.broadcast %parallel_loop3A_195 : i32 to vector<16xi32>
      %parallel_loop3A_197 = tpu.vector_load_idx %arg6[%parallel_loop3A_158, %parallel_loop3A_196] : memref<1024x8xf32, #tpu.memory_space<vmem>>[vector<16xi32>, vector<16xi32>], vector<16xf32>,
      %parallel_loop3A_198 = arith.constant 16 : i32
      %parallel_loop3A_199 = arith.muli %parallel_loop3A_152, %parallel_loop3A_198 : i32
      %parallel_loop3A_200 = arith.constant 4 : i32
      %parallel_loop3A_201 = arith.index_cast %parallel_loop3A_200 : i32 to index
      %parallel_loop3A_202 = arith.index_cast %parallel_loop3A_199 : i32 to index
      %parallel_loop3A_203 = tpu.vector_load %arg8[%parallel_loop3A_201, %parallel_loop3A_202] {strides = array<i32>} : memref<8x1024xf32, #tpu.memory_space<vmem>>, vector<16xf32>,
      tpu.vector_store %arg8[%parallel_loop3A_201, %parallel_loop3A_202], %parallel_loop3A_197 {strides = array<i32>} : memref<8x1024xf32, #tpu.memory_space<vmem>>, vector<16xf32>,
      %parallel_loop3A_204 = arith.constant 5 : i32
      %parallel_loop3A_205 = vector.broadcast %parallel_loop3A_204 : i32 to vector<16xi32>
      %parallel_loop3A_206 = tpu.vector_load_idx %arg6[%parallel_loop3A_158, %parallel_loop3A_205] : memref<1024x8xf32, #tpu.memory_space<vmem>>[vector<16xi32>, vector<16xi32>], vector<16xf32>,
      %parallel_loop3A_207 = arith.constant 16 : i32
      %parallel_loop3A_208 = arith.muli %parallel_loop3A_152, %parallel_loop3A_207 : i32
      %parallel_loop3A_209 = arith.constant 5 : i32
      %parallel_loop3A_210 = arith.index_cast %parallel_loop3A_209 : i32 to index
      %parallel_loop3A_211 = arith.index_cast %parallel_loop3A_208 : i32 to index
      %parallel_loop3A_212 = tpu.vector_load %arg8[%parallel_loop3A_210, %parallel_loop3A_211] {strides = array<i32>} : memref<8x1024xf32, #tpu.memory_space<vmem>>, vector<16xf32>,
      tpu.vector_store %arg8[%parallel_loop3A_210, %parallel_loop3A_211], %parallel_loop3A_206 {strides = array<i32>} : memref<8x1024xf32, #tpu.memory_space<vmem>>, vector<16xf32>,
      %parallel_loop3A_213 = arith.constant 6 : i32
      %parallel_loop3A_214 = vector.broadcast %parallel_loop3A_213 : i32 to vector<16xi32>
      %parallel_loop3A_215 = tpu.vector_load_idx %arg6[%parallel_loop3A_158, %parallel_loop3A_214] : memref<1024x8xf32, #tpu.memory_space<vmem>>[vector<16xi32>, vector<16xi32>], vector<16xf32>,
      %parallel_loop3A_216 = arith.constant 16 : i32
      %parallel_loop3A_217 = arith.muli %parallel_loop3A_152, %parallel_loop3A_216 : i32
      %parallel_loop3A_218 = arith.constant 6 : i32
      %parallel_loop3A_219 = arith.index_cast %parallel_loop3A_218 : i32 to index
      %parallel_loop3A_220 = arith.index_cast %parallel_loop3A_217 : i32 to index
      %parallel_loop3A_221 = tpu.vector_load %arg8[%parallel_loop3A_219, %parallel_loop3A_220] {strides = array<i32>} : memref<8x1024xf32, #tpu.memory_space<vmem>>, vector<16xf32>,
      tpu.vector_store %arg8[%parallel_loop3A_219, %parallel_loop3A_220], %parallel_loop3A_215 {strides = array<i32>} : memref<8x1024xf32, #tpu.memory_space<vmem>>, vector<16xf32>,
      %parallel_loop3A_222 = arith.constant 7 : i32
      %parallel_loop3A_223 = vector.broadcast %parallel_loop3A_222 : i32 to vector<16xi32>
      %parallel_loop3A_224 = tpu.vector_load_idx %arg6[%parallel_loop3A_158, %parallel_loop3A_223] : memref<1024x8xf32, #tpu.memory_space<vmem>>[vector<16xi32>, vector<16xi32>], vector<16xf32>,
      %parallel_loop3A_225 = arith.constant 16 : i32
      %parallel_loop3A_226 = arith.muli %parallel_loop3A_152, %parallel_loop3A_225 : i32
      %parallel_loop3A_227 = arith.constant 7 : i32
      %parallel_loop3A_228 = arith.index_cast %parallel_loop3A_227 : i32 to index
      %parallel_loop3A_229 = arith.index_cast %parallel_loop3A_226 : i32 to index
      %parallel_loop3A_230 = tpu.vector_load %arg8[%parallel_loop3A_228, %parallel_loop3A_229] {strides = array<i32>} : memref<8x1024xf32, #tpu.memory_space<vmem>>, vector<16xf32>,
      tpu.vector_store %arg8[%parallel_loop3A_228, %parallel_loop3A_229], %parallel_loop3A_224 {strides = array<i32>} : memref<8x1024xf32, #tpu.memory_space<vmem>>, vector<16xf32>,
    } {sc.loop_unroll_factor = 8 : i64, sc.parallel_access}
    %mul3A_91 = arith.constant 8 : i32
    %mul3A_92 = arith.muli %add3A, %mul3A_91 : i32
    %dma_start3A_93 = arith.constant 5 : i32
    %dma_start3A_94 = arith.constant 0 : i32
    %dma_start3A_95 = tpu.memref_slice %arg4[%dma_start3A_93, %mul3A_92, %dma_start3A_94] : memref<8x256x1024xf32, #tpu.memory_space<hbm>> -> memref<1x8x1024xf32, #tpu.memory_space<hbm>>
    %dma_start3A_96 = tpu.memref_squeeze %dma_start3A_95 : memref<1x8x1024xf32, #tpu.memory_space<hbm>> -> memref<8x1024xf32, #tpu.memory_space<hbm>>
    %dma_start3A_97 = arith.constant 0 : i32
    %dma_start3A_98 = tpu.memref_slice %arg4[%dma_start3A_93, %mul3A_92, %dma_start3A_97] : memref<8x256x1024xf32, #tpu.memory_space<hbm>> -> memref<1x8x1024xf32, #tpu.memory_space<hbm>>
    %dma_start3A_99 = tpu.memref_squeeze %dma_start3A_98 : memref<1x8x1024xf32, #tpu.memory_space<hbm>> -> memref<8x1024xf32, #tpu.memory_space<hbm>>
    tpu.enqueue_dma source(%arg8 : memref<8x1024xf32, #tpu.memory_space<vmem>>) target(%dma_start3A_99 : memref<8x1024xf32, #tpu.memory_space<hbm>>) target_semaphore(%arg10 : memref<!tpu.dma_semaphore, #tpu.memory_space<semaphore_mem>>)
    %dma_wait3A_100 = arith.constant 4 : i32
    %dma_wait3A_101 = arith.constant 0 : i32
    %dma_wait3A_102 = tpu.memref_slice %arg4[%dma_wait3A_100, %mul3A_73, %dma_wait3A_101] : memref<8x256x1024xf32, #tpu.memory_space<hbm>> -> memref<1x8x1024xf32, #tpu.memory_space<hbm>>
    %dma_wait3A_103 = tpu.memref_squeeze %dma_wait3A_102 : memref<1x8x1024xf32, #tpu.memory_space<hbm>> -> memref<8x1024xf32, #tpu.memory_space<hbm>>
    %dma_wait3A_104 = arith.constant 0 : i32
    %dma_wait3A_105 = tpu.memref_slice %arg4[%dma_wait3A_100, %mul3A_73, %dma_wait3A_104] : memref<8x256x1024xf32, #tpu.memory_space<hbm>> -> memref<1x8x1024xf32, #tpu.memory_space<hbm>>
    %dma_wait3A_106 = tpu.memref_squeeze %dma_wait3A_105 : memref<1x8x1024xf32, #tpu.memory_space<hbm>> -> memref<8x1024xf32, #tpu.memory_space<hbm>>
    tpu.wait_dma2 semaphore(%arg9 : memref<!tpu.dma_semaphore, #tpu.memory_space<semaphore_mem>>) src(%arg7 : memref<8x1024xf32, #tpu.memory_space<vmem>>) dst(%dma_wait3A_106 : memref<8x1024xf32, #tpu.memory_space<hbm>>)
    %parallel_loop3A_107 = arith.constant 0 : i32
    %parallel_loop3A_108 = arith.constant 64 : i32
    %parallel_loop3A_109 = arith.constant 1 : i32
    scf.for %parallel_loop3A_152 = %parallel_loop3A_107 to %parallel_loop3A_108 step %parallel_loop3A_109  : i32 {
      %parallel_loop3A_153 = arith.constant 16 : i32
      %parallel_loop3A_154 = arith.muli %parallel_loop3A_152, %parallel_loop3A_153 : i32
      %parallel_loop3A_155 = arith.constant 6144 : i32
      %parallel_loop3A_156 = arith.addi %parallel_loop3A_155, %parallel_loop3A_154 : i32
      %parallel_loop3A_157 = arith.index_cast %parallel_loop3A_156 : i32 to index
      %parallel_loop3A_158 = tpu.vector_load %arg5[%parallel_loop3A_157] {strides = array<i32>} : memref<8192xi32, #tpu.memory_space<vmem>>, vector<16xi32>,
      %parallel_loop3A_159 = arith.constant 0 : i32
      %parallel_loop3A_160 = vector.broadcast %parallel_loop3A_159 : i32 to vector<16xi32>
      %parallel_loop3A_161 = tpu.vector_load_idx %arg6[%parallel_loop3A_158, %parallel_loop3A_160] : memref<1024x8xf32, #tpu.memory_space<vmem>>[vector<16xi32>, vector<16xi32>], vector<16xf32>,
      %parallel_loop3A_162 = arith.constant 16 : i32
      %parallel_loop3A_163 = arith.muli %parallel_loop3A_152, %parallel_loop3A_162 : i32
      %parallel_loop3A_164 = arith.constant 0 : i32
      %parallel_loop3A_165 = arith.index_cast %parallel_loop3A_164 : i32 to index
      %parallel_loop3A_166 = arith.index_cast %parallel_loop3A_163 : i32 to index
      %parallel_loop3A_167 = tpu.vector_load %arg7[%parallel_loop3A_165, %parallel_loop3A_166] {strides = array<i32>} : memref<8x1024xf32, #tpu.memory_space<vmem>>, vector<16xf32>,
      tpu.vector_store %arg7[%parallel_loop3A_165, %parallel_loop3A_166], %parallel_loop3A_161 {strides = array<i32>} : memref<8x1024xf32, #tpu.memory_space<vmem>>, vector<16xf32>,
      %parallel_loop3A_168 = arith.constant 1 : i32
      %parallel_loop3A_169 = vector.broadcast %parallel_loop3A_168 : i32 to vector<16xi32>
      %parallel_loop3A_170 = tpu.vector_load_idx %arg6[%parallel_loop3A_158, %parallel_loop3A_169] : memref<1024x8xf32, #tpu.memory_space<vmem>>[vector<16xi32>, vector<16xi32>], vector<16xf32>,
      %parallel_loop3A_171 = arith.constant 16 : i32
      %parallel_loop3A_172 = arith.muli %parallel_loop3A_152, %parallel_loop3A_171 : i32
      %parallel_loop3A_173 = arith.constant 1 : i32
      %parallel_loop3A_174 = arith.index_cast %parallel_loop3A_173 : i32 to index
      %parallel_loop3A_175 = arith.index_cast %parallel_loop3A_172 : i32 to index
      %parallel_loop3A_176 = tpu.vector_load %arg7[%parallel_loop3A_174, %parallel_loop3A_175] {strides = array<i32>} : memref<8x1024xf32, #tpu.memory_space<vmem>>, vector<16xf32>,
      tpu.vector_store %arg7[%parallel_loop3A_174, %parallel_loop3A_175], %parallel_loop3A_170 {strides = array<i32>} : memref<8x1024xf32, #tpu.memory_space<vmem>>, vector<16xf32>,
      %parallel_loop3A_177 = arith.constant 2 : i32
      %parallel_loop3A_178 = vector.broadcast %parallel_loop3A_177 : i32 to vector<16xi32>
      %parallel_loop3A_179 = tpu.vector_load_idx %arg6[%parallel_loop3A_158, %parallel_loop3A_178] : memref<1024x8xf32, #tpu.memory_space<vmem>>[vector<16xi32>, vector<16xi32>], vector<16xf32>,
      %parallel_loop3A_180 = arith.constant 16 : i32
      %parallel_loop3A_181 = arith.muli %parallel_loop3A_152, %parallel_loop3A_180 : i32
      %parallel_loop3A_182 = arith.constant 2 : i32
      %parallel_loop3A_183 = arith.index_cast %parallel_loop3A_182 : i32 to index
      %parallel_loop3A_184 = arith.index_cast %parallel_loop3A_181 : i32 to index
      %parallel_loop3A_185 = tpu.vector_load %arg7[%parallel_loop3A_183, %parallel_loop3A_184] {strides = array<i32>} : memref<8x1024xf32, #tpu.memory_space<vmem>>, vector<16xf32>,
      tpu.vector_store %arg7[%parallel_loop3A_183, %parallel_loop3A_184], %parallel_loop3A_179 {strides = array<i32>} : memref<8x1024xf32, #tpu.memory_space<vmem>>, vector<16xf32>,
      %parallel_loop3A_186 = arith.constant 3 : i32
      %parallel_loop3A_187 = vector.broadcast %parallel_loop3A_186 : i32 to vector<16xi32>
      %parallel_loop3A_188 = tpu.vector_load_idx %arg6[%parallel_loop3A_158, %parallel_loop3A_187] : memref<1024x8xf32, #tpu.memory_space<vmem>>[vector<16xi32>, vector<16xi32>], vector<16xf32>,
      %parallel_loop3A_189 = arith.constant 16 : i32
      %parallel_loop3A_190 = arith.muli %parallel_loop3A_152, %parallel_loop3A_189 : i32
      %parallel_loop3A_191 = arith.constant 3 : i32
      %parallel_loop3A_192 = arith.index_cast %parallel_loop3A_191 : i32 to index
      %parallel_loop3A_193 = arith.index_cast %parallel_loop3A_190 : i32 to index
      %parallel_loop3A_194 = tpu.vector_load %arg7[%parallel_loop3A_192, %parallel_loop3A_193] {strides = array<i32>} : memref<8x1024xf32, #tpu.memory_space<vmem>>, vector<16xf32>,
      tpu.vector_store %arg7[%parallel_loop3A_192, %parallel_loop3A_193], %parallel_loop3A_188 {strides = array<i32>} : memref<8x1024xf32, #tpu.memory_space<vmem>>, vector<16xf32>,
      %parallel_loop3A_195 = arith.constant 4 : i32
      %parallel_loop3A_196 = vector.broadcast %parallel_loop3A_195 : i32 to vector<16xi32>
      %parallel_loop3A_197 = tpu.vector_load_idx %arg6[%parallel_loop3A_158, %parallel_loop3A_196] : memref<1024x8xf32, #tpu.memory_space<vmem>>[vector<16xi32>, vector<16xi32>], vector<16xf32>,
      %parallel_loop3A_198 = arith.constant 16 : i32
      %parallel_loop3A_199 = arith.muli %parallel_loop3A_152, %parallel_loop3A_198 : i32
      %parallel_loop3A_200 = arith.constant 4 : i32
      %parallel_loop3A_201 = arith.index_cast %parallel_loop3A_200 : i32 to index
      %parallel_loop3A_202 = arith.index_cast %parallel_loop3A_199 : i32 to index
      %parallel_loop3A_203 = tpu.vector_load %arg7[%parallel_loop3A_201, %parallel_loop3A_202] {strides = array<i32>} : memref<8x1024xf32, #tpu.memory_space<vmem>>, vector<16xf32>,
      tpu.vector_store %arg7[%parallel_loop3A_201, %parallel_loop3A_202], %parallel_loop3A_197 {strides = array<i32>} : memref<8x1024xf32, #tpu.memory_space<vmem>>, vector<16xf32>,
      %parallel_loop3A_204 = arith.constant 5 : i32
      %parallel_loop3A_205 = vector.broadcast %parallel_loop3A_204 : i32 to vector<16xi32>
      %parallel_loop3A_206 = tpu.vector_load_idx %arg6[%parallel_loop3A_158, %parallel_loop3A_205] : memref<1024x8xf32, #tpu.memory_space<vmem>>[vector<16xi32>, vector<16xi32>], vector<16xf32>,
      %parallel_loop3A_207 = arith.constant 16 : i32
      %parallel_loop3A_208 = arith.muli %parallel_loop3A_152, %parallel_loop3A_207 : i32
      %parallel_loop3A_209 = arith.constant 5 : i32
      %parallel_loop3A_210 = arith.index_cast %parallel_loop3A_209 : i32 to index
      %parallel_loop3A_211 = arith.index_cast %parallel_loop3A_208 : i32 to index
      %parallel_loop3A_212 = tpu.vector_load %arg7[%parallel_loop3A_210, %parallel_loop3A_211] {strides = array<i32>} : memref<8x1024xf32, #tpu.memory_space<vmem>>, vector<16xf32>,
      tpu.vector_store %arg7[%parallel_loop3A_210, %parallel_loop3A_211], %parallel_loop3A_206 {strides = array<i32>} : memref<8x1024xf32, #tpu.memory_space<vmem>>, vector<16xf32>,
      %parallel_loop3A_213 = arith.constant 6 : i32
      %parallel_loop3A_214 = vector.broadcast %parallel_loop3A_213 : i32 to vector<16xi32>
      %parallel_loop3A_215 = tpu.vector_load_idx %arg6[%parallel_loop3A_158, %parallel_loop3A_214] : memref<1024x8xf32, #tpu.memory_space<vmem>>[vector<16xi32>, vector<16xi32>], vector<16xf32>,
      %parallel_loop3A_216 = arith.constant 16 : i32
      %parallel_loop3A_217 = arith.muli %parallel_loop3A_152, %parallel_loop3A_216 : i32
      %parallel_loop3A_218 = arith.constant 6 : i32
      %parallel_loop3A_219 = arith.index_cast %parallel_loop3A_218 : i32 to index
      %parallel_loop3A_220 = arith.index_cast %parallel_loop3A_217 : i32 to index
      %parallel_loop3A_221 = tpu.vector_load %arg7[%parallel_loop3A_219, %parallel_loop3A_220] {strides = array<i32>} : memref<8x1024xf32, #tpu.memory_space<vmem>>, vector<16xf32>,
      tpu.vector_store %arg7[%parallel_loop3A_219, %parallel_loop3A_220], %parallel_loop3A_215 {strides = array<i32>} : memref<8x1024xf32, #tpu.memory_space<vmem>>, vector<16xf32>,
      %parallel_loop3A_222 = arith.constant 7 : i32
      %parallel_loop3A_223 = vector.broadcast %parallel_loop3A_222 : i32 to vector<16xi32>
      %parallel_loop3A_224 = tpu.vector_load_idx %arg6[%parallel_loop3A_158, %parallel_loop3A_223] : memref<1024x8xf32, #tpu.memory_space<vmem>>[vector<16xi32>, vector<16xi32>], vector<16xf32>,
      %parallel_loop3A_225 = arith.constant 16 : i32
      %parallel_loop3A_226 = arith.muli %parallel_loop3A_152, %parallel_loop3A_225 : i32
      %parallel_loop3A_227 = arith.constant 7 : i32
      %parallel_loop3A_228 = arith.index_cast %parallel_loop3A_227 : i32 to index
      %parallel_loop3A_229 = arith.index_cast %parallel_loop3A_226 : i32 to index
      %parallel_loop3A_230 = tpu.vector_load %arg7[%parallel_loop3A_228, %parallel_loop3A_229] {strides = array<i32>} : memref<8x1024xf32, #tpu.memory_space<vmem>>, vector<16xf32>,
      tpu.vector_store %arg7[%parallel_loop3A_228, %parallel_loop3A_229], %parallel_loop3A_224 {strides = array<i32>} : memref<8x1024xf32, #tpu.memory_space<vmem>>, vector<16xf32>,
    } {sc.loop_unroll_factor = 8 : i64, sc.parallel_access}
    %mul3A_110 = arith.constant 8 : i32
    %mul3A_111 = arith.muli %add3A, %mul3A_110 : i32
    %dma_start3A_112 = arith.constant 6 : i32
    %dma_start3A_113 = arith.constant 0 : i32
    %dma_start3A_114 = tpu.memref_slice %arg4[%dma_start3A_112, %mul3A_111, %dma_start3A_113] : memref<8x256x1024xf32, #tpu.memory_space<hbm>> -> memref<1x8x1024xf32, #tpu.memory_space<hbm>>
    %dma_start3A_115 = tpu.memref_squeeze %dma_start3A_114 : memref<1x8x1024xf32, #tpu.memory_space<hbm>> -> memref<8x1024xf32, #tpu.memory_space<hbm>>
    %dma_start3A_116 = arith.constant 0 : i32
    %dma_start3A_117 = tpu.memref_slice %arg4[%dma_start3A_112, %mul3A_111, %dma_start3A_116] : memref<8x256x1024xf32, #tpu.memory_space<hbm>> -> memref<1x8x1024xf32, #tpu.memory_space<hbm>>
    %dma_start3A_118 = tpu.memref_squeeze %dma_start3A_117 : memref<1x8x1024xf32, #tpu.memory_space<hbm>> -> memref<8x1024xf32, #tpu.memory_space<hbm>>
    tpu.enqueue_dma source(%arg7 : memref<8x1024xf32, #tpu.memory_space<vmem>>) target(%dma_start3A_118 : memref<8x1024xf32, #tpu.memory_space<hbm>>) target_semaphore(%arg9 : memref<!tpu.dma_semaphore, #tpu.memory_space<semaphore_mem>>)
    %dma_wait3A_119 = arith.constant 5 : i32
    %dma_wait3A_120 = arith.constant 0 : i32
    %dma_wait3A_121 = tpu.memref_slice %arg4[%dma_wait3A_119, %mul3A_92, %dma_wait3A_120] : memref<8x256x1024xf32, #tpu.memory_space<hbm>> -> memref<1x8x1024xf32, #tpu.memory_space<hbm>>
    %dma_wait3A_122 = tpu.memref_squeeze %dma_wait3A_121 : memref<1x8x1024xf32, #tpu.memory_space<hbm>> -> memref<8x1024xf32, #tpu.memory_space<hbm>>
    %dma_wait3A_123 = arith.constant 0 : i32
    %dma_wait3A_124 = tpu.memref_slice %arg4[%dma_wait3A_119, %mul3A_92, %dma_wait3A_123] : memref<8x256x1024xf32, #tpu.memory_space<hbm>> -> memref<1x8x1024xf32, #tpu.memory_space<hbm>>
    %dma_wait3A_125 = tpu.memref_squeeze %dma_wait3A_124 : memref<1x8x1024xf32, #tpu.memory_space<hbm>> -> memref<8x1024xf32, #tpu.memory_space<hbm>>
    tpu.wait_dma2 semaphore(%arg10 : memref<!tpu.dma_semaphore, #tpu.memory_space<semaphore_mem>>) src(%arg8 : memref<8x1024xf32, #tpu.memory_space<vmem>>) dst(%dma_wait3A_125 : memref<8x1024xf32, #tpu.memory_space<hbm>>)
    %parallel_loop3A_126 = arith.constant 0 : i32
    %parallel_loop3A_127 = arith.constant 64 : i32
    %parallel_loop3A_128 = arith.constant 1 : i32
    scf.for %parallel_loop3A_152 = %parallel_loop3A_126 to %parallel_loop3A_127 step %parallel_loop3A_128  : i32 {
      %parallel_loop3A_153 = arith.constant 16 : i32
      %parallel_loop3A_154 = arith.muli %parallel_loop3A_152, %parallel_loop3A_153 : i32
      %parallel_loop3A_155 = arith.constant 7168 : i32
      %parallel_loop3A_156 = arith.addi %parallel_loop3A_155, %parallel_loop3A_154 : i32
      %parallel_loop3A_157 = arith.index_cast %parallel_loop3A_156 : i32 to index
      %parallel_loop3A_158 = tpu.vector_load %arg5[%parallel_loop3A_157] {strides = array<i32>} : memref<8192xi32, #tpu.memory_space<vmem>>, vector<16xi32>,
      %parallel_loop3A_159 = arith.constant 0 : i32
      %parallel_loop3A_160 = vector.broadcast %parallel_loop3A_159 : i32 to vector<16xi32>
      %parallel_loop3A_161 = tpu.vector_load_idx %arg6[%parallel_loop3A_158, %parallel_loop3A_160] : memref<1024x8xf32, #tpu.memory_space<vmem>>[vector<16xi32>, vector<16xi32>], vector<16xf32>,
      %parallel_loop3A_162 = arith.constant 16 : i32
      %parallel_loop3A_163 = arith.muli %parallel_loop3A_152, %parallel_loop3A_162 : i32
      %parallel_loop3A_164 = arith.constant 0 : i32
      %parallel_loop3A_165 = arith.index_cast %parallel_loop3A_164 : i32 to index
      %parallel_loop3A_166 = arith.index_cast %parallel_loop3A_163 : i32 to index
      %parallel_loop3A_167 = tpu.vector_load %arg8[%parallel_loop3A_165, %parallel_loop3A_166] {strides = array<i32>} : memref<8x1024xf32, #tpu.memory_space<vmem>>, vector<16xf32>,
      tpu.vector_store %arg8[%parallel_loop3A_165, %parallel_loop3A_166], %parallel_loop3A_161 {strides = array<i32>} : memref<8x1024xf32, #tpu.memory_space<vmem>>, vector<16xf32>,
      %parallel_loop3A_168 = arith.constant 1 : i32
      %parallel_loop3A_169 = vector.broadcast %parallel_loop3A_168 : i32 to vector<16xi32>
      %parallel_loop3A_170 = tpu.vector_load_idx %arg6[%parallel_loop3A_158, %parallel_loop3A_169] : memref<1024x8xf32, #tpu.memory_space<vmem>>[vector<16xi32>, vector<16xi32>], vector<16xf32>,
      %parallel_loop3A_171 = arith.constant 16 : i32
      %parallel_loop3A_172 = arith.muli %parallel_loop3A_152, %parallel_loop3A_171 : i32
      %parallel_loop3A_173 = arith.constant 1 : i32
      %parallel_loop3A_174 = arith.index_cast %parallel_loop3A_173 : i32 to index
      %parallel_loop3A_175 = arith.index_cast %parallel_loop3A_172 : i32 to index
      %parallel_loop3A_176 = tpu.vector_load %arg8[%parallel_loop3A_174, %parallel_loop3A_175] {strides = array<i32>} : memref<8x1024xf32, #tpu.memory_space<vmem>>, vector<16xf32>,
      tpu.vector_store %arg8[%parallel_loop3A_174, %parallel_loop3A_175], %parallel_loop3A_170 {strides = array<i32>} : memref<8x1024xf32, #tpu.memory_space<vmem>>, vector<16xf32>,
      %parallel_loop3A_177 = arith.constant 2 : i32
      %parallel_loop3A_178 = vector.broadcast %parallel_loop3A_177 : i32 to vector<16xi32>
      %parallel_loop3A_179 = tpu.vector_load_idx %arg6[%parallel_loop3A_158, %parallel_loop3A_178] : memref<1024x8xf32, #tpu.memory_space<vmem>>[vector<16xi32>, vector<16xi32>], vector<16xf32>,
      %parallel_loop3A_180 = arith.constant 16 : i32
      %parallel_loop3A_181 = arith.muli %parallel_loop3A_152, %parallel_loop3A_180 : i32
      %parallel_loop3A_182 = arith.constant 2 : i32
      %parallel_loop3A_183 = arith.index_cast %parallel_loop3A_182 : i32 to index
      %parallel_loop3A_184 = arith.index_cast %parallel_loop3A_181 : i32 to index
      %parallel_loop3A_185 = tpu.vector_load %arg8[%parallel_loop3A_183, %parallel_loop3A_184] {strides = array<i32>} : memref<8x1024xf32, #tpu.memory_space<vmem>>, vector<16xf32>,
      tpu.vector_store %arg8[%parallel_loop3A_183, %parallel_loop3A_184], %parallel_loop3A_179 {strides = array<i32>} : memref<8x1024xf32, #tpu.memory_space<vmem>>, vector<16xf32>,
      %parallel_loop3A_186 = arith.constant 3 : i32
      %parallel_loop3A_187 = vector.broadcast %parallel_loop3A_186 : i32 to vector<16xi32>
      %parallel_loop3A_188 = tpu.vector_load_idx %arg6[%parallel_loop3A_158, %parallel_loop3A_187] : memref<1024x8xf32, #tpu.memory_space<vmem>>[vector<16xi32>, vector<16xi32>], vector<16xf32>,
      %parallel_loop3A_189 = arith.constant 16 : i32
      %parallel_loop3A_190 = arith.muli %parallel_loop3A_152, %parallel_loop3A_189 : i32
      %parallel_loop3A_191 = arith.constant 3 : i32
      %parallel_loop3A_192 = arith.index_cast %parallel_loop3A_191 : i32 to index
      %parallel_loop3A_193 = arith.index_cast %parallel_loop3A_190 : i32 to index
      %parallel_loop3A_194 = tpu.vector_load %arg8[%parallel_loop3A_192, %parallel_loop3A_193] {strides = array<i32>} : memref<8x1024xf32, #tpu.memory_space<vmem>>, vector<16xf32>,
      tpu.vector_store %arg8[%parallel_loop3A_192, %parallel_loop3A_193], %parallel_loop3A_188 {strides = array<i32>} : memref<8x1024xf32, #tpu.memory_space<vmem>>, vector<16xf32>,
      %parallel_loop3A_195 = arith.constant 4 : i32
      %parallel_loop3A_196 = vector.broadcast %parallel_loop3A_195 : i32 to vector<16xi32>
      %parallel_loop3A_197 = tpu.vector_load_idx %arg6[%parallel_loop3A_158, %parallel_loop3A_196] : memref<1024x8xf32, #tpu.memory_space<vmem>>[vector<16xi32>, vector<16xi32>], vector<16xf32>,
      %parallel_loop3A_198 = arith.constant 16 : i32
      %parallel_loop3A_199 = arith.muli %parallel_loop3A_152, %parallel_loop3A_198 : i32
      %parallel_loop3A_200 = arith.constant 4 : i32
      %parallel_loop3A_201 = arith.index_cast %parallel_loop3A_200 : i32 to index
      %parallel_loop3A_202 = arith.index_cast %parallel_loop3A_199 : i32 to index
      %parallel_loop3A_203 = tpu.vector_load %arg8[%parallel_loop3A_201, %parallel_loop3A_202] {strides = array<i32>} : memref<8x1024xf32, #tpu.memory_space<vmem>>, vector<16xf32>,
      tpu.vector_store %arg8[%parallel_loop3A_201, %parallel_loop3A_202], %parallel_loop3A_197 {strides = array<i32>} : memref<8x1024xf32, #tpu.memory_space<vmem>>, vector<16xf32>,
      %parallel_loop3A_204 = arith.constant 5 : i32
      %parallel_loop3A_205 = vector.broadcast %parallel_loop3A_204 : i32 to vector<16xi32>
      %parallel_loop3A_206 = tpu.vector_load_idx %arg6[%parallel_loop3A_158, %parallel_loop3A_205] : memref<1024x8xf32, #tpu.memory_space<vmem>>[vector<16xi32>, vector<16xi32>], vector<16xf32>,
      %parallel_loop3A_207 = arith.constant 16 : i32
      %parallel_loop3A_208 = arith.muli %parallel_loop3A_152, %parallel_loop3A_207 : i32
      %parallel_loop3A_209 = arith.constant 5 : i32
      %parallel_loop3A_210 = arith.index_cast %parallel_loop3A_209 : i32 to index
      %parallel_loop3A_211 = arith.index_cast %parallel_loop3A_208 : i32 to index
      %parallel_loop3A_212 = tpu.vector_load %arg8[%parallel_loop3A_210, %parallel_loop3A_211] {strides = array<i32>} : memref<8x1024xf32, #tpu.memory_space<vmem>>, vector<16xf32>,
      tpu.vector_store %arg8[%parallel_loop3A_210, %parallel_loop3A_211], %parallel_loop3A_206 {strides = array<i32>} : memref<8x1024xf32, #tpu.memory_space<vmem>>, vector<16xf32>,
      %parallel_loop3A_213 = arith.constant 6 : i32
      %parallel_loop3A_214 = vector.broadcast %parallel_loop3A_213 : i32 to vector<16xi32>
      %parallel_loop3A_215 = tpu.vector_load_idx %arg6[%parallel_loop3A_158, %parallel_loop3A_214] : memref<1024x8xf32, #tpu.memory_space<vmem>>[vector<16xi32>, vector<16xi32>], vector<16xf32>,
      %parallel_loop3A_216 = arith.constant 16 : i32
      %parallel_loop3A_217 = arith.muli %parallel_loop3A_152, %parallel_loop3A_216 : i32
      %parallel_loop3A_218 = arith.constant 6 : i32
      %parallel_loop3A_219 = arith.index_cast %parallel_loop3A_218 : i32 to index
      %parallel_loop3A_220 = arith.index_cast %parallel_loop3A_217 : i32 to index
      %parallel_loop3A_221 = tpu.vector_load %arg8[%parallel_loop3A_219, %parallel_loop3A_220] {strides = array<i32>} : memref<8x1024xf32, #tpu.memory_space<vmem>>, vector<16xf32>,
      tpu.vector_store %arg8[%parallel_loop3A_219, %parallel_loop3A_220], %parallel_loop3A_215 {strides = array<i32>} : memref<8x1024xf32, #tpu.memory_space<vmem>>, vector<16xf32>,
      %parallel_loop3A_222 = arith.constant 7 : i32
      %parallel_loop3A_223 = vector.broadcast %parallel_loop3A_222 : i32 to vector<16xi32>
      %parallel_loop3A_224 = tpu.vector_load_idx %arg6[%parallel_loop3A_158, %parallel_loop3A_223] : memref<1024x8xf32, #tpu.memory_space<vmem>>[vector<16xi32>, vector<16xi32>], vector<16xf32>,
      %parallel_loop3A_225 = arith.constant 16 : i32
      %parallel_loop3A_226 = arith.muli %parallel_loop3A_152, %parallel_loop3A_225 : i32
      %parallel_loop3A_227 = arith.constant 7 : i32
      %parallel_loop3A_228 = arith.index_cast %parallel_loop3A_227 : i32 to index
      %parallel_loop3A_229 = arith.index_cast %parallel_loop3A_226 : i32 to index
      %parallel_loop3A_230 = tpu.vector_load %arg8[%parallel_loop3A_228, %parallel_loop3A_229] {strides = array<i32>} : memref<8x1024xf32, #tpu.memory_space<vmem>>, vector<16xf32>,
      tpu.vector_store %arg8[%parallel_loop3A_228, %parallel_loop3A_229], %parallel_loop3A_224 {strides = array<i32>} : memref<8x1024xf32, #tpu.memory_space<vmem>>, vector<16xf32>,
    } {sc.loop_unroll_factor = 8 : i64, sc.parallel_access}
    %mul3A_129 = arith.constant 8 : i32
    %mul3A_130 = arith.muli %add3A, %mul3A_129 : i32
    %dma_start3A_131 = arith.constant 7 : i32
    %dma_start3A_132 = arith.constant 0 : i32
    %dma_start3A_133 = tpu.memref_slice %arg4[%dma_start3A_131, %mul3A_130, %dma_start3A_132] : memref<8x256x1024xf32, #tpu.memory_space<hbm>> -> memref<1x8x1024xf32, #tpu.memory_space<hbm>>
    %dma_start3A_134 = tpu.memref_squeeze %dma_start3A_133 : memref<1x8x1024xf32, #tpu.memory_space<hbm>> -> memref<8x1024xf32, #tpu.memory_space<hbm>>
    %dma_start3A_135 = arith.constant 0 : i32
    %dma_start3A_136 = tpu.memref_slice %arg4[%dma_start3A_131, %mul3A_130, %dma_start3A_135] : memref<8x256x1024xf32, #tpu.memory_space<hbm>> -> memref<1x8x1024xf32, #tpu.memory_space<hbm>>
    %dma_start3A_137 = tpu.memref_squeeze %dma_start3A_136 : memref<1x8x1024xf32, #tpu.memory_space<hbm>> -> memref<8x1024xf32, #tpu.memory_space<hbm>>
    tpu.enqueue_dma source(%arg8 : memref<8x1024xf32, #tpu.memory_space<vmem>>) target(%dma_start3A_137 : memref<8x1024xf32, #tpu.memory_space<hbm>>) target_semaphore(%arg10 : memref<!tpu.dma_semaphore, #tpu.memory_space<semaphore_mem>>)
    %dma_wait3A_138 = arith.constant 6 : i32
    %dma_wait3A_139 = arith.constant 0 : i32
    %dma_wait3A_140 = tpu.memref_slice %arg4[%dma_wait3A_138, %mul3A_111, %dma_wait3A_139] : memref<8x256x1024xf32, #tpu.memory_space<hbm>> -> memref<1x8x1024xf32, #tpu.memory_space<hbm>>
    %dma_wait3A_141 = tpu.memref_squeeze %dma_wait3A_140 : memref<1x8x1024xf32, #tpu.memory_space<hbm>> -> memref<8x1024xf32, #tpu.memory_space<hbm>>
    %dma_wait3A_142 = arith.constant 0 : i32
    %dma_wait3A_143 = tpu.memref_slice %arg4[%dma_wait3A_138, %mul3A_111, %dma_wait3A_142] : memref<8x256x1024xf32, #tpu.memory_space<hbm>> -> memref<1x8x1024xf32, #tpu.memory_space<hbm>>
    %dma_wait3A_144 = tpu.memref_squeeze %dma_wait3A_143 : memref<1x8x1024xf32, #tpu.memory_space<hbm>> -> memref<8x1024xf32, #tpu.memory_space<hbm>>
    tpu.wait_dma2 semaphore(%arg9 : memref<!tpu.dma_semaphore, #tpu.memory_space<semaphore_mem>>) src(%arg7 : memref<8x1024xf32, #tpu.memory_space<vmem>>) dst(%dma_wait3A_144 : memref<8x1024xf32, #tpu.memory_space<hbm>>)
    %dma_wait3A_145 = arith.constant 7 : i32
    %dma_wait3A_146 = arith.constant 0 : i32
    %dma_wait3A_147 = tpu.memref_slice %arg4[%dma_wait3A_145, %mul3A_130, %dma_wait3A_146] : memref<8x256x1024xf32, #tpu.memory_space<hbm>> -> memref<1x8x1024xf32, #tpu.memory_space<hbm>>
    %dma_wait3A_148 = tpu.memref_squeeze %dma_wait3A_147 : memref<1x8x1024xf32, #tpu.memory_space<hbm>> -> memref<8x1024xf32, #tpu.memory_space<hbm>>
    %dma_wait3A_149 = arith.constant 0 : i32
    %dma_wait3A_150 = tpu.memref_slice %arg4[%dma_wait3A_145, %mul3A_130, %dma_wait3A_149] : memref<8x256x1024xf32, #tpu.memory_space<hbm>> -> memref<1x8x1024xf32, #tpu.memory_space<hbm>>
    %dma_wait3A_151 = tpu.memref_squeeze %dma_wait3A_150 : memref<1x8x1024xf32, #tpu.memory_space<hbm>> -> memref<8x1024xf32, #tpu.memory_space<hbm>>
    tpu.wait_dma2 semaphore(%arg10 : memref<!tpu.dma_semaphore, #tpu.memory_space<semaphore_mem>>) src(%arg8 : memref<8x1024xf32, #tpu.memory_space<vmem>>) dst(%dma_wait3A_151 : memref<8x1024xf32, #tpu.memory_space<hbm>>)
    return
  }
}

module attributes {stable_mosaic.version = 14 : i64} {
  func.func @_tc_body(%arg0: i32, %arg1: memref<1x256x1024xf32, #tpu.memory_space<vmem>>, %arg2: memref<1024x256xf32, #tpu.memory_space<vmem>>, %arg3: memref<1x1x1024xi32, #tpu.memory_space<vmem>>, %arg4: memref<1x1xf32, #tpu.memory_space<smem>>) attributes {dimension_semantics = [#tpu.dimension_semantics<arbitrary>], iteration_bounds = array<i64: 8>, scalar_prefetch = 0 : i64, scratch_operands = 0 : i64, tpu.core_type = #tpu.core_type<tc>, window_params = [{transform_indices = @transform_0, window_bounds = array<i64: 1, 256, 1024>}, {pipeline_mode = #tpu.pipeline_mode<synchronous>, transform_indices = @transform_1, window_bounds = array<i64: 1024, 256>}, {transform_indices = @transform_2, window_bounds = array<i64: 1, 1, 1024>}, {transform_indices = @transform_3, window_bounds = array<i64: 1, 1>}]} {
    %get3A = arith.constant 0 : index
    %get3A_0 = arith.constant 0 : index
    %get3A_1 = arith.constant 0 : index
    %get3A_2 = vector.load %arg1[%get3A, %get3A_0, %get3A_1] : memref<1x256x1024xf32, #tpu.memory_space<vmem>>, vector<1x256x1024xf32>
    %get3A_3 = vector.shape_cast %get3A_2 : vector<1x256x1024xf32> to vector<256x1024xf32>
    %get3A_4 = arith.constant 0 : index
    %get3A_5 = arith.constant 0 : index
    %get3A_6 = vector.load %arg2[%get3A_4, %get3A_5] : memref<1024x256xf32, #tpu.memory_space<vmem>>, vector<1024x256xf32>
    %add3A = arith.addf %get3A_3, %get3A_3 : vector<256x1024xf32>
    %dot_general3A = arith.constant dense<0.000000e+00> : vector<1024x1024xf32>
    %dot_general3A_7 = tpu.matmul %get3A_6, %add3A, %dot_general3A {dimension_numbers = #tpu.dot_dimension_numbers<[1], [0], [0], [1], [0, 0, 1, 1], [], []>, transpose_lhs_hint = false} : vector<1024x256xf32>, vector<256x1024xf32>, vector<1024x1024xf32> -> vector<1024x1024xf32>
    %mul3A = arith.mulf %get3A_3, %get3A_3 : vector<256x1024xf32>
    %reduce_sum3A = arith.constant dense<0.000000e+00> : vector<1024xf32>
    %reduce_sum3A_8 = vector.multi_reduction <add>, %mul3A, %reduce_sum3A [0] : vector<256x1024xf32> to vector<1024xf32>
    %broadcast_in_dim3A = vector.shape_cast %reduce_sum3A_8 : vector<1024xf32> to vector<1x1024xf32>
    %mul3A_9 = arith.mulf %get3A_6, %get3A_6 : vector<1024x256xf32>
    %reduce_sum3A_10 = arith.constant dense<0.000000e+00> : vector<1024xf32>
    %reduce_sum3A_11 = vector.multi_reduction <add>, %mul3A_9, %reduce_sum3A_10 [1] : vector<1024x256xf32> to vector<1024xf32>
    %broadcast_in_dim3A_12 = vector.shape_cast %reduce_sum3A_11 : vector<1024xf32> to vector<1024x1xf32>
    %add3A_13 = vector.broadcast %broadcast_in_dim3A : vector<1x1024xf32> to vector<1024x1024xf32>
    %add3A_14 = vector.broadcast %broadcast_in_dim3A_12 : vector<1024x1xf32> to vector<1024x1024xf32>
    %add3A_15 = arith.addf %add3A_13, %add3A_14 : vector<1024x1024xf32>
    %sub3A = arith.subf %add3A_15, %dot_general3A_7 : vector<1024x1024xf32>
    %reduce_min3A = arith.constant dense<0x7F800000> : vector<1024xf32>
    %reduce_min3A_16 = vector.multi_reduction <minimumf>, %sub3A, %reduce_min3A [0] : vector<1024x1024xf32> to vector<1024xf32>
    %broadcast_in_dim3A_17 = vector.shape_cast %reduce_min3A_16 : vector<1024xf32> to vector<1x1024xf32>
    %iota3A = tpu.iota {dimensions = array<i32: 0>} : vector<1024x1024xi32>
    %convert_element_type3A = arith.sitofp %iota3A : vector<1024x1024xi32> to vector<1024x1024xf32>
    %eq3A = vector.broadcast %broadcast_in_dim3A_17 : vector<1x1024xf32> to vector<1024x1024xf32>
    %eq3A_18 = arith.cmpf oeq, %sub3A, %eq3A : vector<1024x1024xf32>
    %jit3A = arith.constant 1.024000e+03 : f32
    %broadcast_in_dim3A_19 = vector.broadcast %jit3A : f32 to vector<1024x1024xf32>
    %select_n3A = arith.select %eq3A_18, %convert_element_type3A, %broadcast_in_dim3A_19 : vector<1024x1024xi1>, vector<1024x1024xf32>
    %reduce_min3A_20 = arith.constant dense<0x7F800000> : vector<1024xf32>
    %reduce_min3A_21 = vector.multi_reduction <minimumf>, %select_n3A, %reduce_min3A_20 [0] : vector<1024x1024xf32> to vector<1024xf32>
    %broadcast_in_dim3A_22 = vector.shape_cast %reduce_min3A_21 : vector<1024xf32> to vector<1x1024xf32>
    %convert_element_type3A_23 = arith.fptosi %broadcast_in_dim3A_22 : vector<1x1024xf32> to vector<1x1024xi32>
    %swap3A = arith.constant 0 : index
    %swap3A_24 = arith.constant 0 : index
    %swap3A_25 = arith.constant 0 : index
    %swap3A_26 = vector.load %arg3[%swap3A, %swap3A_24, %swap3A_25] : memref<1x1x1024xi32, #tpu.memory_space<vmem>>, vector<1x1x1024xi32>
    %swap3A_27 = vector.shape_cast %swap3A_26 : vector<1x1x1024xi32> to vector<1x1024xi32>
    %swap3A_28 = vector.shape_cast %convert_element_type3A_23 : vector<1x1024xi32> to vector<1x1x1024xi32>
    tpu.vector_store %arg3[%swap3A, %swap3A_24, %swap3A_25], %swap3A_28 {strides = array<i32>} : memref<1x1x1024xi32, #tpu.memory_space<vmem>>, vector<1x1x1024xi32>,
    %reduce_sum3A_29 = vector.shape_cast %broadcast_in_dim3A_17 : vector<1x1024xf32> to vector<1x1x1024xf32>
    %reduce_sum3A_30 = arith.constant dense<0.000000e+00> : vector<1xf32>
    %reduce_sum3A_31 = vector.multi_reduction <add>, %reduce_sum3A_29, %reduce_sum3A_30 [1, 2] : vector<1x1x1024xf32> to vector<1xf32>
    %reduce_sum3A_32 = vector.shape_cast %reduce_sum3A_31 : vector<1xf32> to vector<1x1x1xf32>
    %reduce_sum3A_33 = vector.extract %reduce_sum3A_32[0, 0, 0] : f32 from vector<1x1x1xf32>
    %eq3A_34 = arith.constant 0 : i32
    %eq3A_35 = arith.cmpi eq, %arg0, %eq3A_34 : i32
    %convert_element_type3A_36 = arith.extui %eq3A_35 : i1 to i32
    %cond3A = arith.constant 0 : i32
    %cond3A_37 = arith.cmpi ne, %convert_element_type3A_36, %cond3A : i32
    scf.if %cond3A_37 {
      %swap3A_47 = arith.constant 0 : index
      %swap3A_48 = arith.constant 0 : index
      %swap3A_49 = memref.load %arg4[%swap3A_47, %swap3A_48] : memref<1x1xf32, #tpu.memory_space<smem>>
      memref.store %reduce_sum3A_33, %arg4[%swap3A_47, %swap3A_48] : memref<1x1xf32, #tpu.memory_space<smem>>
    } else {
    }
    %gt3A = arith.constant 0 : i32
    %gt3A_38 = arith.cmpi sgt, %arg0, %gt3A : i32
    %convert_element_type3A_39 = arith.extui %gt3A_38 : i1 to i32
    %cond3A_40 = arith.constant 0 : i32
    %cond3A_41 = arith.cmpi ne, %convert_element_type3A_39, %cond3A_40 : i32
    scf.if %cond3A_41 {
      %get3A_47 = arith.constant 0 : index
      %get3A_48 = arith.constant 0 : index
      %get3A_49 = memref.load %arg4[%get3A_47, %get3A_48] : memref<1x1xf32, #tpu.memory_space<smem>>
      %add3A_50 = arith.addf %get3A_49, %reduce_sum3A_33 : f32
      %swap3A_51 = arith.constant 0 : index
      %swap3A_52 = arith.constant 0 : index
      %swap3A_53 = memref.load %arg4[%swap3A_51, %swap3A_52] : memref<1x1xf32, #tpu.memory_space<smem>>
      memref.store %add3A_50, %arg4[%swap3A_51, %swap3A_52] : memref<1x1xf32, #tpu.memory_space<smem>>
    } else {
    }
    %eq3A_42 = arith.constant 7 : i32
    %eq3A_43 = arith.cmpi eq, %arg0, %eq3A_42 : i32
    %convert_element_type3A_44 = arith.extui %eq3A_43 : i1 to i32
    %cond3A_45 = arith.constant 0 : i32
    %cond3A_46 = arith.cmpi ne, %convert_element_type3A_44, %cond3A_45 : i32
    scf.if %cond3A_46 {
      %get3A_47 = arith.constant 0 : index
      %get3A_48 = arith.constant 0 : index
      %get3A_49 = memref.load %arg4[%get3A_47, %get3A_48] : memref<1x1xf32, #tpu.memory_space<smem>>
      %mul3A_50 = arith.constant 3.57627869E-7 : f32
      %mul3A_51 = arith.mulf %get3A_49, %mul3A_50 : f32
      %swap3A_52 = arith.constant 0 : index
      %swap3A_53 = arith.constant 0 : index
      %swap3A_54 = memref.load %arg4[%swap3A_52, %swap3A_53] : memref<1x1xf32, #tpu.memory_space<smem>>
      memref.store %mul3A_51, %arg4[%swap3A_52, %swap3A_53] : memref<1x1xf32, #tpu.memory_space<smem>>
    } else {
    }
    return
  }
  func.func @transform_0(%arg0: i32) -> (i32, i32, i32) {
    %c0_i32 = arith.constant 0 : i32
    %c0_i32_0 = arith.constant 0 : i32
    %c0_i32_1 = arith.constant 0 : i32
    return %arg0, %c0_i32, %c0_i32_0 : i32, i32, i32
  }
  func.func @transform_1(%arg0: i32) -> (i32, i32) {
    %c0_i32 = arith.constant 0 : i32
    %c0_i32_0 = arith.constant 0 : i32
    %c0_i32_1 = arith.constant 0 : i32
    return %c0_i32, %c0_i32_0 : i32, i32
  }
  func.func @transform_2(%arg0: i32) -> (i32, i32, i32) {
    %c0_i32 = arith.constant 0 : i32
    %c0_i32_0 = arith.constant 0 : i32
    %c0_i32_1 = arith.constant 0 : i32
    return %arg0, %c0_i32, %c0_i32_0 : i32, i32, i32
  }
  func.func @transform_3(%arg0: i32) -> (i32, i32) {
    %c0_i32 = arith.constant 0 : i32
    %c0_i32_0 = arith.constant 0 : i32
    %c0_i32_1 = arith.constant 0 : i32
    return %c0_i32, %c0_i32_0 : i32, i32
  }
}

</mosaic_0001>

<sc_bundles>
// kernel: kernel.4.cloned.1.call-start
scs
__scs_entry_jumppad:
0x0: {  	(pc) =	sbr.rel $0x88, $3  }
0x1: {  	(tag) =	ssettag $0x0;
	lr =	simm.s32 $0x1  }
0x2: {  	[smem:$0x3F9F] =	sst lr;
	_ =	strace $0xD0000000  }
0x3: {  	_ = 	snop  }
0x4: {  	_ = 	snop  }
0x5: {  	_ = 	snop  }
0x6: {  	_ = 	snop  }
0x7: {  	_ = 	snop  }
__scs_overlays_trampoline_lowered:
0x8: {  	[smem:$0x3FAE] =	sst s0  }
0x9: {  	[smem:$0x3FAF] =	sst s1  }
0xa: {  	[smem:$0x3FB0] =	sst s2  }
0xb: {  	[smem:$0x3FB1] =	sst s3  }
0xc: {  	[smem:$0x3FB2] =	sst s4  }
0xd: {  	[smem:$0x3FB3] =	sst s5  }
0xe: {  	[smem:$0x3FB4] =	sst s6  }
0xf: {  	[smem:$0x3FB5] =	sst s7  }
0x10: {  	[smem:$0x3FB6] =	sst s8  }
0x11: {  	[smem:$0x3FB7] =	sst s9;
	s0 =	simm.s32 @!p0 $0x0  }
0x12: {  	s1 =	sld [smem:$0x3F9D];
	s0 =	simm.s32 @p0 $0x1  }
0x13: {  	[smem:$0x3FB8] =	sst s0;
	s0 =	simm.s32 @!p1 $0x0  }
0x14: {  	s2 =	sld [smem:$0x3F9C];
	s0 =	simm.s32 @p1 $0x1  }
0x15: {  	[smem:$0x3FB9] =	sst s0;
	s0 =	simm.s32 @!p2 $0x0  }
0x16: {  	s3 =	sld [smem:$0x3FDB];
	s0 =	simm.s32 @p2 $0x1  }
0x17: {  	s4 =	simm.s32 $0x1BF5;
	[smem:$0x3FBB] =	sst s0  }
0x18: {  	s0 =	sld [smem:$0x3F9E];
	_ =	swait.ge [sflag:s4], $0x0  }
0x19: {  	s7 =	sld [smem:$0x3F9F]  }
0x1a: {  	s8 =	sadd.s32 $0xFFFFE003, lr  }
0x1b: {  	s9 =	sadd.s32 $0xFFFFFEF7, lr;
	s5 =	simm.s32 $0xFFFFFFFF;
	p2 =	slt.u32 s8, $0xFFFFF086  }
0x1c: {  	p1 =	slt.u32 s9, $0xF7A;
	s5 =	simm.s32 @!p2 $0x0  }
0x1d: {  	s5 =	simm.s32 @p1 $0x1;
	p0 =	seq.s32 s7, s2  }
0x1e: {  	s7 =	smul.u32 @!p0 $0xF7A, s2;
	p2 =	seq.s32 @!p0 s5, $0x0  }
0x1f: {  	s9 =	smul.u32 $0xF7A, s1;
	s8 =	simm.s32 @!p0 $0x1BF5;
	p2 =	por !p2, p0  }
0x20: {  	[sflag:s8] =	ssyncset.s32 @!p0 $0xFFFFF086;
	s6 =	sadd.s32 @!p0 s3, s7;
	s7 =	simm.s32 @!p0 $0x108  }
0x21: {  	s3 =	sadd.s32 s3, s9;
	s6 =	sadd.s32 @!p0 $0x88, s6;
	s7 =	simm.s32 @p2 $0x1082  }
0x22: {  	[simem:s7], [sflag:s8] =	dma.local @!p0 [hbm:s6], $0xF7A  }
0x23: {  	s9 =	sor.u32 $0xD0000000, s2;
	s6 =	simm.s32 $0x108;
	_ =	swait.ge @!p0 [sflag:s8], $0x0  }
0x24: {  	s3 =	sadd.s32 $0x88, s3;
	s6 =	simm.s32 @!p1 $0x1082;
	[sflag:s4] =	ssyncset.s32 $0xFFFFF086  }
0x25: {  	[simem:s6], [sflag:s4] =	dma.local [hbm:s3], $0xF7A  }
0x26: {  	[smem:$0x3F9F] =	sst s1;
	(tag) =	ssettag s2;
	_ =	strace s9  }
0x27: {  	s1 =	sld [smem:$0x3FAF]  }
0x28: {  	s2 =	sld [smem:$0x3FB0]  }
0x29: {  	s4 =	sld [smem:$0x3FB2]  }
0x2a: {  	p0 =	seq.s32 s5, $0x0;
	s5 =	sld [smem:$0x3FB3]  }
0x2b: {  	s6 =	sld [smem:$0x3FB4]  }
0x2c: {  	s7 =	sld [smem:$0x3FB5]  }
0x2d: {  	s3 =	simm.s32 $0x108;
	s8 =	sld [smem:$0x3FB6]  }
0x2e: {  	s3 =	simm.s32 @!p0 $0x1082;
	s9 =	sld [smem:$0x3FB7]  }
0x2f: {  	lr =	sadd.s32 s0, s3;
	s0 =	sld [smem:$0x3FAE]  }
0x30: {  	s3 =	sld [smem:$0x3FB1]  }
0x31: {  	[smem:$0x3FBA] =	sst s10  }
0x32: {  	s10 =	sld [smem:$0x3FB8];
	_ =	sdelay $0x3  }
0x33: {  	p0 =	seq.s32 s10, $0x1;
	s10 =	sld [smem:$0x3FBA];
	_ =	sdelay $0x3  }
0x34: {  	[smem:$0x3FBA] =	sst s10  }
0x35: {  	s10 =	sld [smem:$0x3FB9];
	_ =	sdelay $0x3  }
0x36: {  	p1 =	seq.s32 s10, $0x1;
	s10 =	sld [smem:$0x3FBA];
	_ =	sdelay $0x3  }
0x37: {  	[smem:$0x3FBA] =	sst s10  }
0x38: {  	s10 =	sld [smem:$0x3FBB]  }
0x39: {  	_ = 	snop;
	(pc) =	sbr.ind lr, $3  }
0x3a: {  	_ = 	snop  }
0x3b: {  	_ = 	snop  }
0x3c: {  	p2 =	seq.s32 s10, $0x1;
	s10 =	sld [smem:$0x3FBA]  }
0x3d: {  	_ =	shalt  }
0x3e: {  	_ =	shalt  }
0x3f: {  	_ =	shalt  }
0x40: {  	_ =	shalt  }
0x41: {  	_ =	shalt  }
0x42: {  	_ =	shalt  }
0x43: {  	_ =	shalt  }
0x44: {  	_ =	shalt  }
0x45: {  	_ =	shalt  }
0x46: {  	_ =	shalt  }
0x47: {  	_ =	shalt  }
0x48: {  	_ =	shalt  }
0x49: {  	_ =	shalt  }
0x4a: {  	_ =	shalt  }
0x4b: {  	_ =	shalt  }
0x4c: {  	_ =	shalt  }
0x4d: {  	_ =	shalt  }
0x4e: {  	_ =	shalt  }
0x4f: {  	_ =	shalt  }
0x50: {  	_ =	shalt  }
0x51: {  	_ =	shalt  }
0x52: {  	_ =	shalt  }
0x53: {  	_ =	shalt  }
0x54: {  	_ =	shalt  }
0x55: {  	_ =	shalt  }
0x56: {  	_ =	shalt  }
0x57: {  	_ =	shalt  }
0x58: {  	_ =	shalt  }
0x59: {  	_ =	shalt  }
0x5a: {  	_ =	shalt  }
0x5b: {  	_ =	shalt  }
0x5c: {  	_ =	shalt  }
0x5d: {  	_ =	shalt  }
0x5e: {  	_ =	shalt  }
0x5f: {  	_ =	shalt  }
0x60: {  	_ =	shalt  }
0x61: {  	_ =	shalt  }
0x62: {  	_ =	shalt  }
0x63: {  	_ =	shalt  }
0x64: {  	_ =	shalt  }
0x65: {  	_ =	shalt  }
0x66: {  	_ =	shalt  }
0x67: {  	_ =	shalt  }
0x68: {  	_ =	shalt  }
0x69: {  	_ =	shalt  }
0x6a: {  	_ =	shalt  }
0x6b: {  	_ =	shalt  }
0x6c: {  	_ =	shalt  }
0x6d: {  	_ =	shalt  }
0x6e: {  	_ =	shalt  }
0x6f: {  	_ =	shalt  }
0x70: {  	_ =	shalt  }
0x71: {  	_ =	shalt  }
0x72: {  	_ =	shalt  }
0x73: {  	_ =	shalt  }
0x74: {  	_ =	shalt  }
0x75: {  	_ =	shalt  }
0x76: {  	_ =	shalt  }
0x77: {  	_ =	shalt  }
0x78: {  	_ =	shalt  }
0x79: {  	_ =	shalt  }
0x7a: {  	_ =	shalt  }
0x7b: {  	_ =	shalt  }
0x7c: {  	_ =	shalt  }
0x7d: {  	_ =	shalt  }
0x7e: {  	_ =	shalt  }
0x7f: {  	_ =	shalt  }
0x80: {  	_ =	shalt  }
0x81: {  	_ =	shalt  }
0x82: {  	_ =	shalt  }
0x83: {  	_ =	shalt  }
0x84: {  	_ =	shalt  }
0x85: {  	_ =	shalt  }
0x86: {  	_ =	shalt  }
0x87: {  	_ =	shalt  }
.Lfunc_end0:
.L_simem_size_0:
called_computation_lowered:
.L_overlay_start_0:
0x88: {  	s2 =	sld [smem:$0x3FD9]  }
0x89: {  	s3 =	sld [smem:$0x3FFE];
	_ =	sdelay $0x1  }
0x8a: {  	s1 =	srdreg.scid  }
0x8b: {  	s0 =	sand.u32 $0x1, s1  }
0x8c: {  	s14 =	sshll.u32 s0, $0xA;
	s2 =	sadd.s32 s3, s2  }
0x8d: {  	s2 =	sadd.s32 s2, s14  }
0x8e: {  	[smem:$0x3FC6] =	sst s2  }
0x8f: {  	_ = 	snop  }
0x90: {  	s2 =	sld [smem:$0x3FD0];
	_ =	sdelay $0x2  }
0x91: {  	s15 =	simm.s32 $0xA;
	s4 =	simm.s32 $0x10  }
0x92: {  	[smem:s4], [sflag:s15] =	dma.local [hbm:s2], $0x1  }
0x93: {  	_ =	swait.eq [sflag:s15], $0x1  }
0x94: {  	[sflag:s15] =	ssyncset.done $0x0  }
0x95: {  	s16 =	sld [smem:$0x10];
	[sflag:s15] =	ssyncadd.s32 $0xFFFFFFFF  }
0x96: {  	s17 =	sld [smem:$0x11];
	(tm) =	ssettm $0x1  }
0x97: {  	s18 =	sld [smem:$0x3FFB];
	_ =	sdelay $0x3  }
0x98: {  	_ =	strace s18  }
0x99: {  	s4 =	sld [smem:$0x3FFC];
	_ =	sdelay $0x3  }
0x9a: {  	_ =	strace s4  }
0x9b: {  	s4 =	sld [smem:$0x3FFD];
	_ =	sdelay $0x3  }
0x9c: {  	_ =	strace s4  }
0x9d: {  	_ =	strace $0x8FFFFFFF  }
0x9e: {  	s19 =	sld [smem:$0x3FDB];
	_ =	sdelay $0x1  }
0x9f: {  	s5 =	simm.s32 $_scs_section_size  }
0xa0: {  	s6 =	simm.s32 $_size__tile_overlayer_lowered;
	s7 =	simm.s32 $_tile_overlayer_lowered  }
0xa1: {  	s22 =	simm.s32 $0x1BFF;
	s21 =	sshll.u32 s7, $0x1;
	s4 =	sadd.s32 s5, s19  }
0xa2: {  	s8 =	simm.s32 $0x0;
	s20 =	sshll.u32 s6, $0x1;
	s6 =	sadd.s32 s21, s4  }
0xa3: {  	[timem:s8], [sflag:s22] =	dma.local [hbm:s6], s20  }
0xa4: {  	_ =	swait.ge [sflag:s22], s20  }
0xa5: {  	s5 =	ssub.s32 $0x0, s20;
	[sflag:s22] =	ssyncset.done $0x0  }
0xa6: {  	[sflag:s22] =	ssyncadd.s32 s5;
	_ =	sdelay $0x1  }
0xa7: {  	s23 =	simm.s32 $0x1B8B  }
0xa8: {  	_ =	swait.ge [sflag:s23], $0x1  }
0xa9: {  	[sflag:s23] =	ssyncset.done $0x0  }
0xaa: {  	s25 =	simm.s32 $0x1B8E;
	s24 =	sld [smem:$0x3FFE];
	[sflag:s23] =	ssyncadd.s32 $0xFFFFFFFF  }
0xab: {  	s26 =	simm.s32 $execute0_lowered;
	[smem:$0x3FD2] =	sst s25  }
0xac: {  	s6 =	sshll.u32 s26, $0x1;
	_ =	strace $0x80000046;
	[dreg:$0x1] =	wrdreg $0xFFFFFFFF  }
0xad: {  	s28 =	simm.s32 $_size_execute0_lowered;
	s4 =	sadd.s32 s4, s6;
	[dreg:$0x0] =	wrdreg $0x0  }
0xae: {  	s6 =	sshll.u32 s28, $0x1;
	[dreg:$0x2] =	wrdreg s4  }
0xaf: {  	[dreg:$0x3] =	wrdreg s6  }
0xb0: {  	[dreg:$0x4] =	wrdreg $0xC0  }
0xb1: {  	_ =	task [dreg:s8], $0x5FFFF  }
0xb2: {  	[dreg:$0x1] =	wrdreg $0xFFFFFFFF  }
0xb3: {  	[dreg:$0x0] =	wrdreg $0x60  }
0xb4: {  	[dreg:$0x2] =	wrdreg s24  }
0xb5: {  	[dreg:$0x3] =	wrdreg s17  }
0xb6: {  	[dreg:$0x4] =	wrdreg s16  }
0xb7: {  	[dreg:$0x5] =	wrdreg $0x9  }
0xb8: {  	_ =	task.clear_ibuf [dreg:s8], $0x6FFFF;
	_ =	strace $0x90000046  }
0xb9: {  	s29 =	simm.s32 $0x9;
	_ =	strace $0x80000048  }
0xba: {  	_ =	swait.ge [sflag:s29], $0x1  }
0xbb: {  	[sflag:s29] =	ssyncadd.s32 $0xFFFFFFFF  }
0xbc: {  	_ =	strace $0x90000048  }
0xbd: {  	_ =	sfence  }
0xbe: {  	s30 =	sld [smem:$0x0];
	_ =	sdelay $0x2  }
0xbf: {  	s31 =	sshll.u32 s1, $0xD;
	s1 =	sshrl.u32 s1, $0x2  }
0xc0: {  	s3 =	sand.u32 $0x4000, s31;
	s1 =	sadd.s32 s1, s30  }
0xc1: {  	s0 =	sor.u32 s3, s0;
	s1 =	sshll.u32 s1, $0x11  }
0xc2: {  	s0 =	sor.u32 s1, s0  }
0xc3: {  	s0 =	sadd.s32 $0x8F2B, s0  }
0xc4: {  	[sflag:s0] =	ssyncadd.remote.s32 $0x1  }
0xc5: {  	_ =	sfence.sel $0xFFFF  }
0xc6: {  	[dreg:$0x0] =	wrdreg $0xFFFFFFFF;
	(pc) =	sbr.abs _section_cstart, $3  }
0xc7: {  	[dreg:$0x1] =	wrdreg $0xFFFFFFFF  }
0xc8: {  	_ =	task.clear_ibuf [dreg:s8], $0x2FFFF;
	_ =	strace $0x9FFFFFFF  }
0xc9: {  	(tm) =	ssettm $0x7FFFFFFF  }
tec
execute0_lowered:
.L_overlay_start_1:
0x0: {  	(tag) =	ssettag $0x1  }
0x1: {  	s4 =	rddreg [dreg:$0x0]  }
0x2: {  	s1 =	rddreg [dreg:$0x1]  }
0x3: {  	s5 =	rddreg [dreg:$0x2]  }
0x4: {  	s0 =	rddreg [dreg:$0x3];
	s6 =	srdreg.scid  }
0x5: {  	s3 =	simm.s32 $0x0;
	s2 =	stileid.u32;
	s14 =	simm.s32 $0x8  }
0x6: {  	s15 =	simm.s32 $0x100;
	s16 =	simm.s32 $0x2000;
	s17 =	simm.s32 $0x3  }
0x7: {  	s18 =	simm.s32 $0x4000;
	s19 =	simm.s32 $0x6000;
	s20 =	simm.s32 $0x1  }
0x8: {  	s21 =	simm.s32 $0x2;
	s22 =	simm.s32 $0x0;
	s6 =	sand.u32 $0x1, s6  }
0x9: {  	[smem:$0x7FF] =	sst s3;
	s7 =	sshll.u32 s2, $0x4;
	s8 =	sshll.u32 s6, $0x3  }
0xa: {  	_ =	strace $0x80000047;
	s6 =	ssub.s32 $0x2, s6;
	s7 =	sor.u32 s8, s7  }
0xb: {  	s9 =	sshrl.u32 s6, $0x1;
	s8 =	sshrl.u32 s7, $0x3;
	s7 =	sshll.u32 s7, $0x7  }
0xc: {  	s13 =	ssub.s32 s6, s9;
	s8 =	sadd.s32 s8, s4;
	s4 =	sadd.s32 s5, s7  }
0xd: {  	s13 =	smax.u32 s13, $0x1;
	s5 =	sadd.s32 $0x800, s8;
	s6 =	sadd.s32 $0x8000, s4  }
0xe: {  	s7 =	sadd.s32 $0x10000, s4;
	s8 =	sadd.s32 $0x18000, s4;
	s9 =	sadd.s32 $0x20000, s4  }
0xf: {  	s10 =	sadd.s32 $0x28000, s4;
	s11 =	sadd.s32 $0x30000, s4;
	s12 =	sadd.s32 $0x38000, s4  }
.LBB2_1:
0x10: {  	[tilespmem:s16], [sflag:$0x3] =	stream.strided.gather [hbm4b:s5+s14], $0x2000, s15, s14, $0x38;
	[tilespmem:$0x8000] =	vst v63  }
0x11: {  	_ =	swait.ge [sflag:s17], $0x2000  }
0x12: {  	[sflag:s17] =	ssyncset.done $0x0  }
0x13: {  	[sflag:s17] =	ssyncadd.s32 $0xFFFFE000  }
0x14: {  	[tilespmem:s3], [sflag:$0x3] =	stream.linear.gather [hbm4b:s1+s3], $0x2000, $0x38;
	[tilespmem:$0x8000] =	vst v63  }
0x15: {  	_ =	swait.ge [sflag:s17], $0x2000  }
0x16: {  	[sflag:s17] =	ssyncset.done $0x0  }
0x17: {  	s23 =	simm.s32 $0x40;
	[sflag:s17] =	ssyncadd.s32 $0xFFFFE000  }
0x18: {  	v0 =	vld [tilespmem:s23+$0x30]  }
0x19: {  	v1 =	vld [tilespmem:s23+$0xFFFFFFD0]  }
0x1a: {  	v2 =	vld [tilespmem:s23+$0xFFFFFFE0]  }
0x1b: {  	v3 =	vld [tilespmem:s23+$0xFFFFFFF0]  }
0x1c: {  	v6 =	vld [tilespmem:s23+$0x0]  }
0x1d: {  	v8 =	vld [tilespmem:s23+$0x10];
	v7 =	vshll.u32 v0, $0x3  }
0x1e: {  	v9 =	vld [tilespmem:s23+$0xFFFFFFC0];
	v5 =	vshll.u32 v1, $0x3  }
0x1f: {  	v1 =	vld [tilespmem:s23+$0x20];
	v4 =	vshll.u32 v2, $0x3  }
0x20: {  	v3 =	vshll.u32 v3, $0x3  }
0x21: {  	v2 =	vshll.u32 v6, $0x3  }
0x22: {  	v0 =	vshll.u32 v8, $0x3;
	v8 =	vld.idx.msk [tilespmem:v7+s16+$0x0], $0xffff  }
0x23: {  	v6 =	vshll.u32 v9, $0x3;
	v10 =	vld.idx.msk [tilespmem:v5+s16+$0x0], $0xffff  }
0x24: {  	v1 =	vshll.u32 v1, $0x3;
	v11 =	vld.idx.msk [tilespmem:v4+s16+$0x0], $0xffff  }
0x25: {  	v12 =	vor.u32 $0x1, v7;
	v9 =	vld.idx.msk [tilespmem:v3+s16+$0x0], $0xffff  }
0x26: {  	v13 =	vor.u32 $0x1, v5;
	v14 =	vld.idx.msk [tilespmem:v2+s16+$0x0], $0xffff  }
0x27: {  	s23 =	simm.s32 $0x5000;
	v15 =	vor.u32 $0x1, v4;
	v16 =	vld.idx.msk [tilespmem:v0+s16+$0x0], $0xffff  }
0x28: {  	v17 =	vor.u32 $0x1, v3;
	v19 =	vld.idx.msk [tilespmem:v6+s16+$0x0], $0xffff;
	[tilespmem:s23+$0xFFFFF070] =	vst v8  }
0x29: {  	v26 =	vor.u32 $0x1, v0;
	v18 =	vld.idx.msk [tilespmem:v1+s16+$0x0], $0xffff;
	[tilespmem:s23+$0xFFFFF010] =	vst v10  }
0x2a: {  	v27 =	vor.u32 $0x1, v6;
	[tilespmem:s23+$0xFFFFF020] =	vst v11;
	v10 =	vld.idx.msk [tilespmem:v12+s16+$0x0], $0xffff  }
0x2b: {  	v8 =	vor.u32 $0x1, v2;
	[tilespmem:s23+$0xFFFFF030] =	vst v9;
	v11 =	vld.idx.msk [tilespmem:v13+s16+$0x0], $0xffff  }
0x2c: {  	v28 =	vor.u32 $0x1, v1;
	[tilespmem:s23+$0xFFFFF040] =	vst v14;
	v15 =	vld.idx.msk [tilespmem:v15+s16+$0x0], $0xffff  }
0x2d: {  	v9 =	vor.u32 $0x2, v7;
	[tilespmem:s23+$0xFFFFF050] =	vst v16;
	v17 =	vld.idx.msk [tilespmem:v17+s16+$0x0], $0xffff  }
0x2e: {  	v29 =	vor.u32 $0x2, v5;
	[tilespmem:s23+$0xFFFFF000] =	vst v19;
	v12 =	vld.idx.msk [tilespmem:v26+s16+$0x0], $0xffff  }
0x2f: {  	v30 =	vor.u32 $0x2, v4;
	v13 =	vld.idx.msk [tilespmem:v27+s16+$0x0], $0xffff;
	[tilespmem:s23+$0xFFFFF060] =	vst v18  }
0x30: {  	v33 =	vor.u32 $0x2, v6;
	v8 =	vld.idx.msk [tilespmem:v8+s16+$0x0], $0xffff;
	[tilespmem:s23+$0xFFFFF470] =	vst v10  }
0x31: {  	v10 =	vor.u32 $0x2, v3;
	[tilespmem:s23+$0xFFFFF410] =	vst v11;
	v11 =	vld.idx.msk [tilespmem:v28+s16+$0x0], $0xffff  }
0x32: {  	v31 =	vor.u32 $0x2, v2;
	[tilespmem:s23+$0xFFFFF420] =	vst v15;
	v9 =	vld.idx.msk [tilespmem:v9+s16+$0x0], $0xffff  }
0x33: {  	v34 =	vor.u32 $0x2, v0;
	[tilespmem:s23+$0xFFFFF430] =	vst v17;
	v16 =	vld.idx.msk [tilespmem:v29+s16+$0x0], $0xffff  }
0x34: {  	v32 =	vor.u32 $0x3, v7;
	[tilespmem:s23+$0xFFFFF400] =	vst v13;
	v18 =	vld.idx.msk [tilespmem:v30+s16+$0x0], $0xffff  }
0x35: {  	v35 =	vor.u32 $0x3, v5;
	[tilespmem:s23+$0xFFFFF450] =	vst v12;
	v15 =	vld.idx.msk [tilespmem:v33+s16+$0x0], $0xffff  }
0x36: {  	v39 =	vor.u32 $0x3, v6;
	[tilespmem:s23+$0xFFFFF440] =	vst v8;
	v10 =	vld.idx.msk [tilespmem:v10+s16+$0x0], $0xffff  }
0x37: {  	v8 =	vor.u32 $0x2, v1;
	v19 =	vld.idx.msk [tilespmem:v31+s16+$0x0], $0xffff;
	[tilespmem:s23+$0xFFFFF460] =	vst v11  }
0x38: {  	v11 =	vld.idx.msk [tilespmem:v34+s16+$0x0], $0xffff;
	[tilespmem:s23+$0xFFFFF870] =	vst v9;
	v9 =	vor.u32 $0x3, v4  }
0x39: {  	v37 =	vor.u32 $0x3, v3;
	[tilespmem:s23+$0xFFFFF810] =	vst v16;
	v36 =	vld.idx.msk [tilespmem:v32+s16+$0x0], $0xffff  }
0x3a: {  	v40 =	vor.u32 $0x3, v2;
	[tilespmem:s23+$0xFFFFF800] =	vst v15;
	v12 =	vld.idx.msk [tilespmem:v35+s16+$0x0], $0xffff  }
0x3b: {  	v38 =	vor.u32 $0x4, v7;
	[tilespmem:s23+$0xFFFFF820] =	vst v18;
	v17 =	vld.idx.msk [tilespmem:v39+s16+$0x0], $0xffff  }
0x3c: {  	v42 =	vor.u32 $0x4, v5;
	v8 =	vld.idx.msk [tilespmem:v8+s16+$0x0], $0xffff;
	[tilespmem:s23+$0xFFFFF830] =	vst v10  }
0x3d: {  	v45 =	vor.u32 $0x4, v6;
	[tilespmem:s23+$0xFFFFF840] =	vst v19;
	v9 =	vld.idx.msk [tilespmem:v9+s16+$0x0], $0xffff  }
0x3e: {  	v10 =	vor.u32 $0x3, v0;
	[tilespmem:s23+$0xFFFFF850] =	vst v11;
	v14 =	vld.idx.msk [tilespmem:v37+s16+$0x0], $0xffff  }
0x3f: {  	v41 =	vor.u32 $0x3, v1;
	v11 =	vld.idx.msk [tilespmem:v40+s16+$0x0], $0xffff;
	[tilespmem:s23+$0xFFFFFC70] =	vst v36  }
0x40: {  	v44 =	vor.u32 $0x4, v4;
	[tilespmem:s23+$0xFFFFFC10] =	vst v12;
	v43 =	vld.idx.msk [tilespmem:v38+s16+$0x0], $0xffff  }
0x41: {  	v46 =	vor.u32 $0x4, v3;
	[tilespmem:s23+$0xFFFFFC00] =	vst v17;
	v13 =	vld.idx.msk [tilespmem:v42+s16+$0x0], $0xffff  }
0x42: {  	v47 =	vor.u32 $0x4, v2;
	v18 =	vld.idx.msk [tilespmem:v45+s16+$0x0], $0xffff;
	[tilespmem:s23+$0xFFFFF860] =	vst v8  }
0x43: {  	v8 =	vor.u32 $0x5, v7;
	v10 =	vld.idx.msk [tilespmem:v10+s16+$0x0], $0xffff;
	[tilespmem:s23+$0xFFFFFC20] =	vst v9  }
0x44: {  	v50 =	vor.u32 $0x5, v5;
	v9 =	vld.idx.msk [tilespmem:v41+s16+$0x0], $0xffff;
	[tilespmem:s23+$0xFFFFFC30] =	vst v14  }
0x45: {  	v51 =	vor.u32 $0x5, v6;
	[tilespmem:s23+$0xFFFFFC40] =	vst v11;
	v16 =	vld.idx.msk [tilespmem:v44+s16+$0x0], $0xffff  }
0x46: {  	v48 =	vor.u32 $0x4, v0;
	v11 =	vld.idx.msk [tilespmem:v46+s16+$0x0], $0xffff;
	[tilespmem:s23+$0x70] =	vst v43  }
0x47: {  	v49 =	vor.u32 $0x4, v1;
	v19 =	vld.idx.msk [tilespmem:v47+s16+$0x0], $0xffff;
	[tilespmem:s23+$0x10] =	vst v13  }
0x48: {  	v53 =	vor.u32 $0x5, v3;
	[tilespmem:s23+$0x0] =	vst v18;
	v8 =	vld.idx.msk [tilespmem:v8+s16+$0x0], $0xffff  }
0x49: {  	v54 =	vor.u32 $0x5, v2;
	v17 =	vld.idx.msk [tilespmem:v50+s16+$0x0], $0xffff;
	[tilespmem:s23+$0xFFFFFC50] =	vst v10  }
0x4a: {  	v12 =	vld.idx.msk [tilespmem:v51+s16+$0x0], $0xffff;
	v10 =	vor.u32 $0x6, v7;
	[tilespmem:s23+$0xFFFFFC60] =	vst v9  }
0x4b: {  	v56 =	vor.u32 $0x6, v5;
	v52 =	vld.idx.msk [tilespmem:v48+s16+$0x0], $0xffff;
	[tilespmem:s23+$0x20] =	vst v16  }
0x4c: {  	v9 =	vor.u32 $0x5, v4;
	v15 =	vld.idx.msk [tilespmem:v49+s16+$0x0], $0xffff;
	[tilespmem:s23+$0x30] =	vst v11  }
0x4d: {  	[tilespmem:s23+$0x40] =	vst v19;
	v11 =	vor.u32 $0x6, v6;
	v14 =	vld.idx.msk [tilespmem:v53+s16+$0x0], $0xffff  }
0x4e: {  	v55 =	vor.u32 $0x5, v1;
	v16 =	vld.idx.msk [tilespmem:v54+s16+$0x0], $0xffff;
	[tilespmem:s23+$0x470] =	vst v8  }
0x4f: {  	v8 =	vor.u32 $0x5, v0;
	[tilespmem:s23+$0x410] =	vst v17;
	v10 =	vld.idx.msk [tilespmem:v10+s16+$0x0], $0xffff  }
0x50: {  	v58 =	vor.u32 $0x6, v3;
	[tilespmem:s23+$0x400] =	vst v12;
	v13 =	vld.idx.msk [tilespmem:v56+s16+$0x0], $0xffff  }
0x51: {  	v7 =	vor.u32 $0x7, v7;
	v9 =	vld.idx.msk [tilespmem:v9+s16+$0x0], $0xffff;
	[tilespmem:s23+$0x50] =	vst v52  }
0x52: {  	v57 =	vor.u32 $0x6, v4;
	[tilespmem:s23+$0x60] =	vst v15;
	v11 =	vld.idx.msk [tilespmem:v11+s16+$0x0], $0xffff  }
0x53: {  	v6 =	vor.u32 $0x7, v6;
	v18 =	vld.idx.msk [tilespmem:v55+s16+$0x0], $0xffff;
	[tilespmem:s23+$0x430] =	vst v14  }
0x54: {  	v8 =	vld.idx.msk [tilespmem:v8+s16+$0x0], $0xffff;
	[tilespmem:s23+$0x870] =	vst v10;
	v10 =	vor.u32 $0x6, v2  }
0x55: {  	v59 =	vor.u32 $0x6, v0;
	[tilespmem:s23+$0x440] =	vst v16;
	v61 =	vld.idx.msk [tilespmem:v58+s16+$0x0], $0xffff  }
0x56: {  	v7 =	vld.idx.msk [tilespmem:v7+s16+$0x0], $0xffff;
	[tilespmem:s23+$0x420] =	vst v9;
	v9 =	vor.u32 $0x6, v1  }
0x57: {  	v5 =	vor.u32 $0x7, v5;
	v60 =	vld.idx.msk [tilespmem:v57+s16+$0x0], $0xffff;
	[tilespmem:s23+$0x800] =	vst v11  }
0x58: {  	v62 =	vor.u32 $0x7, v3;
	v4 =	vor.u32 $0x7, v4;
	[tilespmem:s23+$0x810] =	vst v13;
	v3 =	vld.idx.msk [tilespmem:v6+s16+$0x0], $0xffff  }
0x59: {  	[tilespmem:s23+$0x450] =	vst v8;
	v10 =	vld.idx.msk [tilespmem:v10+s16+$0x0], $0xffff  }
0x5a: {  	v63 =	vor.u32 $0x7, v2;
	[tilespmem:s23+$0x460] =	vst v18;
	v12 =	vld.idx.msk [tilespmem:v59+s16+$0x0], $0xffff  }
0x5b: {  	[tilespmem:s23+$0xC70] =	vst v7;
	v8 =	vld.idx.msk [tilespmem:v9+s16+$0x0], $0xffff  }
0x5c: {  	v7 =	vld.idx.msk [tilespmem:v5+s16+$0x0], $0xffff;
	[tilespmem:s23+$0x820] =	vst v60  }
0x5d: {  	[tilespmem:s23+$0x830] =	vst v61;
	v5 =	vld.idx.msk [tilespmem:v4+s16+$0x0], $0xffff  }
0x5e: {  	v4 =	vld.idx.msk [tilespmem:v62+s16+$0x0], $0xffff;
	[tilespmem:s23+$0x840] =	vst v10  }
0x5f: {  	s24 =	simm.s32 $0x0;
	s25 =	simm.s32 $0xC0;
	v2 =	vor.u32 $0x7, v0;
	v1 =	vor.u32 $0x7, v1;
	[tilespmem:s23+$0x850] =	vst v12;
	v6 =	vld.idx.msk [tilespmem:v63+s16+$0x0], $0xffff  }
.LBB2_2:
0x60: {  	v0 =	vld [tilespmem:s25+$0x30];
	s24 =	sadd.s32 $0x8, s24;
	[tilespmem:s23+$0x860] =	vst v8  }
0x61: {  	v8 =	vld [tilespmem:s25+$0xFFFFFFD0];
	p0 =	slt.u32 s24, $0x38;
	[tilespmem:s23+$0xC00] =	vst v3  }
0x62: {  	v3 =	vld [tilespmem:s25+$0xFFFFFFE0];
	[tilespmem:s23+$0xC10] =	vst v7  }
0x63: {  	v7 =	vld [tilespmem:s25+$0xFFFFFFF0];
	[tilespmem:s23+$0xC20] =	vst v5  }
0x64: {  	v5 =	vld [tilespmem:s25+$0x0];
	[tilespmem:s23+$0xC30] =	vst v4  }
0x65: {  	v4 =	vld [tilespmem:s25+$0x10];
	v0 =	vshll.u32 v0, $0x3;
	[tilespmem:s23+$0xC40] =	vst v6  }
0x66: {  	v6 =	vshll.u32 v8, $0x3;
	v8 =	vld [tilespmem:s25+$0x20]  }
0x67: {  	v9 =	vld [tilespmem:s25+$0xFFFFFFC0];
	v10 =	vor.u32 $0x1, v6;
	v17 =	vor.u32 $0x2, v6;
	v18 =	vshll.u32 v3, $0x3  }
0x68: {  	v3 =	vor.u32 $0x1, v18;
	v19 =	vor.u32 $0x2, v18;
	v20 =	vshll.u32 v7, $0x3;
	v2 =	vld.idx.msk [tilespmem:v2+s16+$0x0], $0xffff  }
0x69: {  	v7 =	vor.u32 $0x1, v20;
	v21 =	vor.u32 $0x2, v20;
	v22 =	vshll.u32 v5, $0x3;
	v1 =	vld.idx.msk [tilespmem:v1+s16+$0x0], $0xffff  }
0x6a: {  	v5 =	vor.u32 $0x1, v22;
	v23 =	vor.u32 $0x2, v22;
	v24 =	vshll.u32 v4, $0x3;
	v4 =	vld.idx.msk [tilespmem:v0+s16+$0x0], $0xffff  }
0x6b: {  	v11 =	vld.idx.msk [tilespmem:v6+s16+$0x0], $0xffff;
	v12 =	vor.u32 $0x1, v24;
	v25 =	vor.u32 $0x2, v24;
	v26 =	vshll.u32 v8, $0x3  }
0x6c: {  	v13 =	vor.u32 $0x1, v0;
	v8 =	vshll.u32 v9, $0x3;
	v9 =	vld.idx.msk [tilespmem:v18+s16+$0x0], $0xffff;
	v27 =	vor.u32 $0x1, v26  }
0x6d: {  	v30 =	vor.u32 $0x2, v26;
	v28 =	vor.u32 $0x1, v8;
	v29 =	vor.u32 $0x2, v8;
	v14 =	vld.idx.msk [tilespmem:v20+s16+$0x0], $0xffff  }
0x6e: {  	v32 =	vor.u32 $0x3, v6;
	v33 =	vor.u32 $0x3, v18;
	v31 =	vor.u32 $0x3, v8;
	v16 =	vld.idx.msk [tilespmem:v22+s16+$0x0], $0xffff;
	[tilespmem:s23+$0xC50] =	vst v2  }
0x6f: {  	v34 =	vor.u32 $0x3, v20;
	v35 =	vor.u32 $0x3, v22;
	v36 =	vor.u32 $0x3, v24;
	v2 =	vld.idx.msk [tilespmem:v24+s16+$0x0], $0xffff;
	[tilespmem:s23+$0xC60] =	vst v1;
	s23 =	sadd.s32 $0x80, s23  }
0x70: {  	v38 =	vor.u32 $0x4, v6;
	v39 =	vor.u32 $0x3, v26;
	v37 =	vor.u32 $0x4, v8;
	v1 =	vld.idx.msk [tilespmem:v26+s16+$0x0], $0xffff;
	[tilespmem:s23+$0xFFFFF070] =	vst v4  }
0x71: {  	v40 =	vor.u32 $0x4, v18;
	v41 =	vor.u32 $0x4, v20;
	v42 =	vor.u32 $0x4, v22;
	[tilespmem:s23+$0xFFFFF010] =	vst v11;
	v4 =	vld.idx.msk [tilespmem:v13+s16+$0x0], $0xffff  }
0x72: {  	v44 =	vor.u32 $0x4, v24;
	v45 =	vor.u32 $0x4, v26;
	v15 =	vor.u32 $0x5, v8;
	v43 =	vld.idx.msk [tilespmem:v8+s16+$0x0], $0xffff;
	[tilespmem:s23+$0xFFFFF020] =	vst v9  }
0x73: {  	v49 =	vor.u32 $0x2, v0;
	v47 =	vor.u32 $0x5, v6;
	v48 =	vor.u32 $0x5, v18;
	v46 =	vld.idx.msk [tilespmem:v10+s16+$0x0], $0xffff;
	[tilespmem:s23+$0xFFFFF030] =	vst v14  }
0x74: {  	v51 =	vor.u32 $0x5, v20;
	v52 =	vor.u32 $0x5, v22;
	v50 =	vld.idx.msk [tilespmem:v3+s16+$0x0], $0xffff;
	[tilespmem:s23+$0xFFFFF040] =	vst v16;
	v16 =	vor.u32 $0x5, v24  }
0x75: {  	v54 =	vor.u32 $0x5, v26;
	v13 =	vor.u32 $0x6, v8;
	v10 =	vor.u32 $0x6, v6;
	v53 =	vld.idx.msk [tilespmem:v7+s16+$0x0], $0xffff;
	[tilespmem:s23+$0xFFFFF050] =	vst v2  }
0x76: {  	v11 =	vor.u32 $0x6, v20;
	v9 =	vor.u32 $0x6, v22;
	v14 =	vor.u32 $0x6, v18;
	v55 =	vld.idx.msk [tilespmem:v5+s16+$0x0], $0xffff;
	[tilespmem:s23+$0xFFFFF060] =	vst v1  }
0x77: {  	v3 =	vor.u32 $0x7, v8;
	v8 =	vor.u32 $0x6, v26;
	v56 =	vld.idx.msk [tilespmem:v12+s16+$0x0], $0xffff;
	v12 =	vor.u32 $0x6, v24;
	[tilespmem:s23+$0xFFFFF470] =	vst v4  }
0x78: {  	v7 =	vor.u32 $0x7, v6;
	v5 =	vor.u32 $0x7, v18;
	v4 =	vor.u32 $0x7, v20;
	[tilespmem:s23+$0xFFFFF000] =	vst v43;
	v18 =	vld.idx.msk [tilespmem:v49+s16+$0x0], $0xffff  }
0x79: {  	v6 =	vor.u32 $0x7, v22;
	v2 =	vor.u32 $0x7, v24;
	v1 =	vor.u32 $0x7, v26;
	v20 =	vld.idx.msk [tilespmem:v28+s16+$0x0], $0xffff;
	[tilespmem:s23+$0xFFFFF410] =	vst v46  }
0x7a: {  	v24 =	vor.u32 $0x3, v0;
	[tilespmem:s23+$0xFFFFF420] =	vst v50;
	v22 =	vld.idx.msk [tilespmem:v27+s16+$0x0], $0xffff  }
0x7b: {  	v17 =	vld.idx.msk [tilespmem:v17+s16+$0x0], $0xffff;
	[tilespmem:s23+$0xFFFFF430] =	vst v53  }
0x7c: {  	v19 =	vld.idx.msk [tilespmem:v19+s16+$0x0], $0xffff;
	[tilespmem:s23+$0xFFFFF440] =	vst v55  }
0x7d: {  	v21 =	vld.idx.msk [tilespmem:v21+s16+$0x0], $0xffff;
	[tilespmem:s23+$0xFFFFF450] =	vst v56  }
0x7e: {  	v23 =	vld.idx.msk [tilespmem:v23+s16+$0x0], $0xffff;
	[tilespmem:s23+$0xFFFFF870] =	vst v18  }
0x7f: {  	[tilespmem:s23+$0xFFFFF400] =	vst v20;
	v18 =	vld.idx.msk [tilespmem:v24+s16+$0x0], $0xffff  }
0x80: {  	v20 =	vld.idx.msk [tilespmem:v29+s16+$0x0], $0xffff;
	[tilespmem:s23+$0xFFFFF460] =	vst v22  }
0x81: {  	v22 =	vor.u32 $0x4, v0;
	[tilespmem:s23+$0xFFFFF810] =	vst v17;
	v17 =	vld.idx.msk [tilespmem:v25+s16+$0x0], $0xffff  }
0x82: {  	[tilespmem:s23+$0xFFFFF820] =	vst v19;
	v19 =	vld.idx.msk [tilespmem:v30+s16+$0x0], $0xffff  }
0x83: {  	v24 =	vld.idx.msk [tilespmem:v32+s16+$0x0], $0xffff;
	[tilespmem:s23+$0xFFFFF830] =	vst v21  }
0x84: {  	v21 =	vld.idx.msk [tilespmem:v33+s16+$0x0], $0xffff;
	[tilespmem:s23+$0xFFFFF840] =	vst v23  }
0x85: {  	v23 =	vld.idx.msk [tilespmem:v34+s16+$0x0], $0xffff;
	[tilespmem:s23+$0xFFFFFC70] =	vst v18  }
0x86: {  	[tilespmem:s23+$0xFFFFF800] =	vst v20;
	v18 =	vld.idx.msk [tilespmem:v22+s16+$0x0], $0xffff  }
0x87: {  	v20 =	vld.idx.msk [tilespmem:v31+s16+$0x0], $0xffff;
	[tilespmem:s23+$0xFFFFF850] =	vst v17  }
0x88: {  	v17 =	vld.idx.msk [tilespmem:v35+s16+$0x0], $0xffff;
	[tilespmem:s23+$0xFFFFF860] =	vst v19;
	v19 =	vor.u32 $0x5, v0  }
0x89: {  	[tilespmem:s23+$0xFFFFFC10] =	vst v24;
	v22 =	vld.idx.msk [tilespmem:v36+s16+$0x0], $0xffff  }
0x8a: {  	[tilespmem:s23+$0xFFFFFC20] =	vst v21;
	v21 =	vld.idx.msk [tilespmem:v39+s16+$0x0], $0xffff  }
0x8b: {  	v24 =	vld.idx.msk [tilespmem:v38+s16+$0x0], $0xffff;
	[tilespmem:s23+$0xFFFFFC30] =	vst v23  }
0x8c: {  	v23 =	vld.idx.msk [tilespmem:v40+s16+$0x0], $0xffff;
	[tilespmem:s23+$0x70] =	vst v18  }
0x8d: {  	[tilespmem:s23+$0xFFFFFC00] =	vst v20;
	v18 =	vld.idx.msk [tilespmem:v19+s16+$0x0], $0xffff  }
0x8e: {  	v19 =	vld.idx.msk [tilespmem:v37+s16+$0x0], $0xffff;
	[tilespmem:s23+$0xFFFFFC40] =	vst v17  }
0x8f: {  	v20 =	vor.u32 $0x6, v0;
	v17 =	vld.idx.msk [tilespmem:v41+s16+$0x0], $0xffff;
	[tilespmem:s23+$0xFFFFFC50] =	vst v22  }
0x90: {  	v22 =	vld.idx.msk [tilespmem:v42+s16+$0x0], $0xffff;
	[tilespmem:s23+$0xFFFFFC60] =	vst v21  }
0x91: {  	[tilespmem:s23+$0x10] =	vst v24;
	v21 =	vld.idx.msk [tilespmem:v44+s16+$0x0], $0xffff  }
0x92: {  	[tilespmem:s23+$0x20] =	vst v23;
	v23 =	vld.idx.msk [tilespmem:v45+s16+$0x0], $0xffff  }
0x93: {  	v24 =	vld.idx.msk [tilespmem:v47+s16+$0x0], $0xffff;
	[tilespmem:s23+$0x470] =	vst v18  }
0x94: {  	[tilespmem:s23+$0x0] =	vst v19;
	v18 =	vld.idx.msk [tilespmem:v20+s16+$0x0], $0xffff  }
0x95: {  	v15 =	vld.idx.msk [tilespmem:v15+s16+$0x0], $0xffff;
	[tilespmem:s23+$0x30] =	vst v17  }
0x96: {  	v0 =	vor.u32 $0x7, v0;
	v17 =	vld.idx.msk [tilespmem:v48+s16+$0x0], $0xffff;
	[tilespmem:s23+$0x40] =	vst v22  }
0x97: {  	v19 =	vld.idx.msk [tilespmem:v51+s16+$0x0], $0xffff;
	[tilespmem:s23+$0x50] =	vst v21  }
0x98: {  	v20 =	vld.idx.msk [tilespmem:v52+s16+$0x0], $0xffff;
	[tilespmem:s23+$0x60] =	vst v23  }
0x99: {  	[tilespmem:s23+$0x410] =	vst v24;
	v16 =	vld.idx.msk [tilespmem:v16+s16+$0x0], $0xffff  }
0x9a: {  	v21 =	vld.idx.msk [tilespmem:v54+s16+$0x0], $0xffff;
	[tilespmem:s23+$0x870] =	vst v18  }
0x9b: {  	[tilespmem:s23+$0x400] =	vst v15;
	v0 =	vld.idx.msk [tilespmem:v0+s16+$0x0], $0xffff  }
0x9c: {  	v13 =	vld.idx.msk [tilespmem:v13+s16+$0x0], $0xffff;
	[tilespmem:s23+$0x420] =	vst v17  }
0x9d: {  	v10 =	vld.idx.msk [tilespmem:v10+s16+$0x0], $0xffff;
	[tilespmem:s23+$0x430] =	vst v19  }
0x9e: {  	v14 =	vld.idx.msk [tilespmem:v14+s16+$0x0], $0xffff;
	[tilespmem:s23+$0x440] =	vst v20  }
0x9f: {  	v11 =	vld.idx.msk [tilespmem:v11+s16+$0x0], $0xffff;
	[tilespmem:s23+$0x450] =	vst v16  }
0xa0: {  	v9 =	vld.idx.msk [tilespmem:v9+s16+$0x0], $0xffff;
	[tilespmem:s23+$0x460] =	vst v21  }
0xa1: {  	v12 =	vld.idx.msk [tilespmem:v12+s16+$0x0], $0xffff;
	[tilespmem:s23+$0xC70] =	vst v0  }
0xa2: {  	[tilespmem:s23+$0x800] =	vst v13;
	v8 =	vld.idx.msk [tilespmem:v8+s16+$0x0], $0xffff  }
.Ltmp0:
0xa3: {  	v3 =	vld.idx.msk [tilespmem:v3+s16+$0x0], $0xffff;
	[tilespmem:s23+$0x810] =	vst v10;
	(pc) =	sbr.rel @p0 .LBB2_2-.Ltmp0, $4  }
0xa4: {  	v7 =	vld.idx.msk [tilespmem:v7+s16+$0x0], $0xffff;
	[tilespmem:s23+$0x820] =	vst v14  }
0xa5: {  	v5 =	vld.idx.msk [tilespmem:v5+s16+$0x0], $0xffff;
	[tilespmem:s23+$0x830] =	vst v11  }
0xa6: {  	v4 =	vld.idx.msk [tilespmem:v4+s16+$0x0], $0xffff;
	[tilespmem:s23+$0x840] =	vst v9  }
0xa7: {  	s25 =	sadd.s32 $0x80, s25;
	v6 =	vld.idx.msk [tilespmem:v6+s16+$0x0], $0xffff;
	[tilespmem:s23+$0x850] =	vst v12  }
0xa8: {  	_ =	sdelay $0x2  }
0xa9: {  	[tilespmem:s23+$0x860] =	vst v8  }
0xaa: {  	[tilespmem:s23+$0xC00] =	vst v3;
	v0 =	vld.idx.msk [tilespmem:v2+s16+$0x0], $0xffff  }
0xab: {  	[tilespmem:s23+$0xC10] =	vst v7;
	v1 =	vld.idx.msk [tilespmem:v1+s16+$0x0], $0xffff  }
0xac: {  	[tilespmem:s23+$0xC20] =	vst v5  }
0xad: {  	[tilespmem:s23+$0xC30] =	vst v4  }
0xae: {  	[tilespmem:s23+$0xC40] =	vst v6  }
0xaf: {  	[tilespmem:s23+$0xC50] =	vst v0  }
0xb0: {  	s31 =	simm.s32 $0x470;
	[tilespmem:s23+$0xC60] =	vst v1  }
0xb1: {  	[hbm4b:s4+s3] =	stream.linear.scatter [tilespmem:s18], [sflag:$0x1], $0x2000, $0x38;
	[tilespmem:$0x8000] =	vst v63  }
0xb2: {  	v0 =	vld [tilespmem:s31+$0x0]  }
0xb3: {  	v1 =	vld [tilespmem:s31+$0xFFFFFFA0]  }
0xb4: {  	v2 =	vld [tilespmem:s31+$0xFFFFFFB0]  }
0xb5: {  	v3 =	vld [tilespmem:s31+$0xFFFFFFC0]  }
0xb6: {  	v6 =	vld [tilespmem:s31+$0xFFFFFFD0]  }
0xb7: {  	v8 =	vld [tilespmem:s31+$0xFFFFFFE0];
	v7 =	vshll.u32 v0, $0x3  }
0xb8: {  	v9 =	vld [tilespmem:s31+$0xFFFFFF90];
	v5 =	vshll.u32 v1, $0x3  }
0xb9: {  	v1 =	vld [tilespmem:s31+$0xFFFFFFF0];
	v4 =	vshll.u32 v2, $0x3  }
0xba: {  	v3 =	vshll.u32 v3, $0x3  }
0xbb: {  	v2 =	vshll.u32 v6, $0x3  }
0xbc: {  	v0 =	vshll.u32 v8, $0x3;
	v8 =	vld.idx.msk [tilespmem:v7+s16+$0x0], $0xffff  }
0xbd: {  	v6 =	vshll.u32 v9, $0x3;
	v10 =	vld.idx.msk [tilespmem:v5+s16+$0x0], $0xffff  }
0xbe: {  	v1 =	vshll.u32 v1, $0x3;
	v11 =	vld.idx.msk [tilespmem:v4+s16+$0x0], $0xffff  }
0xbf: {  	v12 =	vor.u32 $0x1, v7;
	v9 =	vld.idx.msk [tilespmem:v3+s16+$0x0], $0xffff  }
0xc0: {  	v13 =	vor.u32 $0x1, v5;
	v14 =	vld.idx.msk [tilespmem:v2+s16+$0x0], $0xffff  }
0xc1: {  	s23 =	simm.s32 $0x7000;
	v15 =	vor.u32 $0x1, v4;
	v16 =	vld.idx.msk [tilespmem:v0+s16+$0x0], $0xffff  }
0xc2: {  	v17 =	vor.u32 $0x1, v3;
	v19 =	vld.idx.msk [tilespmem:v6+s16+$0x0], $0xffff;
	[tilespmem:s23+$0xFFFFF070] =	vst v8  }
0xc3: {  	v26 =	vor.u32 $0x1, v0;
	v18 =	vld.idx.msk [tilespmem:v1+s16+$0x0], $0xffff;
	[tilespmem:s23+$0xFFFFF010] =	vst v10  }
0xc4: {  	v27 =	vor.u32 $0x1, v6;
	[tilespmem:s23+$0xFFFFF020] =	vst v11;
	v10 =	vld.idx.msk [tilespmem:v12+s16+$0x0], $0xffff  }
0xc5: {  	v8 =	vor.u32 $0x1, v2;
	[tilespmem:s23+$0xFFFFF030] =	vst v9;
	v11 =	vld.idx.msk [tilespmem:v13+s16+$0x0], $0xffff  }
0xc6: {  	v28 =	vor.u32 $0x1, v1;
	[tilespmem:s23+$0xFFFFF040] =	vst v14;
	v15 =	vld.idx.msk [tilespmem:v15+s16+$0x0], $0xffff  }
0xc7: {  	v9 =	vor.u32 $0x2, v7;
	[tilespmem:s23+$0xFFFFF050] =	vst v16;
	v17 =	vld.idx.msk [tilespmem:v17+s16+$0x0], $0xffff  }
0xc8: {  	v29 =	vor.u32 $0x2, v5;
	[tilespmem:s23+$0xFFFFF000] =	vst v19;
	v12 =	vld.idx.msk [tilespmem:v26+s16+$0x0], $0xffff  }
0xc9: {  	v30 =	vor.u32 $0x2, v4;
	v13 =	vld.idx.msk [tilespmem:v27+s16+$0x0], $0xffff;
	[tilespmem:s23+$0xFFFFF060] =	vst v18  }
0xca: {  	v33 =	vor.u32 $0x2, v6;
	v8 =	vld.idx.msk [tilespmem:v8+s16+$0x0], $0xffff;
	[tilespmem:s23+$0xFFFFF470] =	vst v10  }
0xcb: {  	v10 =	vor.u32 $0x2, v3;
	[tilespmem:s23+$0xFFFFF410] =	vst v11;
	v11 =	vld.idx.msk [tilespmem:v28+s16+$0x0], $0xffff  }
0xcc: {  	v31 =	vor.u32 $0x2, v2;
	[tilespmem:s23+$0xFFFFF420] =	vst v15;
	v9 =	vld.idx.msk [tilespmem:v9+s16+$0x0], $0xffff  }
0xcd: {  	v34 =	vor.u32 $0x2, v0;
	[tilespmem:s23+$0xFFFFF430] =	vst v17;
	v16 =	vld.idx.msk [tilespmem:v29+s16+$0x0], $0xffff  }
0xce: {  	v32 =	vor.u32 $0x3, v7;
	[tilespmem:s23+$0xFFFFF400] =	vst v13;
	v18 =	vld.idx.msk [tilespmem:v30+s16+$0x0], $0xffff  }
0xcf: {  	v35 =	vor.u32 $0x3, v5;
	[tilespmem:s23+$0xFFFFF450] =	vst v12;
	v15 =	vld.idx.msk [tilespmem:v33+s16+$0x0], $0xffff  }
0xd0: {  	v39 =	vor.u32 $0x3, v6;
	[tilespmem:s23+$0xFFFFF440] =	vst v8;
	v10 =	vld.idx.msk [tilespmem:v10+s16+$0x0], $0xffff  }
0xd1: {  	v8 =	vor.u32 $0x2, v1;
	v19 =	vld.idx.msk [tilespmem:v31+s16+$0x0], $0xffff;
	[tilespmem:s23+$0xFFFFF460] =	vst v11  }
0xd2: {  	v11 =	vld.idx.msk [tilespmem:v34+s16+$0x0], $0xffff;
	[tilespmem:s23+$0xFFFFF870] =	vst v9;
	v9 =	vor.u32 $0x3, v4  }
0xd3: {  	v37 =	vor.u32 $0x3, v3;
	[tilespmem:s23+$0xFFFFF810] =	vst v16;
	v36 =	vld.idx.msk [tilespmem:v32+s16+$0x0], $0xffff  }
0xd4: {  	v40 =	vor.u32 $0x3, v2;
	[tilespmem:s23+$0xFFFFF800] =	vst v15;
	v12 =	vld.idx.msk [tilespmem:v35+s16+$0x0], $0xffff  }
0xd5: {  	v38 =	vor.u32 $0x4, v7;
	[tilespmem:s23+$0xFFFFF820] =	vst v18;
	v17 =	vld.idx.msk [tilespmem:v39+s16+$0x0], $0xffff  }
0xd6: {  	v42 =	vor.u32 $0x4, v5;
	v8 =	vld.idx.msk [tilespmem:v8+s16+$0x0], $0xffff;
	[tilespmem:s23+$0xFFFFF830] =	vst v10  }
0xd7: {  	v45 =	vor.u32 $0x4, v6;
	[tilespmem:s23+$0xFFFFF840] =	vst v19;
	v9 =	vld.idx.msk [tilespmem:v9+s16+$0x0], $0xffff  }
0xd8: {  	v10 =	vor.u32 $0x3, v0;
	[tilespmem:s23+$0xFFFFF850] =	vst v11;
	v14 =	vld.idx.msk [tilespmem:v37+s16+$0x0], $0xffff  }
0xd9: {  	v41 =	vor.u32 $0x3, v1;
	v11 =	vld.idx.msk [tilespmem:v40+s16+$0x0], $0xffff;
	[tilespmem:s23+$0xFFFFFC70] =	vst v36  }
0xda: {  	v44 =	vor.u32 $0x4, v4;
	[tilespmem:s23+$0xFFFFFC10] =	vst v12;
	v43 =	vld.idx.msk [tilespmem:v38+s16+$0x0], $0xffff  }
0xdb: {  	v46 =	vor.u32 $0x4, v3;
	[tilespmem:s23+$0xFFFFFC00] =	vst v17;
	v13 =	vld.idx.msk [tilespmem:v42+s16+$0x0], $0xffff  }
0xdc: {  	v47 =	vor.u32 $0x4, v2;
	v18 =	vld.idx.msk [tilespmem:v45+s16+$0x0], $0xffff;
	[tilespmem:s23+$0xFFFFF860] =	vst v8  }
0xdd: {  	v8 =	vor.u32 $0x5, v7;
	v10 =	vld.idx.msk [tilespmem:v10+s16+$0x0], $0xffff;
	[tilespmem:s23+$0xFFFFFC20] =	vst v9  }
0xde: {  	v50 =	vor.u32 $0x5, v5;
	v9 =	vld.idx.msk [tilespmem:v41+s16+$0x0], $0xffff;
	[tilespmem:s23+$0xFFFFFC30] =	vst v14  }
0xdf: {  	v51 =	vor.u32 $0x5, v6;
	[tilespmem:s23+$0xFFFFFC40] =	vst v11;
	v16 =	vld.idx.msk [tilespmem:v44+s16+$0x0], $0xffff  }
0xe0: {  	v48 =	vor.u32 $0x4, v0;
	v11 =	vld.idx.msk [tilespmem:v46+s16+$0x0], $0xffff;
	[tilespmem:s23+$0x70] =	vst v43  }
0xe1: {  	v49 =	vor.u32 $0x4, v1;
	v19 =	vld.idx.msk [tilespmem:v47+s16+$0x0], $0xffff;
	[tilespmem:s23+$0x10] =	vst v13  }
0xe2: {  	v53 =	vor.u32 $0x5, v3;
	[tilespmem:s23+$0x0] =	vst v18;
	v8 =	vld.idx.msk [tilespmem:v8+s16+$0x0], $0xffff  }
0xe3: {  	v54 =	vor.u32 $0x5, v2;
	v17 =	vld.idx.msk [tilespmem:v50+s16+$0x0], $0xffff;
	[tilespmem:s23+$0xFFFFFC50] =	vst v10  }
0xe4: {  	v12 =	vld.idx.msk [tilespmem:v51+s16+$0x0], $0xffff;
	v10 =	vor.u32 $0x6, v7;
	[tilespmem:s23+$0xFFFFFC60] =	vst v9  }
0xe5: {  	v56 =	vor.u32 $0x6, v5;
	v52 =	vld.idx.msk [tilespmem:v48+s16+$0x0], $0xffff;
	[tilespmem:s23+$0x20] =	vst v16  }
0xe6: {  	v9 =	vor.u32 $0x5, v4;
	v15 =	vld.idx.msk [tilespmem:v49+s16+$0x0], $0xffff;
	[tilespmem:s23+$0x30] =	vst v11  }
0xe7: {  	[tilespmem:s23+$0x40] =	vst v19;
	v11 =	vor.u32 $0x6, v6;
	v14 =	vld.idx.msk [tilespmem:v53+s16+$0x0], $0xffff  }
0xe8: {  	v55 =	vor.u32 $0x5, v1;
	v16 =	vld.idx.msk [tilespmem:v54+s16+$0x0], $0xffff;
	[tilespmem:s23+$0x470] =	vst v8  }
0xe9: {  	v8 =	vor.u32 $0x5, v0;
	[tilespmem:s23+$0x410] =	vst v17;
	v10 =	vld.idx.msk [tilespmem:v10+s16+$0x0], $0xffff  }
0xea: {  	v58 =	vor.u32 $0x6, v3;
	[tilespmem:s23+$0x400] =	vst v12;
	v13 =	vld.idx.msk [tilespmem:v56+s16+$0x0], $0xffff  }
0xeb: {  	v7 =	vor.u32 $0x7, v7;
	v9 =	vld.idx.msk [tilespmem:v9+s16+$0x0], $0xffff;
	[tilespmem:s23+$0x50] =	vst v52  }
0xec: {  	v57 =	vor.u32 $0x6, v4;
	[tilespmem:s23+$0x60] =	vst v15;
	v11 =	vld.idx.msk [tilespmem:v11+s16+$0x0], $0xffff  }
0xed: {  	v6 =	vor.u32 $0x7, v6;
	v18 =	vld.idx.msk [tilespmem:v55+s16+$0x0], $0xffff;
	[tilespmem:s23+$0x430] =	vst v14  }
0xee: {  	v8 =	vld.idx.msk [tilespmem:v8+s16+$0x0], $0xffff;
	[tilespmem:s23+$0x870] =	vst v10;
	v10 =	vor.u32 $0x6, v2  }
0xef: {  	v59 =	vor.u32 $0x6, v0;
	[tilespmem:s23+$0x440] =	vst v16;
	v61 =	vld.idx.msk [tilespmem:v58+s16+$0x0], $0xffff  }
0xf0: {  	v7 =	vld.idx.msk [tilespmem:v7+s16+$0x0], $0xffff;
	[tilespmem:s23+$0x420] =	vst v9;
	v9 =	vor.u32 $0x6, v1  }
0xf1: {  	v5 =	vor.u32 $0x7, v5;
	v60 =	vld.idx.msk [tilespmem:v57+s16+$0x0], $0xffff;
	[tilespmem:s23+$0x800] =	vst v11  }
0xf2: {  	v62 =	vor.u32 $0x7, v3;
	v4 =	vor.u32 $0x7, v4;
	[tilespmem:s23+$0x810] =	vst v13;
	v3 =	vld.idx.msk [tilespmem:v6+s16+$0x0], $0xffff  }
0xf3: {  	[tilespmem:s23+$0x450] =	vst v8;
	v10 =	vld.idx.msk [tilespmem:v10+s16+$0x0], $0xffff  }
0xf4: {  	v63 =	vor.u32 $0x7, v2;
	[tilespmem:s23+$0x460] =	vst v18;
	v12 =	vld.idx.msk [tilespmem:v59+s16+$0x0], $0xffff  }
0xf5: {  	[tilespmem:s23+$0xC70] =	vst v7;
	v8 =	vld.idx.msk [tilespmem:v9+s16+$0x0], $0xffff  }
0xf6: {  	v7 =	vld.idx.msk [tilespmem:v5+s16+$0x0], $0xffff;
	[tilespmem:s23+$0x820] =	vst v60  }
0xf7: {  	[tilespmem:s23+$0x830] =	vst v61;
	v5 =	vld.idx.msk [tilespmem:v4+s16+$0x0], $0xffff  }
0xf8: {  	v4 =	vld.idx.msk [tilespmem:v62+s16+$0x0], $0xffff;
	[tilespmem:s23+$0x840] =	vst v10  }
0xf9: {  	s24 =	simm.s32 $0x0;
	s25 =	simm.s32 $0x4F0;
	v2 =	vor.u32 $0x7, v0;
	v1 =	vor.u32 $0x7, v1;
	[tilespmem:s23+$0x850] =	vst v12;
	v6 =	vld.idx.msk [tilespmem:v63+s16+$0x0], $0xffff  }
.LBB2_4:
0xfa: {  	v0 =	vld [tilespmem:s25+$0x0];
	s24 =	sadd.s32 $0x8, s24;
	[tilespmem:s23+$0x860] =	vst v8  }
0xfb: {  	v8 =	vld [tilespmem:s25+$0xFFFFFFA0];
	p0 =	slt.u32 s24, $0x38;
	[tilespmem:s23+$0xC00] =	vst v3  }
0xfc: {  	v3 =	vld [tilespmem:s25+$0xFFFFFFB0];
	[tilespmem:s23+$0xC10] =	vst v7  }
0xfd: {  	v7 =	vld [tilespmem:s25+$0xFFFFFFC0];
	[tilespmem:s23+$0xC20] =	vst v5  }
0xfe: {  	v5 =	vld [tilespmem:s25+$0xFFFFFFD0];
	[tilespmem:s23+$0xC30] =	vst v4  }
0xff: {  	v4 =	vld [tilespmem:s25+$0xFFFFFFE0];
	v0 =	vshll.u32 v0, $0x3;
	[tilespmem:s23+$0xC40] =	vst v6  }
0x100: {  	v6 =	vshll.u32 v8, $0x3;
	v8 =	vld [tilespmem:s25+$0xFFFFFFF0]  }
0x101: {  	v9 =	vld [tilespmem:s25+$0xFFFFFF90];
	v10 =	vor.u32 $0x1, v6;
	v17 =	vor.u32 $0x2, v6;
	v18 =	vshll.u32 v3, $0x3  }
0x102: {  	v3 =	vor.u32 $0x1, v18;
	v19 =	vor.u32 $0x2, v18;
	v20 =	vshll.u32 v7, $0x3;
	v2 =	vld.idx.msk [tilespmem:v2+s16+$0x0], $0xffff  }
0x103: {  	v7 =	vor.u32 $0x1, v20;
	v21 =	vor.u32 $0x2, v20;
	v22 =	vshll.u32 v5, $0x3;
	v1 =	vld.idx.msk [tilespmem:v1+s16+$0x0], $0xffff  }
0x104: {  	v5 =	vor.u32 $0x1, v22;
	v23 =	vor.u32 $0x2, v22;
	v24 =	vshll.u32 v4, $0x3;
	v4 =	vld.idx.msk [tilespmem:v0+s16+$0x0], $0xffff  }
0x105: {  	v11 =	vld.idx.msk [tilespmem:v6+s16+$0x0], $0xffff;
	v12 =	vor.u32 $0x1, v24;
	v25 =	vor.u32 $0x2, v24;
	v26 =	vshll.u32 v8, $0x3  }
0x106: {  	v13 =	vor.u32 $0x1, v0;
	v8 =	vshll.u32 v9, $0x3;
	v9 =	vld.idx.msk [tilespmem:v18+s16+$0x0], $0xffff;
	v27 =	vor.u32 $0x1, v26  }
0x107: {  	v30 =	vor.u32 $0x2, v26;
	v28 =	vor.u32 $0x1, v8;
	v29 =	vor.u32 $0x2, v8;
	v14 =	vld.idx.msk [tilespmem:v20+s16+$0x0], $0xffff  }
0x108: {  	v32 =	vor.u32 $0x3, v6;
	v33 =	vor.u32 $0x3, v18;
	v31 =	vor.u32 $0x3, v8;
	v16 =	vld.idx.msk [tilespmem:v22+s16+$0x0], $0xffff;
	[tilespmem:s23+$0xC50] =	vst v2  }
0x109: {  	v34 =	vor.u32 $0x3, v20;
	v35 =	vor.u32 $0x3, v22;
	v36 =	vor.u32 $0x3, v24;
	v2 =	vld.idx.msk [tilespmem:v24+s16+$0x0], $0xffff;
	[tilespmem:s23+$0xC60] =	vst v1;
	s23 =	sadd.s32 $0x80, s23  }
0x10a: {  	v38 =	vor.u32 $0x4, v6;
	v39 =	vor.u32 $0x3, v26;
	v37 =	vor.u32 $0x4, v8;
	v1 =	vld.idx.msk [tilespmem:v26+s16+$0x0], $0xffff;
	[tilespmem:s23+$0xFFFFF070] =	vst v4  }
0x10b: {  	v40 =	vor.u32 $0x4, v18;
	v41 =	vor.u32 $0x4, v20;
	v42 =	vor.u32 $0x4, v22;
	[tilespmem:s23+$0xFFFFF010] =	vst v11;
	v4 =	vld.idx.msk [tilespmem:v13+s16+$0x0], $0xffff  }
0x10c: {  	v44 =	vor.u32 $0x4, v24;
	v45 =	vor.u32 $0x4, v26;
	v15 =	vor.u32 $0x5, v8;
	v43 =	vld.idx.msk [tilespmem:v8+s16+$0x0], $0xffff;
	[tilespmem:s23+$0xFFFFF020] =	vst v9  }
0x10d: {  	v49 =	vor.u32 $0x2, v0;
	v47 =	vor.u32 $0x5, v6;
	v48 =	vor.u32 $0x5, v18;
	v46 =	vld.idx.msk [tilespmem:v10+s16+$0x0], $0xffff;
	[tilespmem:s23+$0xFFFFF030] =	vst v14  }
0x10e: {  	v51 =	vor.u32 $0x5, v20;
	v52 =	vor.u32 $0x5, v22;
	v50 =	vld.idx.msk [tilespmem:v3+s16+$0x0], $0xffff;
	[tilespmem:s23+$0xFFFFF040] =	vst v16;
	v16 =	vor.u32 $0x5, v24  }
0x10f: {  	v54 =	vor.u32 $0x5, v26;
	v13 =	vor.u32 $0x6, v8;
	v10 =	vor.u32 $0x6, v6;
	v53 =	vld.idx.msk [tilespmem:v7+s16+$0x0], $0xffff;
	[tilespmem:s23+$0xFFFFF050] =	vst v2  }
0x110: {  	v11 =	vor.u32 $0x6, v20;
	v9 =	vor.u32 $0x6, v22;
	v14 =	vor.u32 $0x6, v18;
	v55 =	vld.idx.msk [tilespmem:v5+s16+$0x0], $0xffff;
	[tilespmem:s23+$0xFFFFF060] =	vst v1  }
0x111: {  	v3 =	vor.u32 $0x7, v8;
	v8 =	vor.u32 $0x6, v26;
	v56 =	vld.idx.msk [tilespmem:v12+s16+$0x0], $0xffff;
	v12 =	vor.u32 $0x6, v24;
	[tilespmem:s23+$0xFFFFF470] =	vst v4  }
0x112: {  	v7 =	vor.u32 $0x7, v6;
	v5 =	vor.u32 $0x7, v18;
	v4 =	vor.u32 $0x7, v20;
	[tilespmem:s23+$0xFFFFF000] =	vst v43;
	v18 =	vld.idx.msk [tilespmem:v49+s16+$0x0], $0xffff  }
0x113: {  	v6 =	vor.u32 $0x7, v22;
	v2 =	vor.u32 $0x7, v24;
	v1 =	vor.u32 $0x7, v26;
	v20 =	vld.idx.msk [tilespmem:v28+s16+$0x0], $0xffff;
	[tilespmem:s23+$0xFFFFF410] =	vst v46  }
0x114: {  	v24 =	vor.u32 $0x3, v0;
	[tilespmem:s23+$0xFFFFF420] =	vst v50;
	v22 =	vld.idx.msk [tilespmem:v27+s16+$0x0], $0xffff  }
0x115: {  	v17 =	vld.idx.msk [tilespmem:v17+s16+$0x0], $0xffff;
	[tilespmem:s23+$0xFFFFF430] =	vst v53  }
0x116: {  	v19 =	vld.idx.msk [tilespmem:v19+s16+$0x0], $0xffff;
	[tilespmem:s23+$0xFFFFF440] =	vst v55  }
0x117: {  	v21 =	vld.idx.msk [tilespmem:v21+s16+$0x0], $0xffff;
	[tilespmem:s23+$0xFFFFF450] =	vst v56  }
0x118: {  	v23 =	vld.idx.msk [tilespmem:v23+s16+$0x0], $0xffff;
	[tilespmem:s23+$0xFFFFF870] =	vst v18  }
0x119: {  	[tilespmem:s23+$0xFFFFF400] =	vst v20;
	v18 =	vld.idx.msk [tilespmem:v24+s16+$0x0], $0xffff  }
0x11a: {  	v20 =	vld.idx.msk [tilespmem:v29+s16+$0x0], $0xffff;
	[tilespmem:s23+$0xFFFFF460] =	vst v22  }
0x11b: {  	v22 =	vor.u32 $0x4, v0;
	[tilespmem:s23+$0xFFFFF810] =	vst v17;
	v17 =	vld.idx.msk [tilespmem:v25+s16+$0x0], $0xffff  }
0x11c: {  	[tilespmem:s23+$0xFFFFF820] =	vst v19;
	v19 =	vld.idx.msk [tilespmem:v30+s16+$0x0], $0xffff  }
0x11d: {  	v24 =	vld.idx.msk [tilespmem:v32+s16+$0x0], $0xffff;
	[tilespmem:s23+$0xFFFFF830] =	vst v21  }
0x11e: {  	v21 =	vld.idx.msk [tilespmem:v33+s16+$0x0], $0xffff;
	[tilespmem:s23+$0xFFFFF840] =	vst v23  }
0x11f: {  	v23 =	vld.idx.msk [tilespmem:v34+s16+$0x0], $0xffff;
	[tilespmem:s23+$0xFFFFFC70] =	vst v18  }
0x120: {  	[tilespmem:s23+$0xFFFFF800] =	vst v20;
	v18 =	vld.idx.msk [tilespmem:v22+s16+$0x0], $0xffff  }
0x121: {  	v20 =	vld.idx.msk [tilespmem:v31+s16+$0x0], $0xffff;
	[tilespmem:s23+$0xFFFFF850] =	vst v17  }
0x122: {  	v17 =	vld.idx.msk [tilespmem:v35+s16+$0x0], $0xffff;
	[tilespmem:s23+$0xFFFFF860] =	vst v19;
	v19 =	vor.u32 $0x5, v0  }
0x123: {  	[tilespmem:s23+$0xFFFFFC10] =	vst v24;
	v22 =	vld.idx.msk [tilespmem:v36+s16+$0x0], $0xffff  }
0x124: {  	[tilespmem:s23+$0xFFFFFC20] =	vst v21;
	v21 =	vld.idx.msk [tilespmem:v39+s16+$0x0], $0xffff  }
0x125: {  	v24 =	vld.idx.msk [tilespmem:v38+s16+$0x0], $0xffff;
	[tilespmem:s23+$0xFFFFFC30] =	vst v23  }
0x126: {  	v23 =	vld.idx.msk [tilespmem:v40+s16+$0x0], $0xffff;
	[tilespmem:s23+$0x70] =	vst v18  }
0x127: {  	[tilespmem:s23+$0xFFFFFC00] =	vst v20;
	v18 =	vld.idx.msk [tilespmem:v19+s16+$0x0], $0xffff  }
0x128: {  	v19 =	vld.idx.msk [tilespmem:v37+s16+$0x0], $0xffff;
	[tilespmem:s23+$0xFFFFFC40] =	vst v17  }
0x129: {  	v20 =	vor.u32 $0x6, v0;
	v17 =	vld.idx.msk [tilespmem:v41+s16+$0x0], $0xffff;
	[tilespmem:s23+$0xFFFFFC50] =	vst v22  }
0x12a: {  	v22 =	vld.idx.msk [tilespmem:v42+s16+$0x0], $0xffff;
	[tilespmem:s23+$0xFFFFFC60] =	vst v21  }
0x12b: {  	[tilespmem:s23+$0x10] =	vst v24;
	v21 =	vld.idx.msk [tilespmem:v44+s16+$0x0], $0xffff  }
0x12c: {  	[tilespmem:s23+$0x20] =	vst v23;
	v23 =	vld.idx.msk [tilespmem:v45+s16+$0x0], $0xffff  }
0x12d: {  	v24 =	vld.idx.msk [tilespmem:v47+s16+$0x0], $0xffff;
	[tilespmem:s23+$0x470] =	vst v18  }
0x12e: {  	[tilespmem:s23+$0x0] =	vst v19;
	v18 =	vld.idx.msk [tilespmem:v20+s16+$0x0], $0xffff  }
0x12f: {  	v15 =	vld.idx.msk [tilespmem:v15+s16+$0x0], $0xffff;
	[tilespmem:s23+$0x30] =	vst v17  }
0x130: {  	v0 =	vor.u32 $0x7, v0;
	v17 =	vld.idx.msk [tilespmem:v48+s16+$0x0], $0xffff;
	[tilespmem:s23+$0x40] =	vst v22  }
0x131: {  	v19 =	vld.idx.msk [tilespmem:v51+s16+$0x0], $0xffff;
	[tilespmem:s23+$0x50] =	vst v21  }
0x132: {  	v20 =	vld.idx.msk [tilespmem:v52+s16+$0x0], $0xffff;
	[tilespmem:s23+$0x60] =	vst v23  }
0x133: {  	[tilespmem:s23+$0x410] =	vst v24;
	v16 =	vld.idx.msk [tilespmem:v16+s16+$0x0], $0xffff  }
0x134: {  	v21 =	vld.idx.msk [tilespmem:v54+s16+$0x0], $0xffff;
	[tilespmem:s23+$0x870] =	vst v18  }
0x135: {  	[tilespmem:s23+$0x400] =	vst v15;
	v0 =	vld.idx.msk [tilespmem:v0+s16+$0x0], $0xffff  }
0x136: {  	v13 =	vld.idx.msk [tilespmem:v13+s16+$0x0], $0xffff;
	[tilespmem:s23+$0x420] =	vst v17  }
0x137: {  	v10 =	vld.idx.msk [tilespmem:v10+s16+$0x0], $0xffff;
	[tilespmem:s23+$0x430] =	vst v19  }
0x138: {  	v14 =	vld.idx.msk [tilespmem:v14+s16+$0x0], $0xffff;
	[tilespmem:s23+$0x440] =	vst v20  }
0x139: {  	v11 =	vld.idx.msk [tilespmem:v11+s16+$0x0], $0xffff;
	[tilespmem:s23+$0x450] =	vst v16  }
0x13a: {  	v9 =	vld.idx.msk [tilespmem:v9+s16+$0x0], $0xffff;
	[tilespmem:s23+$0x460] =	vst v21  }
0x13b: {  	v12 =	vld.idx.msk [tilespmem:v12+s16+$0x0], $0xffff;
	[tilespmem:s23+$0xC70] =	vst v0  }
0x13c: {  	[tilespmem:s23+$0x800] =	vst v13;
	v8 =	vld.idx.msk [tilespmem:v8+s16+$0x0], $0xffff  }
.Ltmp1:
0x13d: {  	v3 =	vld.idx.msk [tilespmem:v3+s16+$0x0], $0xffff;
	[tilespmem:s23+$0x810] =	vst v10;
	(pc) =	sbr.rel @p0 .LBB2_4-.Ltmp1, $4  }
0x13e: {  	v7 =	vld.idx.msk [tilespmem:v7+s16+$0x0], $0xffff;
	[tilespmem:s23+$0x820] =	vst v14  }
0x13f: {  	v5 =	vld.idx.msk [tilespmem:v5+s16+$0x0], $0xffff;
	[tilespmem:s23+$0x830] =	vst v11  }
0x140: {  	v4 =	vld.idx.msk [tilespmem:v4+s16+$0x0], $0xffff;
	[tilespmem:s23+$0x840] =	vst v9  }
0x141: {  	s25 =	sadd.s32 $0x80, s25;
	v6 =	vld.idx.msk [tilespmem:v6+s16+$0x0], $0xffff;
	[tilespmem:s23+$0x850] =	vst v12  }
0x142: {  	_ =	sdelay $0x2  }
0x143: {  	[tilespmem:s23+$0x860] =	vst v8  }
0x144: {  	[tilespmem:s23+$0xC00] =	vst v3;
	v0 =	vld.idx.msk [tilespmem:v2+s16+$0x0], $0xffff  }
0x145: {  	[tilespmem:s23+$0xC10] =	vst v7;
	v1 =	vld.idx.msk [tilespmem:v1+s16+$0x0], $0xffff  }
0x146: {  	[tilespmem:s23+$0xC20] =	vst v5  }
0x147: {  	[tilespmem:s23+$0xC30] =	vst v4  }
0x148: {  	[tilespmem:s23+$0xC40] =	vst v6  }
0x149: {  	[tilespmem:s23+$0xC50] =	vst v0  }
0x14a: {  	[tilespmem:s23+$0xC60] =	vst v1  }
0x14b: {  	[hbm4b:s6+s3] =	stream.linear.scatter [tilespmem:s19], [sflag:$0x2], $0x2000, $0x38;
	[tilespmem:$0x8000] =	vst v63  }
0x14c: {  	_ =	swait.ge [sflag:s20], $0x2000  }
0x14d: {  	[sflag:s20] =	ssyncset.done $0x0  }
0x14e: {  	s31 =	simm.s32 $0x870;
	[sflag:s20] =	ssyncadd.s32 $0xFFFFE000  }
0x14f: {  	v0 =	vld [tilespmem:s31+$0x0]  }
0x150: {  	v1 =	vld [tilespmem:s31+$0xFFFFFFA0]  }
0x151: {  	v2 =	vld [tilespmem:s31+$0xFFFFFFB0]  }
0x152: {  	v3 =	vld [tilespmem:s31+$0xFFFFFFC0]  }
0x153: {  	v6 =	vld [tilespmem:s31+$0xFFFFFFD0]  }
0x154: {  	v8 =	vld [tilespmem:s31+$0xFFFFFFE0];
	v7 =	vshll.u32 v0, $0x3  }
0x155: {  	v9 =	vld [tilespmem:s31+$0xFFFFFF90];
	v5 =	vshll.u32 v1, $0x3  }
0x156: {  	v1 =	vld [tilespmem:s31+$0xFFFFFFF0];
	v4 =	vshll.u32 v2, $0x3  }
0x157: {  	v3 =	vshll.u32 v3, $0x3  }
0x158: {  	v2 =	vshll.u32 v6, $0x3  }
0x159: {  	v0 =	vshll.u32 v8, $0x3;
	v8 =	vld.idx.msk [tilespmem:v7+s16+$0x0], $0xffff  }
0x15a: {  	v6 =	vshll.u32 v9, $0x3;
	v10 =	vld.idx.msk [tilespmem:v5+s16+$0x0], $0xffff  }
0x15b: {  	v1 =	vshll.u32 v1, $0x3;
	v11 =	vld.idx.msk [tilespmem:v4+s16+$0x0], $0xffff  }
0x15c: {  	v12 =	vor.u32 $0x1, v7;
	v9 =	vld.idx.msk [tilespmem:v3+s16+$0x0], $0xffff  }
0x15d: {  	v13 =	vor.u32 $0x1, v5;
	v14 =	vld.idx.msk [tilespmem:v2+s16+$0x0], $0xffff  }
0x15e: {  	s23 =	simm.s32 $0x5000;
	v15 =	vor.u32 $0x1, v4;
	v16 =	vld.idx.msk [tilespmem:v0+s16+$0x0], $0xffff  }
0x15f: {  	v17 =	vor.u32 $0x1, v3;
	v19 =	vld.idx.msk [tilespmem:v6+s16+$0x0], $0xffff;
	[tilespmem:s23+$0xFFFFF070] =	vst v8  }
0x160: {  	v26 =	vor.u32 $0x1, v0;
	v18 =	vld.idx.msk [tilespmem:v1+s16+$0x0], $0xffff;
	[tilespmem:s23+$0xFFFFF010] =	vst v10  }
0x161: {  	v27 =	vor.u32 $0x1, v6;
	[tilespmem:s23+$0xFFFFF020] =	vst v11;
	v10 =	vld.idx.msk [tilespmem:v12+s16+$0x0], $0xffff  }
0x162: {  	v8 =	vor.u32 $0x1, v2;
	[tilespmem:s23+$0xFFFFF030] =	vst v9;
	v11 =	vld.idx.msk [tilespmem:v13+s16+$0x0], $0xffff  }
0x163: {  	v28 =	vor.u32 $0x1, v1;
	[tilespmem:s23+$0xFFFFF040] =	vst v14;
	v15 =	vld.idx.msk [tilespmem:v15+s16+$0x0], $0xffff  }
0x164: {  	v9 =	vor.u32 $0x2, v7;
	[tilespmem:s23+$0xFFFFF050] =	vst v16;
	v17 =	vld.idx.msk [tilespmem:v17+s16+$0x0], $0xffff  }
0x165: {  	v29 =	vor.u32 $0x2, v5;
	[tilespmem:s23+$0xFFFFF000] =	vst v19;
	v12 =	vld.idx.msk [tilespmem:v26+s16+$0x0], $0xffff  }
0x166: {  	v30 =	vor.u32 $0x2, v4;
	v13 =	vld.idx.msk [tilespmem:v27+s16+$0x0], $0xffff;
	[tilespmem:s23+$0xFFFFF060] =	vst v18  }
0x167: {  	v33 =	vor.u32 $0x2, v6;
	v8 =	vld.idx.msk [tilespmem:v8+s16+$0x0], $0xffff;
	[tilespmem:s23+$0xFFFFF470] =	vst v10  }
0x168: {  	v10 =	vor.u32 $0x2, v3;
	[tilespmem:s23+$0xFFFFF410] =	vst v11;
	v11 =	vld.idx.msk [tilespmem:v28+s16+$0x0], $0xffff  }
0x169: {  	v31 =	vor.u32 $0x2, v2;
	[tilespmem:s23+$0xFFFFF420] =	vst v15;
	v9 =	vld.idx.msk [tilespmem:v9+s16+$0x0], $0xffff  }
0x16a: {  	v34 =	vor.u32 $0x2, v0;
	[tilespmem:s23+$0xFFFFF430] =	vst v17;
	v16 =	vld.idx.msk [tilespmem:v29+s16+$0x0], $0xffff  }
0x16b: {  	v32 =	vor.u32 $0x3, v7;
	[tilespmem:s23+$0xFFFFF400] =	vst v13;
	v18 =	vld.idx.msk [tilespmem:v30+s16+$0x0], $0xffff  }
0x16c: {  	v35 =	vor.u32 $0x3, v5;
	[tilespmem:s23+$0xFFFFF450] =	vst v12;
	v15 =	vld.idx.msk [tilespmem:v33+s16+$0x0], $0xffff  }
0x16d: {  	v39 =	vor.u32 $0x3, v6;
	[tilespmem:s23+$0xFFFFF440] =	vst v8;
	v10 =	vld.idx.msk [tilespmem:v10+s16+$0x0], $0xffff  }
0x16e: {  	v8 =	vor.u32 $0x2, v1;
	v19 =	vld.idx.msk [tilespmem:v31+s16+$0x0], $0xffff;
	[tilespmem:s23+$0xFFFFF460] =	vst v11  }
0x16f: {  	v11 =	vld.idx.msk [tilespmem:v34+s16+$0x0], $0xffff;
	[tilespmem:s23+$0xFFFFF870] =	vst v9;
	v9 =	vor.u32 $0x3, v4  }
0x170: {  	v37 =	vor.u32 $0x3, v3;
	[tilespmem:s23+$0xFFFFF810] =	vst v16;
	v36 =	vld.idx.msk [tilespmem:v32+s16+$0x0], $0xffff  }
0x171: {  	v40 =	vor.u32 $0x3, v2;
	[tilespmem:s23+$0xFFFFF800] =	vst v15;
	v12 =	vld.idx.msk [tilespmem:v35+s16+$0x0], $0xffff  }
0x172: {  	v38 =	vor.u32 $0x4, v7;
	[tilespmem:s23+$0xFFFFF820] =	vst v18;
	v17 =	vld.idx.msk [tilespmem:v39+s16+$0x0], $0xffff  }
0x173: {  	v42 =	vor.u32 $0x4, v5;
	v8 =	vld.idx.msk [tilespmem:v8+s16+$0x0], $0xffff;
	[tilespmem:s23+$0xFFFFF830] =	vst v10  }
0x174: {  	v45 =	vor.u32 $0x4, v6;
	[tilespmem:s23+$0xFFFFF840] =	vst v19;
	v9 =	vld.idx.msk [tilespmem:v9+s16+$0x0], $0xffff  }
0x175: {  	v10 =	vor.u32 $0x3, v0;
	[tilespmem:s23+$0xFFFFF850] =	vst v11;
	v14 =	vld.idx.msk [tilespmem:v37+s16+$0x0], $0xffff  }
0x176: {  	v41 =	vor.u32 $0x3, v1;
	v11 =	vld.idx.msk [tilespmem:v40+s16+$0x0], $0xffff;
	[tilespmem:s23+$0xFFFFFC70] =	vst v36  }
0x177: {  	v44 =	vor.u32 $0x4, v4;
	[tilespmem:s23+$0xFFFFFC10] =	vst v12;
	v43 =	vld.idx.msk [tilespmem:v38+s16+$0x0], $0xffff  }
0x178: {  	v46 =	vor.u32 $0x4, v3;
	[tilespmem:s23+$0xFFFFFC00] =	vst v17;
	v13 =	vld.idx.msk [tilespmem:v42+s16+$0x0], $0xffff  }
0x179: {  	v47 =	vor.u32 $0x4, v2;
	v18 =	vld.idx.msk [tilespmem:v45+s16+$0x0], $0xffff;
	[tilespmem:s23+$0xFFFFF860] =	vst v8  }
0x17a: {  	v8 =	vor.u32 $0x5, v7;
	v10 =	vld.idx.msk [tilespmem:v10+s16+$0x0], $0xffff;
	[tilespmem:s23+$0xFFFFFC20] =	vst v9  }
0x17b: {  	v50 =	vor.u32 $0x5, v5;
	v9 =	vld.idx.msk [tilespmem:v41+s16+$0x0], $0xffff;
	[tilespmem:s23+$0xFFFFFC30] =	vst v14  }
0x17c: {  	v51 =	vor.u32 $0x5, v6;
	[tilespmem:s23+$0xFFFFFC40] =	vst v11;
	v16 =	vld.idx.msk [tilespmem:v44+s16+$0x0], $0xffff  }
0x17d: {  	v48 =	vor.u32 $0x4, v0;
	v11 =	vld.idx.msk [tilespmem:v46+s16+$0x0], $0xffff;
	[tilespmem:s23+$0x70] =	vst v43  }
0x17e: {  	v49 =	vor.u32 $0x4, v1;
	v19 =	vld.idx.msk [tilespmem:v47+s16+$0x0], $0xffff;
	[tilespmem:s23+$0x10] =	vst v13  }
0x17f: {  	v53 =	vor.u32 $0x5, v3;
	[tilespmem:s23+$0x0] =	vst v18;
	v8 =	vld.idx.msk [tilespmem:v8+s16+$0x0], $0xffff  }
0x180: {  	v54 =	vor.u32 $0x5, v2;
	v17 =	vld.idx.msk [tilespmem:v50+s16+$0x0], $0xffff;
	[tilespmem:s23+$0xFFFFFC50] =	vst v10  }
0x181: {  	v12 =	vld.idx.msk [tilespmem:v51+s16+$0x0], $0xffff;
	v10 =	vor.u32 $0x6, v7;
	[tilespmem:s23+$0xFFFFFC60] =	vst v9  }
0x182: {  	v56 =	vor.u32 $0x6, v5;
	v52 =	vld.idx.msk [tilespmem:v48+s16+$0x0], $0xffff;
	[tilespmem:s23+$0x20] =	vst v16  }
0x183: {  	v9 =	vor.u32 $0x5, v4;
	v15 =	vld.idx.msk [tilespmem:v49+s16+$0x0], $0xffff;
	[tilespmem:s23+$0x30] =	vst v11  }
0x184: {  	[tilespmem:s23+$0x40] =	vst v19;
	v11 =	vor.u32 $0x6, v6;
	v14 =	vld.idx.msk [tilespmem:v53+s16+$0x0], $0xffff  }
0x185: {  	v55 =	vor.u32 $0x5, v1;
	v16 =	vld.idx.msk [tilespmem:v54+s16+$0x0], $0xffff;
	[tilespmem:s23+$0x470] =	vst v8  }
0x186: {  	v8 =	vor.u32 $0x5, v0;
	[tilespmem:s23+$0x410] =	vst v17;
	v10 =	vld.idx.msk [tilespmem:v10+s16+$0x0], $0xffff  }
0x187: {  	v58 =	vor.u32 $0x6, v3;
	[tilespmem:s23+$0x400] =	vst v12;
	v13 =	vld.idx.msk [tilespmem:v56+s16+$0x0], $0xffff  }
0x188: {  	v7 =	vor.u32 $0x7, v7;
	v9 =	vld.idx.msk [tilespmem:v9+s16+$0x0], $0xffff;
	[tilespmem:s23+$0x50] =	vst v52  }
0x189: {  	v57 =	vor.u32 $0x6, v4;
	[tilespmem:s23+$0x60] =	vst v15;
	v11 =	vld.idx.msk [tilespmem:v11+s16+$0x0], $0xffff  }
0x18a: {  	v6 =	vor.u32 $0x7, v6;
	v18 =	vld.idx.msk [tilespmem:v55+s16+$0x0], $0xffff;
	[tilespmem:s23+$0x430] =	vst v14  }
0x18b: {  	v8 =	vld.idx.msk [tilespmem:v8+s16+$0x0], $0xffff;
	[tilespmem:s23+$0x870] =	vst v10;
	v10 =	vor.u32 $0x6, v2  }
0x18c: {  	v59 =	vor.u32 $0x6, v0;
	[tilespmem:s23+$0x440] =	vst v16;
	v61 =	vld.idx.msk [tilespmem:v58+s16+$0x0], $0xffff  }
0x18d: {  	v7 =	vld.idx.msk [tilespmem:v7+s16+$0x0], $0xffff;
	[tilespmem:s23+$0x420] =	vst v9;
	v9 =	vor.u32 $0x6, v1  }
0x18e: {  	v5 =	vor.u32 $0x7, v5;
	v60 =	vld.idx.msk [tilespmem:v57+s16+$0x0], $0xffff;
	[tilespmem:s23+$0x800] =	vst v11  }
0x18f: {  	v62 =	vor.u32 $0x7, v3;
	v4 =	vor.u32 $0x7, v4;
	[tilespmem:s23+$0x810] =	vst v13;
	v3 =	vld.idx.msk [tilespmem:v6+s16+$0x0], $0xffff  }
0x190: {  	[tilespmem:s23+$0x450] =	vst v8;
	v10 =	vld.idx.msk [tilespmem:v10+s16+$0x0], $0xffff  }
0x191: {  	v63 =	vor.u32 $0x7, v2;
	[tilespmem:s23+$0x460] =	vst v18;
	v12 =	vld.idx.msk [tilespmem:v59+s16+$0x0], $0xffff  }
0x192: {  	[tilespmem:s23+$0xC70] =	vst v7;
	v8 =	vld.idx.msk [tilespmem:v9+s16+$0x0], $0xffff  }
0x193: {  	v7 =	vld.idx.msk [tilespmem:v5+s16+$0x0], $0xffff;
	[tilespmem:s23+$0x820] =	vst v60  }
0x194: {  	[tilespmem:s23+$0x830] =	vst v61;
	v5 =	vld.idx.msk [tilespmem:v4+s16+$0x0], $0xffff  }
0x195: {  	v4 =	vld.idx.msk [tilespmem:v62+s16+$0x0], $0xffff;
	[tilespmem:s23+$0x840] =	vst v10  }
0x196: {  	s24 =	simm.s32 $0x0;
	s25 =	simm.s32 $0x8F0;
	v2 =	vor.u32 $0x7, v0;
	v1 =	vor.u32 $0x7, v1;
	[tilespmem:s23+$0x850] =	vst v12;
	v6 =	vld.idx.msk [tilespmem:v63+s16+$0x0], $0xffff  }
.LBB2_6:
0x197: {  	v0 =	vld [tilespmem:s25+$0x0];
	s24 =	sadd.s32 $0x8, s24;
	[tilespmem:s23+$0x860] =	vst v8  }
0x198: {  	v8 =	vld [tilespmem:s25+$0xFFFFFFA0];
	p0 =	slt.u32 s24, $0x38;
	[tilespmem:s23+$0xC00] =	vst v3  }
0x199: {  	v3 =	vld [tilespmem:s25+$0xFFFFFFB0];
	[tilespmem:s23+$0xC10] =	vst v7  }
0x19a: {  	v7 =	vld [tilespmem:s25+$0xFFFFFFC0];
	[tilespmem:s23+$0xC20] =	vst v5  }
0x19b: {  	v5 =	vld [tilespmem:s25+$0xFFFFFFD0];
	[tilespmem:s23+$0xC30] =	vst v4  }
0x19c: {  	v4 =	vld [tilespmem:s25+$0xFFFFFFE0];
	v0 =	vshll.u32 v0, $0x3;
	[tilespmem:s23+$0xC40] =	vst v6  }
0x19d: {  	v6 =	vshll.u32 v8, $0x3;
	v8 =	vld [tilespmem:s25+$0xFFFFFFF0]  }
0x19e: {  	v9 =	vld [tilespmem:s25+$0xFFFFFF90];
	v10 =	vor.u32 $0x1, v6;
	v17 =	vor.u32 $0x2, v6;
	v18 =	vshll.u32 v3, $0x3  }
0x19f: {  	v3 =	vor.u32 $0x1, v18;
	v19 =	vor.u32 $0x2, v18;
	v20 =	vshll.u32 v7, $0x3;
	v2 =	vld.idx.msk [tilespmem:v2+s16+$0x0], $0xffff  }
0x1a0: {  	v7 =	vor.u32 $0x1, v20;
	v21 =	vor.u32 $0x2, v20;
	v22 =	vshll.u32 v5, $0x3;
	v1 =	vld.idx.msk [tilespmem:v1+s16+$0x0], $0xffff  }
0x1a1: {  	v5 =	vor.u32 $0x1, v22;
	v23 =	vor.u32 $0x2, v22;
	v24 =	vshll.u32 v4, $0x3;
	v4 =	vld.idx.msk [tilespmem:v0+s16+$0x0], $0xffff  }
0x1a2: {  	v11 =	vld.idx.msk [tilespmem:v6+s16+$0x0], $0xffff;
	v12 =	vor.u32 $0x1, v24;
	v25 =	vor.u32 $0x2, v24;
	v26 =	vshll.u32 v8, $0x3  }
0x1a3: {  	v13 =	vor.u32 $0x1, v0;
	v8 =	vshll.u32 v9, $0x3;
	v9 =	vld.idx.msk [tilespmem:v18+s16+$0x0], $0xffff;
	v27 =	vor.u32 $0x1, v26  }
0x1a4: {  	v30 =	vor.u32 $0x2, v26;
	v28 =	vor.u32 $0x1, v8;
	v29 =	vor.u32 $0x2, v8;
	v14 =	vld.idx.msk [tilespmem:v20+s16+$0x0], $0xffff  }
0x1a5: {  	v32 =	vor.u32 $0x3, v6;
	v33 =	vor.u32 $0x3, v18;
	v31 =	vor.u32 $0x3, v8;
	v16 =	vld.idx.msk [tilespmem:v22+s16+$0x0], $0xffff;
	[tilespmem:s23+$0xC50] =	vst v2  }
0x1a6: {  	v34 =	vor.u32 $0x3, v20;
	v35 =	vor.u32 $0x3, v22;
	v36 =	vor.u32 $0x3, v24;
	v2 =	vld.idx.msk [tilespmem:v24+s16+$0x0], $0xffff;
	[tilespmem:s23+$0xC60] =	vst v1;
	s23 =	sadd.s32 $0x80, s23  }
0x1a7: {  	v38 =	vor.u32 $0x4, v6;
	v39 =	vor.u32 $0x3, v26;
	v37 =	vor.u32 $0x4, v8;
	v1 =	vld.idx.msk [tilespmem:v26+s16+$0x0], $0xffff;
	[tilespmem:s23+$0xFFFFF070] =	vst v4  }
0x1a8: {  	v40 =	vor.u32 $0x4, v18;
	v41 =	vor.u32 $0x4, v20;
	v42 =	vor.u32 $0x4, v22;
	[tilespmem:s23+$0xFFFFF010] =	vst v11;
	v4 =	vld.idx.msk [tilespmem:v13+s16+$0x0], $0xffff  }
0x1a9: {  	v44 =	vor.u32 $0x4, v24;
	v45 =	vor.u32 $0x4, v26;
	v15 =	vor.u32 $0x5, v8;
	v43 =	vld.idx.msk [tilespmem:v8+s16+$0x0], $0xffff;
	[tilespmem:s23+$0xFFFFF020] =	vst v9  }
0x1aa: {  	v49 =	vor.u32 $0x2, v0;
	v47 =	vor.u32 $0x5, v6;
	v48 =	vor.u32 $0x5, v18;
	v46 =	vld.idx.msk [tilespmem:v10+s16+$0x0], $0xffff;
	[tilespmem:s23+$0xFFFFF030] =	vst v14  }
0x1ab: {  	v51 =	vor.u32 $0x5, v20;
	v52 =	vor.u32 $0x5, v22;
	v50 =	vld.idx.msk [tilespmem:v3+s16+$0x0], $0xffff;
	[tilespmem:s23+$0xFFFFF040] =	vst v16;
	v16 =	vor.u32 $0x5, v24  }
0x1ac: {  	v54 =	vor.u32 $0x5, v26;
	v13 =	vor.u32 $0x6, v8;
	v10 =	vor.u32 $0x6, v6;
	v53 =	vld.idx.msk [tilespmem:v7+s16+$0x0], $0xffff;
	[tilespmem:s23+$0xFFFFF050] =	vst v2  }
0x1ad: {  	v11 =	vor.u32 $0x6, v20;
	v9 =	vor.u32 $0x6, v22;
	v14 =	vor.u32 $0x6, v18;
	v55 =	vld.idx.msk [tilespmem:v5+s16+$0x0], $0xffff;
	[tilespmem:s23+$0xFFFFF060] =	vst v1  }
0x1ae: {  	v3 =	vor.u32 $0x7, v8;
	v8 =	vor.u32 $0x6, v26;
	v56 =	vld.idx.msk [tilespmem:v12+s16+$0x0], $0xffff;
	v12 =	vor.u32 $0x6, v24;
	[tilespmem:s23+$0xFFFFF470] =	vst v4  }
0x1af: {  	v7 =	vor.u32 $0x7, v6;
	v5 =	vor.u32 $0x7, v18;
	v4 =	vor.u32 $0x7, v20;
	[tilespmem:s23+$0xFFFFF000] =	vst v43;
	v18 =	vld.idx.msk [tilespmem:v49+s16+$0x0], $0xffff  }
0x1b0: {  	v6 =	vor.u32 $0x7, v22;
	v2 =	vor.u32 $0x7, v24;
	v1 =	vor.u32 $0x7, v26;
	v20 =	vld.idx.msk [tilespmem:v28+s16+$0x0], $0xffff;
	[tilespmem:s23+$0xFFFFF410] =	vst v46  }
0x1b1: {  	v24 =	vor.u32 $0x3, v0;
	[tilespmem:s23+$0xFFFFF420] =	vst v50;
	v22 =	vld.idx.msk [tilespmem:v27+s16+$0x0], $0xffff  }
0x1b2: {  	v17 =	vld.idx.msk [tilespmem:v17+s16+$0x0], $0xffff;
	[tilespmem:s23+$0xFFFFF430] =	vst v53  }
0x1b3: {  	v19 =	vld.idx.msk [tilespmem:v19+s16+$0x0], $0xffff;
	[tilespmem:s23+$0xFFFFF440] =	vst v55  }
0x1b4: {  	v21 =	vld.idx.msk [tilespmem:v21+s16+$0x0], $0xffff;
	[tilespmem:s23+$0xFFFFF450] =	vst v56  }
0x1b5: {  	v23 =	vld.idx.msk [tilespmem:v23+s16+$0x0], $0xffff;
	[tilespmem:s23+$0xFFFFF870] =	vst v18  }
0x1b6: {  	[tilespmem:s23+$0xFFFFF400] =	vst v20;
	v18 =	vld.idx.msk [tilespmem:v24+s16+$0x0], $0xffff  }
0x1b7: {  	v20 =	vld.idx.msk [tilespmem:v29+s16+$0x0], $0xffff;
	[tilespmem:s23+$0xFFFFF460] =	vst v22  }
0x1b8: {  	v22 =	vor.u32 $0x4, v0;
	[tilespmem:s23+$0xFFFFF810] =	vst v17;
	v17 =	vld.idx.msk [tilespmem:v25+s16+$0x0], $0xffff  }
0x1b9: {  	[tilespmem:s23+$0xFFFFF820] =	vst v19;
	v19 =	vld.idx.msk [tilespmem:v30+s16+$0x0], $0xffff  }
0x1ba: {  	v24 =	vld.idx.msk [tilespmem:v32+s16+$0x0], $0xffff;
	[tilespmem:s23+$0xFFFFF830] =	vst v21  }
0x1bb: {  	v21 =	vld.idx.msk [tilespmem:v33+s16+$0x0], $0xffff;
	[tilespmem:s23+$0xFFFFF840] =	vst v23  }
0x1bc: {  	v23 =	vld.idx.msk [tilespmem:v34+s16+$0x0], $0xffff;
	[tilespmem:s23+$0xFFFFFC70] =	vst v18  }
0x1bd: {  	[tilespmem:s23+$0xFFFFF800] =	vst v20;
	v18 =	vld.idx.msk [tilespmem:v22+s16+$0x0], $0xffff  }
0x1be: {  	v20 =	vld.idx.msk [tilespmem:v31+s16+$0x0], $0xffff;
	[tilespmem:s23+$0xFFFFF850] =	vst v17  }
0x1bf: {  	v17 =	vld.idx.msk [tilespmem:v35+s16+$0x0], $0xffff;
	[tilespmem:s23+$0xFFFFF860] =	vst v19;
	v19 =	vor.u32 $0x5, v0  }
0x1c0: {  	[tilespmem:s23+$0xFFFFFC10] =	vst v24;
	v22 =	vld.idx.msk [tilespmem:v36+s16+$0x0], $0xffff  }
0x1c1: {  	[tilespmem:s23+$0xFFFFFC20] =	vst v21;
	v21 =	vld.idx.msk [tilespmem:v39+s16+$0x0], $0xffff  }
0x1c2: {  	v24 =	vld.idx.msk [tilespmem:v38+s16+$0x0], $0xffff;
	[tilespmem:s23+$0xFFFFFC30] =	vst v23  }
0x1c3: {  	v23 =	vld.idx.msk [tilespmem:v40+s16+$0x0], $0xffff;
	[tilespmem:s23+$0x70] =	vst v18  }
0x1c4: {  	[tilespmem:s23+$0xFFFFFC00] =	vst v20;
	v18 =	vld.idx.msk [tilespmem:v19+s16+$0x0], $0xffff  }
0x1c5: {  	v19 =	vld.idx.msk [tilespmem:v37+s16+$0x0], $0xffff;
	[tilespmem:s23+$0xFFFFFC40] =	vst v17  }
0x1c6: {  	v20 =	vor.u32 $0x6, v0;
	v17 =	vld.idx.msk [tilespmem:v41+s16+$0x0], $0xffff;
	[tilespmem:s23+$0xFFFFFC50] =	vst v22  }
0x1c7: {  	v22 =	vld.idx.msk [tilespmem:v42+s16+$0x0], $0xffff;
	[tilespmem:s23+$0xFFFFFC60] =	vst v21  }
0x1c8: {  	[tilespmem:s23+$0x10] =	vst v24;
	v21 =	vld.idx.msk [tilespmem:v44+s16+$0x0], $0xffff  }
0x1c9: {  	[tilespmem:s23+$0x20] =	vst v23;
	v23 =	vld.idx.msk [tilespmem:v45+s16+$0x0], $0xffff  }
0x1ca: {  	v24 =	vld.idx.msk [tilespmem:v47+s16+$0x0], $0xffff;
	[tilespmem:s23+$0x470] =	vst v18  }
0x1cb: {  	[tilespmem:s23+$0x0] =	vst v19;
	v18 =	vld.idx.msk [tilespmem:v20+s16+$0x0], $0xffff  }
0x1cc: {  	v15 =	vld.idx.msk [tilespmem:v15+s16+$0x0], $0xffff;
	[tilespmem:s23+$0x30] =	vst v17  }
0x1cd: {  	v0 =	vor.u32 $0x7, v0;
	v17 =	vld.idx.msk [tilespmem:v48+s16+$0x0], $0xffff;
	[tilespmem:s23+$0x40] =	vst v22  }
0x1ce: {  	v19 =	vld.idx.msk [tilespmem:v51+s16+$0x0], $0xffff;
	[tilespmem:s23+$0x50] =	vst v21  }
0x1cf: {  	v20 =	vld.idx.msk [tilespmem:v52+s16+$0x0], $0xffff;
	[tilespmem:s23+$0x60] =	vst v23  }
0x1d0: {  	[tilespmem:s23+$0x410] =	vst v24;
	v16 =	vld.idx.msk [tilespmem:v16+s16+$0x0], $0xffff  }
0x1d1: {  	v21 =	vld.idx.msk [tilespmem:v54+s16+$0x0], $0xffff;
	[tilespmem:s23+$0x870] =	vst v18  }
0x1d2: {  	[tilespmem:s23+$0x400] =	vst v15;
	v0 =	vld.idx.msk [tilespmem:v0+s16+$0x0], $0xffff  }
0x1d3: {  	v13 =	vld.idx.msk [tilespmem:v13+s16+$0x0], $0xffff;
	[tilespmem:s23+$0x420] =	vst v17  }
0x1d4: {  	v10 =	vld.idx.msk [tilespmem:v10+s16+$0x0], $0xffff;
	[tilespmem:s23+$0x430] =	vst v19  }
0x1d5: {  	v14 =	vld.idx.msk [tilespmem:v14+s16+$0x0], $0xffff;
	[tilespmem:s23+$0x440] =	vst v20  }
0x1d6: {  	v11 =	vld.idx.msk [tilespmem:v11+s16+$0x0], $0xffff;
	[tilespmem:s23+$0x450] =	vst v16  }
0x1d7: {  	v9 =	vld.idx.msk [tilespmem:v9+s16+$0x0], $0xffff;
	[tilespmem:s23+$0x460] =	vst v21  }
0x1d8: {  	v12 =	vld.idx.msk [tilespmem:v12+s16+$0x0], $0xffff;
	[tilespmem:s23+$0xC70] =	vst v0  }
0x1d9: {  	[tilespmem:s23+$0x800] =	vst v13;
	v8 =	vld.idx.msk [tilespmem:v8+s16+$0x0], $0xffff  }
.Ltmp2:
0x1da: {  	v3 =	vld.idx.msk [tilespmem:v3+s16+$0x0], $0xffff;
	[tilespmem:s23+$0x810] =	vst v10;
	(pc) =	sbr.rel @p0 .LBB2_6-.Ltmp2, $4  }
0x1db: {  	v7 =	vld.idx.msk [tilespmem:v7+s16+$0x0], $0xffff;
	[tilespmem:s23+$0x820] =	vst v14  }
0x1dc: {  	v5 =	vld.idx.msk [tilespmem:v5+s16+$0x0], $0xffff;
	[tilespmem:s23+$0x830] =	vst v11  }
0x1dd: {  	v4 =	vld.idx.msk [tilespmem:v4+s16+$0x0], $0xffff;
	[tilespmem:s23+$0x840] =	vst v9  }
0x1de: {  	s25 =	sadd.s32 $0x80, s25;
	v6 =	vld.idx.msk [tilespmem:v6+s16+$0x0], $0xffff;
	[tilespmem:s23+$0x850] =	vst v12  }
0x1df: {  	_ =	sdelay $0x2  }
0x1e0: {  	[tilespmem:s23+$0x860] =	vst v8  }
0x1e1: {  	[tilespmem:s23+$0xC00] =	vst v3;
	v0 =	vld.idx.msk [tilespmem:v2+s16+$0x0], $0xffff  }
0x1e2: {  	[tilespmem:s23+$0xC10] =	vst v7;
	v1 =	vld.idx.msk [tilespmem:v1+s16+$0x0], $0xffff  }
0x1e3: {  	[tilespmem:s23+$0xC20] =	vst v5  }
0x1e4: {  	[tilespmem:s23+$0xC30] =	vst v4  }
0x1e5: {  	[tilespmem:s23+$0xC40] =	vst v6  }
0x1e6: {  	[tilespmem:s23+$0xC50] =	vst v0  }
0x1e7: {  	[tilespmem:s23+$0xC60] =	vst v1  }
0x1e8: {  	[hbm4b:s7+s3] =	stream.linear.scatter [tilespmem:s18], [sflag:$0x1], $0x2000, $0x38;
	[tilespmem:$0x8000] =	vst v63  }
0x1e9: {  	_ =	swait.ge [sflag:s21], $0x2000  }
0x1ea: {  	[sflag:s21] =	ssyncset.done $0x0  }
0x1eb: {  	s31 =	simm.s32 $0xC70;
	[sflag:s21] =	ssyncadd.s32 $0xFFFFE000  }
0x1ec: {  	v0 =	vld [tilespmem:s31+$0x0]  }
0x1ed: {  	v1 =	vld [tilespmem:s31+$0xFFFFFFA0]  }
0x1ee: {  	v2 =	vld [tilespmem:s31+$0xFFFFFFB0]  }
0x1ef: {  	v3 =	vld [tilespmem:s31+$0xFFFFFFC0]  }
0x1f0: {  	v6 =	vld [tilespmem:s31+$0xFFFFFFD0]  }
0x1f1: {  	v8 =	vld [tilespmem:s31+$0xFFFFFFE0];
	v7 =	vshll.u32 v0, $0x3  }
0x1f2: {  	v9 =	vld [tilespmem:s31+$0xFFFFFF90];
	v5 =	vshll.u32 v1, $0x3  }
0x1f3: {  	v1 =	vld [tilespmem:s31+$0xFFFFFFF0];
	v4 =	vshll.u32 v2, $0x3  }
0x1f4: {  	v3 =	vshll.u32 v3, $0x3  }
0x1f5: {  	v2 =	vshll.u32 v6, $0x3  }
0x1f6: {  	v0 =	vshll.u32 v8, $0x3;
	v8 =	vld.idx.msk [tilespmem:v7+s16+$0x0], $0xffff  }
0x1f7: {  	v6 =	vshll.u32 v9, $0x3;
	v10 =	vld.idx.msk [tilespmem:v5+s16+$0x0], $0xffff  }
0x1f8: {  	v1 =	vshll.u32 v1, $0x3;
	v11 =	vld.idx.msk [tilespmem:v4+s16+$0x0], $0xffff  }
0x1f9: {  	v12 =	vor.u32 $0x1, v7;
	v9 =	vld.idx.msk [tilespmem:v3+s16+$0x0], $0xffff  }
0x1fa: {  	v13 =	vor.u32 $0x1, v5;
	v14 =	vld.idx.msk [tilespmem:v2+s16+$0x0], $0xffff  }
0x1fb: {  	s23 =	simm.s32 $0x7000;
	v15 =	vor.u32 $0x1, v4;
	v16 =	vld.idx.msk [tilespmem:v0+s16+$0x0], $0xffff  }
0x1fc: {  	v17 =	vor.u32 $0x1, v3;
	v19 =	vld.idx.msk [tilespmem:v6+s16+$0x0], $0xffff;
	[tilespmem:s23+$0xFFFFF070] =	vst v8  }
0x1fd: {  	v26 =	vor.u32 $0x1, v0;
	v18 =	vld.idx.msk [tilespmem:v1+s16+$0x0], $0xffff;
	[tilespmem:s23+$0xFFFFF010] =	vst v10  }
0x1fe: {  	v27 =	vor.u32 $0x1, v6;
	[tilespmem:s23+$0xFFFFF020] =	vst v11;
	v10 =	vld.idx.msk [tilespmem:v12+s16+$0x0], $0xffff  }
0x1ff: {  	v8 =	vor.u32 $0x1, v2;
	[tilespmem:s23+$0xFFFFF030] =	vst v9;
	v11 =	vld.idx.msk [tilespmem:v13+s16+$0x0], $0xffff  }
0x200: {  	v28 =	vor.u32 $0x1, v1;
	[tilespmem:s23+$0xFFFFF040] =	vst v14;
	v15 =	vld.idx.msk [tilespmem:v15+s16+$0x0], $0xffff  }
0x201: {  	v9 =	vor.u32 $0x2, v7;
	[tilespmem:s23+$0xFFFFF050] =	vst v16;
	v17 =	vld.idx.msk [tilespmem:v17+s16+$0x0], $0xffff  }
0x202: {  	v29 =	vor.u32 $0x2, v5;
	[tilespmem:s23+$0xFFFFF000] =	vst v19;
	v12 =	vld.idx.msk [tilespmem:v26+s16+$0x0], $0xffff  }
0x203: {  	v30 =	vor.u32 $0x2, v4;
	v13 =	vld.idx.msk [tilespmem:v27+s16+$0x0], $0xffff;
	[tilespmem:s23+$0xFFFFF060] =	vst v18  }
0x204: {  	v33 =	vor.u32 $0x2, v6;
	v8 =	vld.idx.msk [tilespmem:v8+s16+$0x0], $0xffff;
	[tilespmem:s23+$0xFFFFF470] =	vst v10  }
0x205: {  	v10 =	vor.u32 $0x2, v3;
	[tilespmem:s23+$0xFFFFF410] =	vst v11;
	v11 =	vld.idx.msk [tilespmem:v28+s16+$0x0], $0xffff  }
0x206: {  	v31 =	vor.u32 $0x2, v2;
	[tilespmem:s23+$0xFFFFF420] =	vst v15;
	v9 =	vld.idx.msk [tilespmem:v9+s16+$0x0], $0xffff  }
0x207: {  	v34 =	vor.u32 $0x2, v0;
	[tilespmem:s23+$0xFFFFF430] =	vst v17;
	v16 =	vld.idx.msk [tilespmem:v29+s16+$0x0], $0xffff  }
0x208: {  	v32 =	vor.u32 $0x3, v7;
	[tilespmem:s23+$0xFFFFF400] =	vst v13;
	v18 =	vld.idx.msk [tilespmem:v30+s16+$0x0], $0xffff  }
0x209: {  	v35 =	vor.u32 $0x3, v5;
	[tilespmem:s23+$0xFFFFF450] =	vst v12;
	v15 =	vld.idx.msk [tilespmem:v33+s16+$0x0], $0xffff  }
0x20a: {  	v39 =	vor.u32 $0x3, v6;
	[tilespmem:s23+$0xFFFFF440] =	vst v8;
	v10 =	vld.idx.msk [tilespmem:v10+s16+$0x0], $0xffff  }
0x20b: {  	v8 =	vor.u32 $0x2, v1;
	v19 =	vld.idx.msk [tilespmem:v31+s16+$0x0], $0xffff;
	[tilespmem:s23+$0xFFFFF460] =	vst v11  }
0x20c: {  	v11 =	vld.idx.msk [tilespmem:v34+s16+$0x0], $0xffff;
	[tilespmem:s23+$0xFFFFF870] =	vst v9;
	v9 =	vor.u32 $0x3, v4  }
0x20d: {  	v37 =	vor.u32 $0x3, v3;
	[tilespmem:s23+$0xFFFFF810] =	vst v16;
	v36 =	vld.idx.msk [tilespmem:v32+s16+$0x0], $0xffff  }
0x20e: {  	v40 =	vor.u32 $0x3, v2;
	[tilespmem:s23+$0xFFFFF800] =	vst v15;
	v12 =	vld.idx.msk [tilespmem:v35+s16+$0x0], $0xffff  }
0x20f: {  	v38 =	vor.u32 $0x4, v7;
	[tilespmem:s23+$0xFFFFF820] =	vst v18;
	v17 =	vld.idx.msk [tilespmem:v39+s16+$0x0], $0xffff  }
0x210: {  	v42 =	vor.u32 $0x4, v5;
	v8 =	vld.idx.msk [tilespmem:v8+s16+$0x0], $0xffff;
	[tilespmem:s23+$0xFFFFF830] =	vst v10  }
0x211: {  	v45 =	vor.u32 $0x4, v6;
	[tilespmem:s23+$0xFFFFF840] =	vst v19;
	v9 =	vld.idx.msk [tilespmem:v9+s16+$0x0], $0xffff  }
0x212: {  	v10 =	vor.u32 $0x3, v0;
	[tilespmem:s23+$0xFFFFF850] =	vst v11;
	v14 =	vld.idx.msk [tilespmem:v37+s16+$0x0], $0xffff  }
0x213: {  	v41 =	vor.u32 $0x3, v1;
	v11 =	vld.idx.msk [tilespmem:v40+s16+$0x0], $0xffff;
	[tilespmem:s23+$0xFFFFFC70] =	vst v36  }
0x214: {  	v44 =	vor.u32 $0x4, v4;
	[tilespmem:s23+$0xFFFFFC10] =	vst v12;
	v43 =	vld.idx.msk [tilespmem:v38+s16+$0x0], $0xffff  }
0x215: {  	v46 =	vor.u32 $0x4, v3;
	[tilespmem:s23+$0xFFFFFC00] =	vst v17;
	v13 =	vld.idx.msk [tilespmem:v42+s16+$0x0], $0xffff  }
0x216: {  	v47 =	vor.u32 $0x4, v2;
	v18 =	vld.idx.msk [tilespmem:v45+s16+$0x0], $0xffff;
	[tilespmem:s23+$0xFFFFF860] =	vst v8  }
0x217: {  	v8 =	vor.u32 $0x5, v7;
	v10 =	vld.idx.msk [tilespmem:v10+s16+$0x0], $0xffff;
	[tilespmem:s23+$0xFFFFFC20] =	vst v9  }
0x218: {  	v50 =	vor.u32 $0x5, v5;
	v9 =	vld.idx.msk [tilespmem:v41+s16+$0x0], $0xffff;
	[tilespmem:s23+$0xFFFFFC30] =	vst v14  }
0x219: {  	v51 =	vor.u32 $0x5, v6;
	[tilespmem:s23+$0xFFFFFC40] =	vst v11;
	v16 =	vld.idx.msk [tilespmem:v44+s16+$0x0], $0xffff  }
0x21a: {  	v48 =	vor.u32 $0x4, v0;
	v11 =	vld.idx.msk [tilespmem:v46+s16+$0x0], $0xffff;
	[tilespmem:s23+$0x70] =	vst v43  }
0x21b: {  	v49 =	vor.u32 $0x4, v1;
	v19 =	vld.idx.msk [tilespmem:v47+s16+$0x0], $0xffff;
	[tilespmem:s23+$0x10] =	vst v13  }
0x21c: {  	v53 =	vor.u32 $0x5, v3;
	[tilespmem:s23+$0x0] =	vst v18;
	v8 =	vld.idx.msk [tilespmem:v8+s16+$0x0], $0xffff  }
0x21d: {  	v54 =	vor.u32 $0x5, v2;
	v17 =	vld.idx.msk [tilespmem:v50+s16+$0x0], $0xffff;
	[tilespmem:s23+$0xFFFFFC50] =	vst v10  }
0x21e: {  	v12 =	vld.idx.msk [tilespmem:v51+s16+$0x0], $0xffff;
	v10 =	vor.u32 $0x6, v7;
	[tilespmem:s23+$0xFFFFFC60] =	vst v9  }
0x21f: {  	v56 =	vor.u32 $0x6, v5;
	v52 =	vld.idx.msk [tilespmem:v48+s16+$0x0], $0xffff;
	[tilespmem:s23+$0x20] =	vst v16  }
0x220: {  	v9 =	vor.u32 $0x5, v4;
	v15 =	vld.idx.msk [tilespmem:v49+s16+$0x0], $0xffff;
	[tilespmem:s23+$0x30] =	vst v11  }
0x221: {  	[tilespmem:s23+$0x40] =	vst v19;
	v11 =	vor.u32 $0x6, v6;
	v14 =	vld.idx.msk [tilespmem:v53+s16+$0x0], $0xffff  }
0x222: {  	v55 =	vor.u32 $0x5, v1;
	v16 =	vld.idx.msk [tilespmem:v54+s16+$0x0], $0xffff;
	[tilespmem:s23+$0x470] =	vst v8  }
0x223: {  	v8 =	vor.u32 $0x5, v0;
	[tilespmem:s23+$0x410] =	vst v17;
	v10 =	vld.idx.msk [tilespmem:v10+s16+$0x0], $0xffff  }
0x224: {  	v58 =	vor.u32 $0x6, v3;
	[tilespmem:s23+$0x400] =	vst v12;
	v13 =	vld.idx.msk [tilespmem:v56+s16+$0x0], $0xffff  }
0x225: {  	v7 =	vor.u32 $0x7, v7;
	v9 =	vld.idx.msk [tilespmem:v9+s16+$0x0], $0xffff;
	[tilespmem:s23+$0x50] =	vst v52  }
0x226: {  	v57 =	vor.u32 $0x6, v4;
	[tilespmem:s23+$0x60] =	vst v15;
	v11 =	vld.idx.msk [tilespmem:v11+s16+$0x0], $0xffff  }
0x227: {  	v6 =	vor.u32 $0x7, v6;
	v18 =	vld.idx.msk [tilespmem:v55+s16+$0x0], $0xffff;
	[tilespmem:s23+$0x430] =	vst v14  }
0x228: {  	v8 =	vld.idx.msk [tilespmem:v8+s16+$0x0], $0xffff;
	[tilespmem:s23+$0x870] =	vst v10;
	v10 =	vor.u32 $0x6, v2  }
0x229: {  	v59 =	vor.u32 $0x6, v0;
	[tilespmem:s23+$0x440] =	vst v16;
	v61 =	vld.idx.msk [tilespmem:v58+s16+$0x0], $0xffff  }
0x22a: {  	v7 =	vld.idx.msk [tilespmem:v7+s16+$0x0], $0xffff;
	[tilespmem:s23+$0x420] =	vst v9;
	v9 =	vor.u32 $0x6, v1  }
0x22b: {  	v5 =	vor.u32 $0x7, v5;
	v60 =	vld.idx.msk [tilespmem:v57+s16+$0x0], $0xffff;
	[tilespmem:s23+$0x800] =	vst v11  }
0x22c: {  	v62 =	vor.u32 $0x7, v3;
	v4 =	vor.u32 $0x7, v4;
	[tilespmem:s23+$0x810] =	vst v13;
	v3 =	vld.idx.msk [tilespmem:v6+s16+$0x0], $0xffff  }
0x22d: {  	[tilespmem:s23+$0x450] =	vst v8;
	v10 =	vld.idx.msk [tilespmem:v10+s16+$0x0], $0xffff  }
0x22e: {  	v63 =	vor.u32 $0x7, v2;
	[tilespmem:s23+$0x460] =	vst v18;
	v12 =	vld.idx.msk [tilespmem:v59+s16+$0x0], $0xffff  }
0x22f: {  	[tilespmem:s23+$0xC70] =	vst v7;
	v8 =	vld.idx.msk [tilespmem:v9+s16+$0x0], $0xffff  }
0x230: {  	v7 =	vld.idx.msk [tilespmem:v5+s16+$0x0], $0xffff;
	[tilespmem:s23+$0x820] =	vst v60  }
0x231: {  	[tilespmem:s23+$0x830] =	vst v61;
	v5 =	vld.idx.msk [tilespmem:v4+s16+$0x0], $0xffff  }
0x232: {  	v4 =	vld.idx.msk [tilespmem:v62+s16+$0x0], $0xffff;
	[tilespmem:s23+$0x840] =	vst v10  }
0x233: {  	s24 =	simm.s32 $0x0;
	s25 =	simm.s32 $0xCF0;
	v2 =	vor.u32 $0x7, v0;
	v1 =	vor.u32 $0x7, v1;
	[tilespmem:s23+$0x850] =	vst v12;
	v6 =	vld.idx.msk [tilespmem:v63+s16+$0x0], $0xffff  }
.LBB2_8:
0x234: {  	v0 =	vld [tilespmem:s25+$0x0];
	s24 =	sadd.s32 $0x8, s24;
	[tilespmem:s23+$0x860] =	vst v8  }
0x235: {  	v8 =	vld [tilespmem:s25+$0xFFFFFFA0];
	p0 =	slt.u32 s24, $0x38;
	[tilespmem:s23+$0xC00] =	vst v3  }
0x236: {  	v3 =	vld [tilespmem:s25+$0xFFFFFFB0];
	[tilespmem:s23+$0xC10] =	vst v7  }
0x237: {  	v7 =	vld [tilespmem:s25+$0xFFFFFFC0];
	[tilespmem:s23+$0xC20] =	vst v5  }
0x238: {  	v5 =	vld [tilespmem:s25+$0xFFFFFFD0];
	[tilespmem:s23+$0xC30] =	vst v4  }
0x239: {  	v4 =	vld [tilespmem:s25+$0xFFFFFFE0];
	v0 =	vshll.u32 v0, $0x3;
	[tilespmem:s23+$0xC40] =	vst v6  }
0x23a: {  	v6 =	vshll.u32 v8, $0x3;
	v8 =	vld [tilespmem:s25+$0xFFFFFFF0]  }
0x23b: {  	v9 =	vld [tilespmem:s25+$0xFFFFFF90];
	v10 =	vor.u32 $0x1, v6;
	v17 =	vor.u32 $0x2, v6;
	v18 =	vshll.u32 v3, $0x3  }
0x23c: {  	v3 =	vor.u32 $0x1, v18;
	v19 =	vor.u32 $0x2, v18;
	v20 =	vshll.u32 v7, $0x3;
	v2 =	vld.idx.msk [tilespmem:v2+s16+$0x0], $0xffff  }
0x23d: {  	v7 =	vor.u32 $0x1, v20;
	v21 =	vor.u32 $0x2, v20;
	v22 =	vshll.u32 v5, $0x3;
	v1 =	vld.idx.msk [tilespmem:v1+s16+$0x0], $0xffff  }
0x23e: {  	v5 =	vor.u32 $0x1, v22;
	v23 =	vor.u32 $0x2, v22;
	v24 =	vshll.u32 v4, $0x3;
	v4 =	vld.idx.msk [tilespmem:v0+s16+$0x0], $0xffff  }
0x23f: {  	v11 =	vld.idx.msk [tilespmem:v6+s16+$0x0], $0xffff;
	v12 =	vor.u32 $0x1, v24;
	v25 =	vor.u32 $0x2, v24;
	v26 =	vshll.u32 v8, $0x3  }
0x240: {  	v13 =	vor.u32 $0x1, v0;
	v8 =	vshll.u32 v9, $0x3;
	v9 =	vld.idx.msk [tilespmem:v18+s16+$0x0], $0xffff;
	v27 =	vor.u32 $0x1, v26  }
0x241: {  	v30 =	vor.u32 $0x2, v26;
	v28 =	vor.u32 $0x1, v8;
	v29 =	vor.u32 $0x2, v8;
	v14 =	vld.idx.msk [tilespmem:v20+s16+$0x0], $0xffff  }
0x242: {  	v32 =	vor.u32 $0x3, v6;
	v33 =	vor.u32 $0x3, v18;
	v31 =	vor.u32 $0x3, v8;
	v16 =	vld.idx.msk [tilespmem:v22+s16+$0x0], $0xffff;
	[tilespmem:s23+$0xC50] =	vst v2  }
0x243: {  	v34 =	vor.u32 $0x3, v20;
	v35 =	vor.u32 $0x3, v22;
	v36 =	vor.u32 $0x3, v24;
	v2 =	vld.idx.msk [tilespmem:v24+s16+$0x0], $0xffff;
	[tilespmem:s23+$0xC60] =	vst v1;
	s23 =	sadd.s32 $0x80, s23  }
0x244: {  	v38 =	vor.u32 $0x4, v6;
	v39 =	vor.u32 $0x3, v26;
	v37 =	vor.u32 $0x4, v8;
	v1 =	vld.idx.msk [tilespmem:v26+s16+$0x0], $0xffff;
	[tilespmem:s23+$0xFFFFF070] =	vst v4  }
0x245: {  	v40 =	vor.u32 $0x4, v18;
	v41 =	vor.u32 $0x4, v20;
	v42 =	vor.u32 $0x4, v22;
	[tilespmem:s23+$0xFFFFF010] =	vst v11;
	v4 =	vld.idx.msk [tilespmem:v13+s16+$0x0], $0xffff  }
0x246: {  	v44 =	vor.u32 $0x4, v24;
	v45 =	vor.u32 $0x4, v26;
	v15 =	vor.u32 $0x5, v8;
	v43 =	vld.idx.msk [tilespmem:v8+s16+$0x0], $0xffff;
	[tilespmem:s23+$0xFFFFF020] =	vst v9  }
0x247: {  	v49 =	vor.u32 $0x2, v0;
	v47 =	vor.u32 $0x5, v6;
	v48 =	vor.u32 $0x5, v18;
	v46 =	vld.idx.msk [tilespmem:v10+s16+$0x0], $0xffff;
	[tilespmem:s23+$0xFFFFF030] =	vst v14  }
0x248: {  	v51 =	vor.u32 $0x5, v20;
	v52 =	vor.u32 $0x5, v22;
	v50 =	vld.idx.msk [tilespmem:v3+s16+$0x0], $0xffff;
	[tilespmem:s23+$0xFFFFF040] =	vst v16;
	v16 =	vor.u32 $0x5, v24  }
0x249: {  	v54 =	vor.u32 $0x5, v26;
	v13 =	vor.u32 $0x6, v8;
	v10 =	vor.u32 $0x6, v6;
	v53 =	vld.idx.msk [tilespmem:v7+s16+$0x0], $0xffff;
	[tilespmem:s23+$0xFFFFF050] =	vst v2  }
0x24a: {  	v11 =	vor.u32 $0x6, v20;
	v9 =	vor.u32 $0x6, v22;
	v14 =	vor.u32 $0x6, v18;
	v55 =	vld.idx.msk [tilespmem:v5+s16+$0x0], $0xffff;
	[tilespmem:s23+$0xFFFFF060] =	vst v1  }
0x24b: {  	v3 =	vor.u32 $0x7, v8;
	v8 =	vor.u32 $0x6, v26;
	v56 =	vld.idx.msk [tilespmem:v12+s16+$0x0], $0xffff;
	v12 =	vor.u32 $0x6, v24;
	[tilespmem:s23+$0xFFFFF470] =	vst v4  }
0x24c: {  	v7 =	vor.u32 $0x7, v6;
	v5 =	vor.u32 $0x7, v18;
	v4 =	vor.u32 $0x7, v20;
	[tilespmem:s23+$0xFFFFF000] =	vst v43;
	v18 =	vld.idx.msk [tilespmem:v49+s16+$0x0], $0xffff  }
0x24d: {  	v6 =	vor.u32 $0x7, v22;
	v2 =	vor.u32 $0x7, v24;
	v1 =	vor.u32 $0x7, v26;
	v20 =	vld.idx.msk [tilespmem:v28+s16+$0x0], $0xffff;
	[tilespmem:s23+$0xFFFFF410] =	vst v46  }
0x24e: {  	v24 =	vor.u32 $0x3, v0;
	[tilespmem:s23+$0xFFFFF420] =	vst v50;
	v22 =	vld.idx.msk [tilespmem:v27+s16+$0x0], $0xffff  }
0x24f: {  	v17 =	vld.idx.msk [tilespmem:v17+s16+$0x0], $0xffff;
	[tilespmem:s23+$0xFFFFF430] =	vst v53  }
0x250: {  	v19 =	vld.idx.msk [tilespmem:v19+s16+$0x0], $0xffff;
	[tilespmem:s23+$0xFFFFF440] =	vst v55  }
0x251: {  	v21 =	vld.idx.msk [tilespmem:v21+s16+$0x0], $0xffff;
	[tilespmem:s23+$0xFFFFF450] =	vst v56  }
0x252: {  	v23 =	vld.idx.msk [tilespmem:v23+s16+$0x0], $0xffff;
	[tilespmem:s23+$0xFFFFF870] =	vst v18  }
0x253: {  	[tilespmem:s23+$0xFFFFF400] =	vst v20;
	v18 =	vld.idx.msk [tilespmem:v24+s16+$0x0], $0xffff  }
0x254: {  	v20 =	vld.idx.msk [tilespmem:v29+s16+$0x0], $0xffff;
	[tilespmem:s23+$0xFFFFF460] =	vst v22  }
0x255: {  	v22 =	vor.u32 $0x4, v0;
	[tilespmem:s23+$0xFFFFF810] =	vst v17;
	v17 =	vld.idx.msk [tilespmem:v25+s16+$0x0], $0xffff  }
0x256: {  	[tilespmem:s23+$0xFFFFF820] =	vst v19;
	v19 =	vld.idx.msk [tilespmem:v30+s16+$0x0], $0xffff  }
0x257: {  	v24 =	vld.idx.msk [tilespmem:v32+s16+$0x0], $0xffff;
	[tilespmem:s23+$0xFFFFF830] =	vst v21  }
0x258: {  	v21 =	vld.idx.msk [tilespmem:v33+s16+$0x0], $0xffff;
	[tilespmem:s23+$0xFFFFF840] =	vst v23  }
0x259: {  	v23 =	vld.idx.msk [tilespmem:v34+s16+$0x0], $0xffff;
	[tilespmem:s23+$0xFFFFFC70] =	vst v18  }
0x25a: {  	[tilespmem:s23+$0xFFFFF800] =	vst v20;
	v18 =	vld.idx.msk [tilespmem:v22+s16+$0x0], $0xffff  }
0x25b: {  	v20 =	vld.idx.msk [tilespmem:v31+s16+$0x0], $0xffff;
	[tilespmem:s23+$0xFFFFF850] =	vst v17  }
0x25c: {  	v17 =	vld.idx.msk [tilespmem:v35+s16+$0x0], $0xffff;
	[tilespmem:s23+$0xFFFFF860] =	vst v19;
	v19 =	vor.u32 $0x5, v0  }
0x25d: {  	[tilespmem:s23+$0xFFFFFC10] =	vst v24;
	v22 =	vld.idx.msk [tilespmem:v36+s16+$0x0], $0xffff  }
0x25e: {  	[tilespmem:s23+$0xFFFFFC20] =	vst v21;
	v21 =	vld.idx.msk [tilespmem:v39+s16+$0x0], $0xffff  }
0x25f: {  	v24 =	vld.idx.msk [tilespmem:v38+s16+$0x0], $0xffff;
	[tilespmem:s23+$0xFFFFFC30] =	vst v23  }
0x260: {  	v23 =	vld.idx.msk [tilespmem:v40+s16+$0x0], $0xffff;
	[tilespmem:s23+$0x70] =	vst v18  }
0x261: {  	[tilespmem:s23+$0xFFFFFC00] =	vst v20;
	v18 =	vld.idx.msk [tilespmem:v19+s16+$0x0], $0xffff  }
0x262: {  	v19 =	vld.idx.msk [tilespmem:v37+s16+$0x0], $0xffff;
	[tilespmem:s23+$0xFFFFFC40] =	vst v17  }
0x263: {  	v20 =	vor.u32 $0x6, v0;
	v17 =	vld.idx.msk [tilespmem:v41+s16+$0x0], $0xffff;
	[tilespmem:s23+$0xFFFFFC50] =	vst v22  }
0x264: {  	v22 =	vld.idx.msk [tilespmem:v42+s16+$0x0], $0xffff;
	[tilespmem:s23+$0xFFFFFC60] =	vst v21  }
0x265: {  	[tilespmem:s23+$0x10] =	vst v24;
	v21 =	vld.idx.msk [tilespmem:v44+s16+$0x0], $0xffff  }
0x266: {  	[tilespmem:s23+$0x20] =	vst v23;
	v23 =	vld.idx.msk [tilespmem:v45+s16+$0x0], $0xffff  }
0x267: {  	v24 =	vld.idx.msk [tilespmem:v47+s16+$0x0], $0xffff;
	[tilespmem:s23+$0x470] =	vst v18  }
0x268: {  	[tilespmem:s23+$0x0] =	vst v19;
	v18 =	vld.idx.msk [tilespmem:v20+s16+$0x0], $0xffff  }
0x269: {  	v15 =	vld.idx.msk [tilespmem:v15+s16+$0x0], $0xffff;
	[tilespmem:s23+$0x30] =	vst v17  }
0x26a: {  	v0 =	vor.u32 $0x7, v0;
	v17 =	vld.idx.msk [tilespmem:v48+s16+$0x0], $0xffff;
	[tilespmem:s23+$0x40] =	vst v22  }
0x26b: {  	v19 =	vld.idx.msk [tilespmem:v51+s16+$0x0], $0xffff;
	[tilespmem:s23+$0x50] =	vst v21  }
0x26c: {  	v20 =	vld.idx.msk [tilespmem:v52+s16+$0x0], $0xffff;
	[tilespmem:s23+$0x60] =	vst v23  }
0x26d: {  	[tilespmem:s23+$0x410] =	vst v24;
	v16 =	vld.idx.msk [tilespmem:v16+s16+$0x0], $0xffff  }
0x26e: {  	v21 =	vld.idx.msk [tilespmem:v54+s16+$0x0], $0xffff;
	[tilespmem:s23+$0x870] =	vst v18  }
0x26f: {  	[tilespmem:s23+$0x400] =	vst v15;
	v0 =	vld.idx.msk [tilespmem:v0+s16+$0x0], $0xffff  }
0x270: {  	v13 =	vld.idx.msk [tilespmem:v13+s16+$0x0], $0xffff;
	[tilespmem:s23+$0x420] =	vst v17  }
0x271: {  	v10 =	vld.idx.msk [tilespmem:v10+s16+$0x0], $0xffff;
	[tilespmem:s23+$0x430] =	vst v19  }
0x272: {  	v14 =	vld.idx.msk [tilespmem:v14+s16+$0x0], $0xffff;
	[tilespmem:s23+$0x440] =	vst v20  }
0x273: {  	v11 =	vld.idx.msk [tilespmem:v11+s16+$0x0], $0xffff;
	[tilespmem:s23+$0x450] =	vst v16  }
0x274: {  	v9 =	vld.idx.msk [tilespmem:v9+s16+$0x0], $0xffff;
	[tilespmem:s23+$0x460] =	vst v21  }
0x275: {  	v12 =	vld.idx.msk [tilespmem:v12+s16+$0x0], $0xffff;
	[tilespmem:s23+$0xC70] =	vst v0  }
0x276: {  	[tilespmem:s23+$0x800] =	vst v13;
	v8 =	vld.idx.msk [tilespmem:v8+s16+$0x0], $0xffff  }
.Ltmp3:
0x277: {  	v3 =	vld.idx.msk [tilespmem:v3+s16+$0x0], $0xffff;
	[tilespmem:s23+$0x810] =	vst v10;
	(pc) =	sbr.rel @p0 .LBB2_8-.Ltmp3, $4  }
0x278: {  	v7 =	vld.idx.msk [tilespmem:v7+s16+$0x0], $0xffff;
	[tilespmem:s23+$0x820] =	vst v14  }
0x279: {  	v5 =	vld.idx.msk [tilespmem:v5+s16+$0x0], $0xffff;
	[tilespmem:s23+$0x830] =	vst v11  }
0x27a: {  	v4 =	vld.idx.msk [tilespmem:v4+s16+$0x0], $0xffff;
	[tilespmem:s23+$0x840] =	vst v9  }
0x27b: {  	s25 =	sadd.s32 $0x80, s25;
	v6 =	vld.idx.msk [tilespmem:v6+s16+$0x0], $0xffff;
	[tilespmem:s23+$0x850] =	vst v12  }
0x27c: {  	_ =	sdelay $0x2  }
0x27d: {  	[tilespmem:s23+$0x860] =	vst v8  }
0x27e: {  	[tilespmem:s23+$0xC00] =	vst v3;
	v0 =	vld.idx.msk [tilespmem:v2+s16+$0x0], $0xffff  }
0x27f: {  	[tilespmem:s23+$0xC10] =	vst v7;
	v1 =	vld.idx.msk [tilespmem:v1+s16+$0x0], $0xffff  }
0x280: {  	[tilespmem:s23+$0xC20] =	vst v5  }
0x281: {  	[tilespmem:s23+$0xC30] =	vst v4  }
0x282: {  	[tilespmem:s23+$0xC40] =	vst v6  }
0x283: {  	[tilespmem:s23+$0xC50] =	vst v0  }
0x284: {  	[tilespmem:s23+$0xC60] =	vst v1  }
0x285: {  	[hbm4b:s8+s3] =	stream.linear.scatter [tilespmem:s19], [sflag:$0x2], $0x2000, $0x38;
	[tilespmem:$0x8000] =	vst v63  }
0x286: {  	_ =	swait.ge [sflag:s20], $0x2000  }
0x287: {  	[sflag:s20] =	ssyncset.done $0x0  }
0x288: {  	s31 =	simm.s32 $0x1070;
	[sflag:s20] =	ssyncadd.s32 $0xFFFFE000  }
0x289: {  	v0 =	vld [tilespmem:s31+$0x0]  }
0x28a: {  	v1 =	vld [tilespmem:s31+$0xFFFFFFA0]  }
0x28b: {  	v2 =	vld [tilespmem:s31+$0xFFFFFFB0]  }
0x28c: {  	v3 =	vld [tilespmem:s31+$0xFFFFFFC0]  }
0x28d: {  	v6 =	vld [tilespmem:s31+$0xFFFFFFD0]  }
0x28e: {  	v8 =	vld [tilespmem:s31+$0xFFFFFFE0];
	v7 =	vshll.u32 v0, $0x3  }
0x28f: {  	v9 =	vld [tilespmem:s31+$0xFFFFFF90];
	v5 =	vshll.u32 v1, $0x3  }
0x290: {  	v1 =	vld [tilespmem:s31+$0xFFFFFFF0];
	v4 =	vshll.u32 v2, $0x3  }
0x291: {  	v3 =	vshll.u32 v3, $0x3  }
0x292: {  	v2 =	vshll.u32 v6, $0x3  }
0x293: {  	v0 =	vshll.u32 v8, $0x3;
	v8 =	vld.idx.msk [tilespmem:v7+s16+$0x0], $0xffff  }
0x294: {  	v6 =	vshll.u32 v9, $0x3;
	v10 =	vld.idx.msk [tilespmem:v5+s16+$0x0], $0xffff  }
0x295: {  	v1 =	vshll.u32 v1, $0x3;
	v11 =	vld.idx.msk [tilespmem:v4+s16+$0x0], $0xffff  }
0x296: {  	v12 =	vor.u32 $0x1, v7;
	v9 =	vld.idx.msk [tilespmem:v3+s16+$0x0], $0xffff  }
0x297: {  	v13 =	vor.u32 $0x1, v5;
	v14 =	vld.idx.msk [tilespmem:v2+s16+$0x0], $0xffff  }
0x298: {  	s23 =	simm.s32 $0x5000;
	v15 =	vor.u32 $0x1, v4;
	v16 =	vld.idx.msk [tilespmem:v0+s16+$0x0], $0xffff  }
0x299: {  	v17 =	vor.u32 $0x1, v3;
	v19 =	vld.idx.msk [tilespmem:v6+s16+$0x0], $0xffff;
	[tilespmem:s23+$0xFFFFF070] =	vst v8  }
0x29a: {  	v26 =	vor.u32 $0x1, v0;
	v18 =	vld.idx.msk [tilespmem:v1+s16+$0x0], $0xffff;
	[tilespmem:s23+$0xFFFFF010] =	vst v10  }
0x29b: {  	v27 =	vor.u32 $0x1, v6;
	[tilespmem:s23+$0xFFFFF020] =	vst v11;
	v10 =	vld.idx.msk [tilespmem:v12+s16+$0x0], $0xffff  }
0x29c: {  	v8 =	vor.u32 $0x1, v2;
	[tilespmem:s23+$0xFFFFF030] =	vst v9;
	v11 =	vld.idx.msk [tilespmem:v13+s16+$0x0], $0xffff  }
0x29d: {  	v28 =	vor.u32 $0x1, v1;
	[tilespmem:s23+$0xFFFFF040] =	vst v14;
	v15 =	vld.idx.msk [tilespmem:v15+s16+$0x0], $0xffff  }
0x29e: {  	v9 =	vor.u32 $0x2, v7;
	[tilespmem:s23+$0xFFFFF050] =	vst v16;
	v17 =	vld.idx.msk [tilespmem:v17+s16+$0x0], $0xffff  }
0x29f: {  	v29 =	vor.u32 $0x2, v5;
	[tilespmem:s23+$0xFFFFF000] =	vst v19;
	v12 =	vld.idx.msk [tilespmem:v26+s16+$0x0], $0xffff  }
0x2a0: {  	v30 =	vor.u32 $0x2, v4;
	v13 =	vld.idx.msk [tilespmem:v27+s16+$0x0], $0xffff;
	[tilespmem:s23+$0xFFFFF060] =	vst v18  }
0x2a1: {  	v33 =	vor.u32 $0x2, v6;
	v8 =	vld.idx.msk [tilespmem:v8+s16+$0x0], $0xffff;
	[tilespmem:s23+$0xFFFFF470] =	vst v10  }
0x2a2: {  	v10 =	vor.u32 $0x2, v3;
	[tilespmem:s23+$0xFFFFF410] =	vst v11;
	v11 =	vld.idx.msk [tilespmem:v28+s16+$0x0], $0xffff  }
0x2a3: {  	v31 =	vor.u32 $0x2, v2;
	[tilespmem:s23+$0xFFFFF420] =	vst v15;
	v9 =	vld.idx.msk [tilespmem:v9+s16+$0x0], $0xffff  }
0x2a4: {  	v34 =	vor.u32 $0x2, v0;
	[tilespmem:s23+$0xFFFFF430] =	vst v17;
	v16 =	vld.idx.msk [tilespmem:v29+s16+$0x0], $0xffff  }
0x2a5: {  	v32 =	vor.u32 $0x3, v7;
	[tilespmem:s23+$0xFFFFF400] =	vst v13;
	v18 =	vld.idx.msk [tilespmem:v30+s16+$0x0], $0xffff  }
0x2a6: {  	v35 =	vor.u32 $0x3, v5;
	[tilespmem:s23+$0xFFFFF450] =	vst v12;
	v15 =	vld.idx.msk [tilespmem:v33+s16+$0x0], $0xffff  }
0x2a7: {  	v39 =	vor.u32 $0x3, v6;
	[tilespmem:s23+$0xFFFFF440] =	vst v8;
	v10 =	vld.idx.msk [tilespmem:v10+s16+$0x0], $0xffff  }
0x2a8: {  	v8 =	vor.u32 $0x2, v1;
	v19 =	vld.idx.msk [tilespmem:v31+s16+$0x0], $0xffff;
	[tilespmem:s23+$0xFFFFF460] =	vst v11  }
0x2a9: {  	v11 =	vld.idx.msk [tilespmem:v34+s16+$0x0], $0xffff;
	[tilespmem:s23+$0xFFFFF870] =	vst v9;
	v9 =	vor.u32 $0x3, v4  }
0x2aa: {  	v37 =	vor.u32 $0x3, v3;
	[tilespmem:s23+$0xFFFFF810] =	vst v16;
	v36 =	vld.idx.msk [tilespmem:v32+s16+$0x0], $0xffff  }
0x2ab: {  	v40 =	vor.u32 $0x3, v2;
	[tilespmem:s23+$0xFFFFF800] =	vst v15;
	v12 =	vld.idx.msk [tilespmem:v35+s16+$0x0], $0xffff  }
0x2ac: {  	v38 =	vor.u32 $0x4, v7;
	[tilespmem:s23+$0xFFFFF820] =	vst v18;
	v17 =	vld.idx.msk [tilespmem:v39+s16+$0x0], $0xffff  }
0x2ad: {  	v42 =	vor.u32 $0x4, v5;
	v8 =	vld.idx.msk [tilespmem:v8+s16+$0x0], $0xffff;
	[tilespmem:s23+$0xFFFFF830] =	vst v10  }
0x2ae: {  	v45 =	vor.u32 $0x4, v6;
	[tilespmem:s23+$0xFFFFF840] =	vst v19;
	v9 =	vld.idx.msk [tilespmem:v9+s16+$0x0], $0xffff  }
0x2af: {  	v10 =	vor.u32 $0x3, v0;
	[tilespmem:s23+$0xFFFFF850] =	vst v11;
	v14 =	vld.idx.msk [tilespmem:v37+s16+$0x0], $0xffff  }
0x2b0: {  	v41 =	vor.u32 $0x3, v1;
	v11 =	vld.idx.msk [tilespmem:v40+s16+$0x0], $0xffff;
	[tilespmem:s23+$0xFFFFFC70] =	vst v36  }
0x2b1: {  	v44 =	vor.u32 $0x4, v4;
	[tilespmem:s23+$0xFFFFFC10] =	vst v12;
	v43 =	vld.idx.msk [tilespmem:v38+s16+$0x0], $0xffff  }
0x2b2: {  	v46 =	vor.u32 $0x4, v3;
	[tilespmem:s23+$0xFFFFFC00] =	vst v17;
	v13 =	vld.idx.msk [tilespmem:v42+s16+$0x0], $0xffff  }
0x2b3: {  	v47 =	vor.u32 $0x4, v2;
	v18 =	vld.idx.msk [tilespmem:v45+s16+$0x0], $0xffff;
	[tilespmem:s23+$0xFFFFF860] =	vst v8  }
0x2b4: {  	v8 =	vor.u32 $0x5, v7;
	v10 =	vld.idx.msk [tilespmem:v10+s16+$0x0], $0xffff;
	[tilespmem:s23+$0xFFFFFC20] =	vst v9  }
0x2b5: {  	v50 =	vor.u32 $0x5, v5;
	v9 =	vld.idx.msk [tilespmem:v41+s16+$0x0], $0xffff;
	[tilespmem:s23+$0xFFFFFC30] =	vst v14  }
0x2b6: {  	v51 =	vor.u32 $0x5, v6;
	[tilespmem:s23+$0xFFFFFC40] =	vst v11;
	v16 =	vld.idx.msk [tilespmem:v44+s16+$0x0], $0xffff  }
0x2b7: {  	v48 =	vor.u32 $0x4, v0;
	v11 =	vld.idx.msk [tilespmem:v46+s16+$0x0], $0xffff;
	[tilespmem:s23+$0x70] =	vst v43  }
0x2b8: {  	v49 =	vor.u32 $0x4, v1;
	v19 =	vld.idx.msk [tilespmem:v47+s16+$0x0], $0xffff;
	[tilespmem:s23+$0x10] =	vst v13  }
0x2b9: {  	v53 =	vor.u32 $0x5, v3;
	[tilespmem:s23+$0x0] =	vst v18;
	v8 =	vld.idx.msk [tilespmem:v8+s16+$0x0], $0xffff  }
0x2ba: {  	v54 =	vor.u32 $0x5, v2;
	v17 =	vld.idx.msk [tilespmem:v50+s16+$0x0], $0xffff;
	[tilespmem:s23+$0xFFFFFC50] =	vst v10  }
0x2bb: {  	v12 =	vld.idx.msk [tilespmem:v51+s16+$0x0], $0xffff;
	v10 =	vor.u32 $0x6, v7;
	[tilespmem:s23+$0xFFFFFC60] =	vst v9  }
0x2bc: {  	v56 =	vor.u32 $0x6, v5;
	v52 =	vld.idx.msk [tilespmem:v48+s16+$0x0], $0xffff;
	[tilespmem:s23+$0x20] =	vst v16  }
0x2bd: {  	v9 =	vor.u32 $0x5, v4;
	v15 =	vld.idx.msk [tilespmem:v49+s16+$0x0], $0xffff;
	[tilespmem:s23+$0x30] =	vst v11  }
0x2be: {  	[tilespmem:s23+$0x40] =	vst v19;
	v11 =	vor.u32 $0x6, v6;
	v14 =	vld.idx.msk [tilespmem:v53+s16+$0x0], $0xffff  }
0x2bf: {  	v55 =	vor.u32 $0x5, v1;
	v16 =	vld.idx.msk [tilespmem:v54+s16+$0x0], $0xffff;
	[tilespmem:s23+$0x470] =	vst v8  }
0x2c0: {  	v8 =	vor.u32 $0x5, v0;
	[tilespmem:s23+$0x410] =	vst v17;
	v10 =	vld.idx.msk [tilespmem:v10+s16+$0x0], $0xffff  }
0x2c1: {  	v58 =	vor.u32 $0x6, v3;
	[tilespmem:s23+$0x400] =	vst v12;
	v13 =	vld.idx.msk [tilespmem:v56+s16+$0x0], $0xffff  }
0x2c2: {  	v7 =	vor.u32 $0x7, v7;
	v9 =	vld.idx.msk [tilespmem:v9+s16+$0x0], $0xffff;
	[tilespmem:s23+$0x50] =	vst v52  }
0x2c3: {  	v57 =	vor.u32 $0x6, v4;
	[tilespmem:s23+$0x60] =	vst v15;
	v11 =	vld.idx.msk [tilespmem:v11+s16+$0x0], $0xffff  }
0x2c4: {  	v6 =	vor.u32 $0x7, v6;
	v18 =	vld.idx.msk [tilespmem:v55+s16+$0x0], $0xffff;
	[tilespmem:s23+$0x430] =	vst v14  }
0x2c5: {  	v8 =	vld.idx.msk [tilespmem:v8+s16+$0x0], $0xffff;
	[tilespmem:s23+$0x870] =	vst v10;
	v10 =	vor.u32 $0x6, v2  }
0x2c6: {  	v59 =	vor.u32 $0x6, v0;
	[tilespmem:s23+$0x440] =	vst v16;
	v61 =	vld.idx.msk [tilespmem:v58+s16+$0x0], $0xffff  }
0x2c7: {  	v7 =	vld.idx.msk [tilespmem:v7+s16+$0x0], $0xffff;
	[tilespmem:s23+$0x420] =	vst v9;
	v9 =	vor.u32 $0x6, v1  }
0x2c8: {  	v5 =	vor.u32 $0x7, v5;
	v60 =	vld.idx.msk [tilespmem:v57+s16+$0x0], $0xffff;
	[tilespmem:s23+$0x800] =	vst v11  }
0x2c9: {  	v62 =	vor.u32 $0x7, v3;
	v4 =	vor.u32 $0x7, v4;
	[tilespmem:s23+$0x810] =	vst v13;
	v3 =	vld.idx.msk [tilespmem:v6+s16+$0x0], $0xffff  }
0x2ca: {  	[tilespmem:s23+$0x450] =	vst v8;
	v10 =	vld.idx.msk [tilespmem:v10+s16+$0x0], $0xffff  }
0x2cb: {  	v63 =	vor.u32 $0x7, v2;
	[tilespmem:s23+$0x460] =	vst v18;
	v12 =	vld.idx.msk [tilespmem:v59+s16+$0x0], $0xffff  }
0x2cc: {  	[tilespmem:s23+$0xC70] =	vst v7;
	v8 =	vld.idx.msk [tilespmem:v9+s16+$0x0], $0xffff  }
0x2cd: {  	v7 =	vld.idx.msk [tilespmem:v5+s16+$0x0], $0xffff;
	[tilespmem:s23+$0x820] =	vst v60  }
0x2ce: {  	[tilespmem:s23+$0x830] =	vst v61;
	v5 =	vld.idx.msk [tilespmem:v4+s16+$0x0], $0xffff  }
0x2cf: {  	v4 =	vld.idx.msk [tilespmem:v62+s16+$0x0], $0xffff;
	[tilespmem:s23+$0x840] =	vst v10  }
0x2d0: {  	s24 =	simm.s32 $0x0;
	s25 =	simm.s32 $0x10F0;
	v2 =	vor.u32 $0x7, v0;
	v1 =	vor.u32 $0x7, v1;
	[tilespmem:s23+$0x850] =	vst v12;
	v6 =	vld.idx.msk [tilespmem:v63+s16+$0x0], $0xffff  }
.LBB2_10:
0x2d1: {  	v0 =	vld [tilespmem:s25+$0x0];
	s24 =	sadd.s32 $0x8, s24;
	[tilespmem:s23+$0x860] =	vst v8  }
0x2d2: {  	v8 =	vld [tilespmem:s25+$0xFFFFFFA0];
	p0 =	slt.u32 s24, $0x38;
	[tilespmem:s23+$0xC00] =	vst v3  }
0x2d3: {  	v3 =	vld [tilespmem:s25+$0xFFFFFFB0];
	[tilespmem:s23+$0xC10] =	vst v7  }
0x2d4: {  	v7 =	vld [tilespmem:s25+$0xFFFFFFC0];
	[tilespmem:s23+$0xC20] =	vst v5  }
0x2d5: {  	v5 =	vld [tilespmem:s25+$0xFFFFFFD0];
	[tilespmem:s23+$0xC30] =	vst v4  }
0x2d6: {  	v4 =	vld [tilespmem:s25+$0xFFFFFFE0];
	v0 =	vshll.u32 v0, $0x3;
	[tilespmem:s23+$0xC40] =	vst v6  }
0x2d7: {  	v6 =	vshll.u32 v8, $0x3;
	v8 =	vld [tilespmem:s25+$0xFFFFFFF0]  }
0x2d8: {  	v9 =	vld [tilespmem:s25+$0xFFFFFF90];
	v10 =	vor.u32 $0x1, v6;
	v17 =	vor.u32 $0x2, v6;
	v18 =	vshll.u32 v3, $0x3  }
0x2d9: {  	v3 =	vor.u32 $0x1, v18;
	v19 =	vor.u32 $0x2, v18;
	v20 =	vshll.u32 v7, $0x3;
	v2 =	vld.idx.msk [tilespmem:v2+s16+$0x0], $0xffff  }
0x2da: {  	v7 =	vor.u32 $0x1, v20;
	v21 =	vor.u32 $0x2, v20;
	v22 =	vshll.u32 v5, $0x3;
	v1 =	vld.idx.msk [tilespmem:v1+s16+$0x0], $0xffff  }
0x2db: {  	v5 =	vor.u32 $0x1, v22;
	v23 =	vor.u32 $0x2, v22;
	v24 =	vshll.u32 v4, $0x3;
	v4 =	vld.idx.msk [tilespmem:v0+s16+$0x0], $0xffff  }
0x2dc: {  	v11 =	vld.idx.msk [tilespmem:v6+s16+$0x0], $0xffff;
	v12 =	vor.u32 $0x1, v24;
	v25 =	vor.u32 $0x2, v24;
	v26 =	vshll.u32 v8, $0x3  }
0x2dd: {  	v13 =	vor.u32 $0x1, v0;
	v8 =	vshll.u32 v9, $0x3;
	v9 =	vld.idx.msk [tilespmem:v18+s16+$0x0], $0xffff;
	v27 =	vor.u32 $0x1, v26  }
0x2de: {  	v30 =	vor.u32 $0x2, v26;
	v28 =	vor.u32 $0x1, v8;
	v29 =	vor.u32 $0x2, v8;
	v14 =	vld.idx.msk [tilespmem:v20+s16+$0x0], $0xffff  }
0x2df: {  	v32 =	vor.u32 $0x3, v6;
	v33 =	vor.u32 $0x3, v18;
	v31 =	vor.u32 $0x3, v8;
	v16 =	vld.idx.msk [tilespmem:v22+s16+$0x0], $0xffff;
	[tilespmem:s23+$0xC50] =	vst v2  }
0x2e0: {  	v34 =	vor.u32 $0x3, v20;
	v35 =	vor.u32 $0x3, v22;
	v36 =	vor.u32 $0x3, v24;
	v2 =	vld.idx.msk [tilespmem:v24+s16+$0x0], $0xffff;
	[tilespmem:s23+$0xC60] =	vst v1;
	s23 =	sadd.s32 $0x80, s23  }
0x2e1: {  	v38 =	vor.u32 $0x4, v6;
	v39 =	vor.u32 $0x3, v26;
	v37 =	vor.u32 $0x4, v8;
	v1 =	vld.idx.msk [tilespmem:v26+s16+$0x0], $0xffff;
	[tilespmem:s23+$0xFFFFF070] =	vst v4  }
0x2e2: {  	v40 =	vor.u32 $0x4, v18;
	v41 =	vor.u32 $0x4, v20;
	v42 =	vor.u32 $0x4, v22;
	[tilespmem:s23+$0xFFFFF010] =	vst v11;
	v4 =	vld.idx.msk [tilespmem:v13+s16+$0x0], $0xffff  }
0x2e3: {  	v44 =	vor.u32 $0x4, v24;
	v45 =	vor.u32 $0x4, v26;
	v15 =	vor.u32 $0x5, v8;
	v43 =	vld.idx.msk [tilespmem:v8+s16+$0x0], $0xffff;
	[tilespmem:s23+$0xFFFFF020] =	vst v9  }
0x2e4: {  	v49 =	vor.u32 $0x2, v0;
	v47 =	vor.u32 $0x5, v6;
	v48 =	vor.u32 $0x5, v18;
	v46 =	vld.idx.msk [tilespmem:v10+s16+$0x0], $0xffff;
	[tilespmem:s23+$0xFFFFF030] =	vst v14  }
0x2e5: {  	v51 =	vor.u32 $0x5, v20;
	v52 =	vor.u32 $0x5, v22;
	v50 =	vld.idx.msk [tilespmem:v3+s16+$0x0], $0xffff;
	[tilespmem:s23+$0xFFFFF040] =	vst v16;
	v16 =	vor.u32 $0x5, v24  }
0x2e6: {  	v54 =	vor.u32 $0x5, v26;
	v13 =	vor.u32 $0x6, v8;
	v10 =	vor.u32 $0x6, v6;
	v53 =	vld.idx.msk [tilespmem:v7+s16+$0x0], $0xffff;
	[tilespmem:s23+$0xFFFFF050] =	vst v2  }
0x2e7: {  	v11 =	vor.u32 $0x6, v20;
	v9 =	vor.u32 $0x6, v22;
	v14 =	vor.u32 $0x6, v18;
	v55 =	vld.idx.msk [tilespmem:v5+s16+$0x0], $0xffff;
	[tilespmem:s23+$0xFFFFF060] =	vst v1  }
0x2e8: {  	v3 =	vor.u32 $0x7, v8;
	v8 =	vor.u32 $0x6, v26;
	v56 =	vld.idx.msk [tilespmem:v12+s16+$0x0], $0xffff;
	v12 =	vor.u32 $0x6, v24;
	[tilespmem:s23+$0xFFFFF470] =	vst v4  }
0x2e9: {  	v7 =	vor.u32 $0x7, v6;
	v5 =	vor.u32 $0x7, v18;
	v4 =	vor.u32 $0x7, v20;
	[tilespmem:s23+$0xFFFFF000] =	vst v43;
	v18 =	vld.idx.msk [tilespmem:v49+s16+$0x0], $0xffff  }
0x2ea: {  	v6 =	vor.u32 $0x7, v22;
	v2 =	vor.u32 $0x7, v24;
	v1 =	vor.u32 $0x7, v26;
	v20 =	vld.idx.msk [tilespmem:v28+s16+$0x0], $0xffff;
	[tilespmem:s23+$0xFFFFF410] =	vst v46  }
0x2eb: {  	v24 =	vor.u32 $0x3, v0;
	[tilespmem:s23+$0xFFFFF420] =	vst v50;
	v22 =	vld.idx.msk [tilespmem:v27+s16+$0x0], $0xffff  }
0x2ec: {  	v17 =	vld.idx.msk [tilespmem:v17+s16+$0x0], $0xffff;
	[tilespmem:s23+$0xFFFFF430] =	vst v53  }
0x2ed: {  	v19 =	vld.idx.msk [tilespmem:v19+s16+$0x0], $0xffff;
	[tilespmem:s23+$0xFFFFF440] =	vst v55  }
0x2ee: {  	v21 =	vld.idx.msk [tilespmem:v21+s16+$0x0], $0xffff;
	[tilespmem:s23+$0xFFFFF450] =	vst v56  }
0x2ef: {  	v23 =	vld.idx.msk [tilespmem:v23+s16+$0x0], $0xffff;
	[tilespmem:s23+$0xFFFFF870] =	vst v18  }
0x2f0: {  	[tilespmem:s23+$0xFFFFF400] =	vst v20;
	v18 =	vld.idx.msk [tilespmem:v24+s16+$0x0], $0xffff  }
0x2f1: {  	v20 =	vld.idx.msk [tilespmem:v29+s16+$0x0], $0xffff;
	[tilespmem:s23+$0xFFFFF460] =	vst v22  }
0x2f2: {  	v22 =	vor.u32 $0x4, v0;
	[tilespmem:s23+$0xFFFFF810] =	vst v17;
	v17 =	vld.idx.msk [tilespmem:v25+s16+$0x0], $0xffff  }
0x2f3: {  	[tilespmem:s23+$0xFFFFF820] =	vst v19;
	v19 =	vld.idx.msk [tilespmem:v30+s16+$0x0], $0xffff  }
0x2f4: {  	v24 =	vld.idx.msk [tilespmem:v32+s16+$0x0], $0xffff;
	[tilespmem:s23+$0xFFFFF830] =	vst v21  }
0x2f5: {  	v21 =	vld.idx.msk [tilespmem:v33+s16+$0x0], $0xffff;
	[tilespmem:s23+$0xFFFFF840] =	vst v23  }
0x2f6: {  	v23 =	vld.idx.msk [tilespmem:v34+s16+$0x0], $0xffff;
	[tilespmem:s23+$0xFFFFFC70] =	vst v18  }
0x2f7: {  	[tilespmem:s23+$0xFFFFF800] =	vst v20;
	v18 =	vld.idx.msk [tilespmem:v22+s16+$0x0], $0xffff  }
0x2f8: {  	v20 =	vld.idx.msk [tilespmem:v31+s16+$0x0], $0xffff;
	[tilespmem:s23+$0xFFFFF850] =	vst v17  }
0x2f9: {  	v17 =	vld.idx.msk [tilespmem:v35+s16+$0x0], $0xffff;
	[tilespmem:s23+$0xFFFFF860] =	vst v19;
	v19 =	vor.u32 $0x5, v0  }
0x2fa: {  	[tilespmem:s23+$0xFFFFFC10] =	vst v24;
	v22 =	vld.idx.msk [tilespmem:v36+s16+$0x0], $0xffff  }
0x2fb: {  	[tilespmem:s23+$0xFFFFFC20] =	vst v21;
	v21 =	vld.idx.msk [tilespmem:v39+s16+$0x0], $0xffff  }
0x2fc: {  	v24 =	vld.idx.msk [tilespmem:v38+s16+$0x0], $0xffff;
	[tilespmem:s23+$0xFFFFFC30] =	vst v23  }
0x2fd: {  	v23 =	vld.idx.msk [tilespmem:v40+s16+$0x0], $0xffff;
	[tilespmem:s23+$0x70] =	vst v18  }
0x2fe: {  	[tilespmem:s23+$0xFFFFFC00] =	vst v20;
	v18 =	vld.idx.msk [tilespmem:v19+s16+$0x0], $0xffff  }
0x2ff: {  	v19 =	vld.idx.msk [tilespmem:v37+s16+$0x0], $0xffff;
	[tilespmem:s23+$0xFFFFFC40] =	vst v17  }
0x300: {  	v20 =	vor.u32 $0x6, v0;
	v17 =	vld.idx.msk [tilespmem:v41+s16+$0x0], $0xffff;
	[tilespmem:s23+$0xFFFFFC50] =	vst v22  }
0x301: {  	v22 =	vld.idx.msk [tilespmem:v42+s16+$0x0], $0xffff;
	[tilespmem:s23+$0xFFFFFC60] =	vst v21  }
0x302: {  	[tilespmem:s23+$0x10] =	vst v24;
	v21 =	vld.idx.msk [tilespmem:v44+s16+$0x0], $0xffff  }
0x303: {  	[tilespmem:s23+$0x20] =	vst v23;
	v23 =	vld.idx.msk [tilespmem:v45+s16+$0x0], $0xffff  }
0x304: {  	v24 =	vld.idx.msk [tilespmem:v47+s16+$0x0], $0xffff;
	[tilespmem:s23+$0x470] =	vst v18  }
0x305: {  	[tilespmem:s23+$0x0] =	vst v19;
	v18 =	vld.idx.msk [tilespmem:v20+s16+$0x0], $0xffff  }
0x306: {  	v15 =	vld.idx.msk [tilespmem:v15+s16+$0x0], $0xffff;
	[tilespmem:s23+$0x30] =	vst v17  }
0x307: {  	v0 =	vor.u32 $0x7, v0;
	v17 =	vld.idx.msk [tilespmem:v48+s16+$0x0], $0xffff;
	[tilespmem:s23+$0x40] =	vst v22  }
0x308: {  	v19 =	vld.idx.msk [tilespmem:v51+s16+$0x0], $0xffff;
	[tilespmem:s23+$0x50] =	vst v21  }
0x309: {  	v20 =	vld.idx.msk [tilespmem:v52+s16+$0x0], $0xffff;
	[tilespmem:s23+$0x60] =	vst v23  }
0x30a: {  	[tilespmem:s23+$0x410] =	vst v24;
	v16 =	vld.idx.msk [tilespmem:v16+s16+$0x0], $0xffff  }
0x30b: {  	v21 =	vld.idx.msk [tilespmem:v54+s16+$0x0], $0xffff;
	[tilespmem:s23+$0x870] =	vst v18  }
0x30c: {  	[tilespmem:s23+$0x400] =	vst v15;
	v0 =	vld.idx.msk [tilespmem:v0+s16+$0x0], $0xffff  }
0x30d: {  	v13 =	vld.idx.msk [tilespmem:v13+s16+$0x0], $0xffff;
	[tilespmem:s23+$0x420] =	vst v17  }
0x30e: {  	v10 =	vld.idx.msk [tilespmem:v10+s16+$0x0], $0xffff;
	[tilespmem:s23+$0x430] =	vst v19  }
0x30f: {  	v14 =	vld.idx.msk [tilespmem:v14+s16+$0x0], $0xffff;
	[tilespmem:s23+$0x440] =	vst v20  }
0x310: {  	v11 =	vld.idx.msk [tilespmem:v11+s16+$0x0], $0xffff;
	[tilespmem:s23+$0x450] =	vst v16  }
0x311: {  	v9 =	vld.idx.msk [tilespmem:v9+s16+$0x0], $0xffff;
	[tilespmem:s23+$0x460] =	vst v21  }
0x312: {  	v12 =	vld.idx.msk [tilespmem:v12+s16+$0x0], $0xffff;
	[tilespmem:s23+$0xC70] =	vst v0  }
0x313: {  	[tilespmem:s23+$0x800] =	vst v13;
	v8 =	vld.idx.msk [tilespmem:v8+s16+$0x0], $0xffff  }
.Ltmp4:
0x314: {  	v3 =	vld.idx.msk [tilespmem:v3+s16+$0x0], $0xffff;
	[tilespmem:s23+$0x810] =	vst v10;
	(pc) =	sbr.rel @p0 .LBB2_10-.Ltmp4, $4  }
0x315: {  	v7 =	vld.idx.msk [tilespmem:v7+s16+$0x0], $0xffff;
	[tilespmem:s23+$0x820] =	vst v14  }
0x316: {  	v5 =	vld.idx.msk [tilespmem:v5+s16+$0x0], $0xffff;
	[tilespmem:s23+$0x830] =	vst v11  }
0x317: {  	v4 =	vld.idx.msk [tilespmem:v4+s16+$0x0], $0xffff;
	[tilespmem:s23+$0x840] =	vst v9  }
0x318: {  	s25 =	sadd.s32 $0x80, s25;
	v6 =	vld.idx.msk [tilespmem:v6+s16+$0x0], $0xffff;
	[tilespmem:s23+$0x850] =	vst v12  }
0x319: {  	_ =	sdelay $0x2  }
0x31a: {  	[tilespmem:s23+$0x860] =	vst v8  }
0x31b: {  	[tilespmem:s23+$0xC00] =	vst v3;
	v0 =	vld.idx.msk [tilespmem:v2+s16+$0x0], $0xffff  }
0x31c: {  	[tilespmem:s23+$0xC10] =	vst v7;
	v1 =	vld.idx.msk [tilespmem:v1+s16+$0x0], $0xffff  }
0x31d: {  	[tilespmem:s23+$0xC20] =	vst v5  }
0x31e: {  	[tilespmem:s23+$0xC30] =	vst v4  }
0x31f: {  	[tilespmem:s23+$0xC40] =	vst v6  }
0x320: {  	[tilespmem:s23+$0xC50] =	vst v0  }
0x321: {  	[tilespmem:s23+$0xC60] =	vst v1  }
0x322: {  	[hbm4b:s9+s3] =	stream.linear.scatter [tilespmem:s18], [sflag:$0x1], $0x2000, $0x38;
	[tilespmem:$0x8000] =	vst v63  }
0x323: {  	_ =	swait.ge [sflag:s21], $0x2000  }
0x324: {  	[sflag:s21] =	ssyncset.done $0x0  }
0x325: {  	s31 =	simm.s32 $0x1470;
	[sflag:s21] =	ssyncadd.s32 $0xFFFFE000  }
0x326: {  	v0 =	vld [tilespmem:s31+$0x0]  }
0x327: {  	v1 =	vld [tilespmem:s31+$0xFFFFFFA0]  }
0x328: {  	v2 =	vld [tilespmem:s31+$0xFFFFFFB0]  }
0x329: {  	v3 =	vld [tilespmem:s31+$0xFFFFFFC0]  }
0x32a: {  	v6 =	vld [tilespmem:s31+$0xFFFFFFD0]  }
0x32b: {  	v8 =	vld [tilespmem:s31+$0xFFFFFFE0];
	v7 =	vshll.u32 v0, $0x3  }
0x32c: {  	v9 =	vld [tilespmem:s31+$0xFFFFFF90];
	v5 =	vshll.u32 v1, $0x3  }
0x32d: {  	v1 =	vld [tilespmem:s31+$0xFFFFFFF0];
	v4 =	vshll.u32 v2, $0x3  }
0x32e: {  	v3 =	vshll.u32 v3, $0x3  }
0x32f: {  	v2 =	vshll.u32 v6, $0x3  }
0x330: {  	v0 =	vshll.u32 v8, $0x3;
	v8 =	vld.idx.msk [tilespmem:v7+s16+$0x0], $0xffff  }
0x331: {  	v6 =	vshll.u32 v9, $0x3;
	v10 =	vld.idx.msk [tilespmem:v5+s16+$0x0], $0xffff  }
0x332: {  	v1 =	vshll.u32 v1, $0x3;
	v11 =	vld.idx.msk [tilespmem:v4+s16+$0x0], $0xffff  }
0x333: {  	v12 =	vor.u32 $0x1, v7;
	v9 =	vld.idx.msk [tilespmem:v3+s16+$0x0], $0xffff  }
0x334: {  	v13 =	vor.u32 $0x1, v5;
	v14 =	vld.idx.msk [tilespmem:v2+s16+$0x0], $0xffff  }
0x335: {  	s23 =	simm.s32 $0x7000;
	v15 =	vor.u32 $0x1, v4;
	v16 =	vld.idx.msk [tilespmem:v0+s16+$0x0], $0xffff  }
0x336: {  	v17 =	vor.u32 $0x1, v3;
	v19 =	vld.idx.msk [tilespmem:v6+s16+$0x0], $0xffff;
	[tilespmem:s23+$0xFFFFF070] =	vst v8  }
0x337: {  	v26 =	vor.u32 $0x1, v0;
	v18 =	vld.idx.msk [tilespmem:v1+s16+$0x0], $0xffff;
	[tilespmem:s23+$0xFFFFF010] =	vst v10  }
0x338: {  	v27 =	vor.u32 $0x1, v6;
	[tilespmem:s23+$0xFFFFF020] =	vst v11;
	v10 =	vld.idx.msk [tilespmem:v12+s16+$0x0], $0xffff  }
0x339: {  	v8 =	vor.u32 $0x1, v2;
	[tilespmem:s23+$0xFFFFF030] =	vst v9;
	v11 =	vld.idx.msk [tilespmem:v13+s16+$0x0], $0xffff  }
0x33a: {  	v28 =	vor.u32 $0x1, v1;
	[tilespmem:s23+$0xFFFFF040] =	vst v14;
	v15 =	vld.idx.msk [tilespmem:v15+s16+$0x0], $0xffff  }
0x33b: {  	v9 =	vor.u32 $0x2, v7;
	[tilespmem:s23+$0xFFFFF050] =	vst v16;
	v17 =	vld.idx.msk [tilespmem:v17+s16+$0x0], $0xffff  }
0x33c: {  	v29 =	vor.u32 $0x2, v5;
	[tilespmem:s23+$0xFFFFF000] =	vst v19;
	v12 =	vld.idx.msk [tilespmem:v26+s16+$0x0], $0xffff  }
0x33d: {  	v30 =	vor.u32 $0x2, v4;
	v13 =	vld.idx.msk [tilespmem:v27+s16+$0x0], $0xffff;
	[tilespmem:s23+$0xFFFFF060] =	vst v18  }
0x33e: {  	v33 =	vor.u32 $0x2, v6;
	v8 =	vld.idx.msk [tilespmem:v8+s16+$0x0], $0xffff;
	[tilespmem:s23+$0xFFFFF470] =	vst v10  }
0x33f: {  	v10 =	vor.u32 $0x2, v3;
	[tilespmem:s23+$0xFFFFF410] =	vst v11;
	v11 =	vld.idx.msk [tilespmem:v28+s16+$0x0], $0xffff  }
0x340: {  	v31 =	vor.u32 $0x2, v2;
	[tilespmem:s23+$0xFFFFF420] =	vst v15;
	v9 =	vld.idx.msk [tilespmem:v9+s16+$0x0], $0xffff  }
0x341: {  	v34 =	vor.u32 $0x2, v0;
	[tilespmem:s23+$0xFFFFF430] =	vst v17;
	v16 =	vld.idx.msk [tilespmem:v29+s16+$0x0], $0xffff  }
0x342: {  	v32 =	vor.u32 $0x3, v7;
	[tilespmem:s23+$0xFFFFF400] =	vst v13;
	v18 =	vld.idx.msk [tilespmem:v30+s16+$0x0], $0xffff  }
0x343: {  	v35 =	vor.u32 $0x3, v5;
	[tilespmem:s23+$0xFFFFF450] =	vst v12;
	v15 =	vld.idx.msk [tilespmem:v33+s16+$0x0], $0xffff  }
0x344: {  	v39 =	vor.u32 $0x3, v6;
	[tilespmem:s23+$0xFFFFF440] =	vst v8;
	v10 =	vld.idx.msk [tilespmem:v10+s16+$0x0], $0xffff  }
0x345: {  	v8 =	vor.u32 $0x2, v1;
	v19 =	vld.idx.msk [tilespmem:v31+s16+$0x0], $0xffff;
	[tilespmem:s23+$0xFFFFF460] =	vst v11  }
0x346: {  	v11 =	vld.idx.msk [tilespmem:v34+s16+$0x0], $0xffff;
	[tilespmem:s23+$0xFFFFF870] =	vst v9;
	v9 =	vor.u32 $0x3, v4  }
0x347: {  	v37 =	vor.u32 $0x3, v3;
	[tilespmem:s23+$0xFFFFF810] =	vst v16;
	v36 =	vld.idx.msk [tilespmem:v32+s16+$0x0], $0xffff  }
0x348: {  	v40 =	vor.u32 $0x3, v2;
	[tilespmem:s23+$0xFFFFF800] =	vst v15;
	v12 =	vld.idx.msk [tilespmem:v35+s16+$0x0], $0xffff  }
0x349: {  	v38 =	vor.u32 $0x4, v7;
	[tilespmem:s23+$0xFFFFF820] =	vst v18;
	v17 =	vld.idx.msk [tilespmem:v39+s16+$0x0], $0xffff  }
0x34a: {  	v42 =	vor.u32 $0x4, v5;
	v8 =	vld.idx.msk [tilespmem:v8+s16+$0x0], $0xffff;
	[tilespmem:s23+$0xFFFFF830] =	vst v10  }
0x34b: {  	v45 =	vor.u32 $0x4, v6;
	[tilespmem:s23+$0xFFFFF840] =	vst v19;
	v9 =	vld.idx.msk [tilespmem:v9+s16+$0x0], $0xffff  }
0x34c: {  	v10 =	vor.u32 $0x3, v0;
	[tilespmem:s23+$0xFFFFF850] =	vst v11;
	v14 =	vld.idx.msk [tilespmem:v37+s16+$0x0], $0xffff  }
0x34d: {  	v41 =	vor.u32 $0x3, v1;
	v11 =	vld.idx.msk [tilespmem:v40+s16+$0x0], $0xffff;
	[tilespmem:s23+$0xFFFFFC70] =	vst v36  }
0x34e: {  	v44 =	vor.u32 $0x4, v4;
	[tilespmem:s23+$0xFFFFFC10] =	vst v12;
	v43 =	vld.idx.msk [tilespmem:v38+s16+$0x0], $0xffff  }
0x34f: {  	v46 =	vor.u32 $0x4, v3;
	[tilespmem:s23+$0xFFFFFC00] =	vst v17;
	v13 =	vld.idx.msk [tilespmem:v42+s16+$0x0], $0xffff  }
0x350: {  	v47 =	vor.u32 $0x4, v2;
	v18 =	vld.idx.msk [tilespmem:v45+s16+$0x0], $0xffff;
	[tilespmem:s23+$0xFFFFF860] =	vst v8  }
0x351: {  	v8 =	vor.u32 $0x5, v7;
	v10 =	vld.idx.msk [tilespmem:v10+s16+$0x0], $0xffff;
	[tilespmem:s23+$0xFFFFFC20] =	vst v9  }
0x352: {  	v50 =	vor.u32 $0x5, v5;
	v9 =	vld.idx.msk [tilespmem:v41+s16+$0x0], $0xffff;
	[tilespmem:s23+$0xFFFFFC30] =	vst v14  }
0x353: {  	v51 =	vor.u32 $0x5, v6;
	[tilespmem:s23+$0xFFFFFC40] =	vst v11;
	v16 =	vld.idx.msk [tilespmem:v44+s16+$0x0], $0xffff  }
0x354: {  	v48 =	vor.u32 $0x4, v0;
	v11 =	vld.idx.msk [tilespmem:v46+s16+$0x0], $0xffff;
	[tilespmem:s23+$0x70] =	vst v43  }
0x355: {  	v49 =	vor.u32 $0x4, v1;
	v19 =	vld.idx.msk [tilespmem:v47+s16+$0x0], $0xffff;
	[tilespmem:s23+$0x10] =	vst v13  }
0x356: {  	v53 =	vor.u32 $0x5, v3;
	[tilespmem:s23+$0x0] =	vst v18;
	v8 =	vld.idx.msk [tilespmem:v8+s16+$0x0], $0xffff  }
0x357: {  	v54 =	vor.u32 $0x5, v2;
	v17 =	vld.idx.msk [tilespmem:v50+s16+$0x0], $0xffff;
	[tilespmem:s23+$0xFFFFFC50] =	vst v10  }
0x358: {  	v12 =	vld.idx.msk [tilespmem:v51+s16+$0x0], $0xffff;
	v10 =	vor.u32 $0x6, v7;
	[tilespmem:s23+$0xFFFFFC60] =	vst v9  }
0x359: {  	v56 =	vor.u32 $0x6, v5;
	v52 =	vld.idx.msk [tilespmem:v48+s16+$0x0], $0xffff;
	[tilespmem:s23+$0x20] =	vst v16  }
0x35a: {  	v9 =	vor.u32 $0x5, v4;
	v15 =	vld.idx.msk [tilespmem:v49+s16+$0x0], $0xffff;
	[tilespmem:s23+$0x30] =	vst v11  }
0x35b: {  	[tilespmem:s23+$0x40] =	vst v19;
	v11 =	vor.u32 $0x6, v6;
	v14 =	vld.idx.msk [tilespmem:v53+s16+$0x0], $0xffff  }
0x35c: {  	v55 =	vor.u32 $0x5, v1;
	v16 =	vld.idx.msk [tilespmem:v54+s16+$0x0], $0xffff;
	[tilespmem:s23+$0x470] =	vst v8  }
0x35d: {  	v8 =	vor.u32 $0x5, v0;
	[tilespmem:s23+$0x410] =	vst v17;
	v10 =	vld.idx.msk [tilespmem:v10+s16+$0x0], $0xffff  }
0x35e: {  	v58 =	vor.u32 $0x6, v3;
	[tilespmem:s23+$0x400] =	vst v12;
	v13 =	vld.idx.msk [tilespmem:v56+s16+$0x0], $0xffff  }
0x35f: {  	v7 =	vor.u32 $0x7, v7;
	v9 =	vld.idx.msk [tilespmem:v9+s16+$0x0], $0xffff;
	[tilespmem:s23+$0x50] =	vst v52  }
0x360: {  	v57 =	vor.u32 $0x6, v4;
	[tilespmem:s23+$0x60] =	vst v15;
	v11 =	vld.idx.msk [tilespmem:v11+s16+$0x0], $0xffff  }
0x361: {  	v6 =	vor.u32 $0x7, v6;
	v18 =	vld.idx.msk [tilespmem:v55+s16+$0x0], $0xffff;
	[tilespmem:s23+$0x430] =	vst v14  }
0x362: {  	v8 =	vld.idx.msk [tilespmem:v8+s16+$0x0], $0xffff;
	[tilespmem:s23+$0x870] =	vst v10;
	v10 =	vor.u32 $0x6, v2  }
0x363: {  	v59 =	vor.u32 $0x6, v0;
	[tilespmem:s23+$0x440] =	vst v16;
	v61 =	vld.idx.msk [tilespmem:v58+s16+$0x0], $0xffff  }
0x364: {  	v7 =	vld.idx.msk [tilespmem:v7+s16+$0x0], $0xffff;
	[tilespmem:s23+$0x420] =	vst v9;
	v9 =	vor.u32 $0x6, v1  }
0x365: {  	v5 =	vor.u32 $0x7, v5;
	v60 =	vld.idx.msk [tilespmem:v57+s16+$0x0], $0xffff;
	[tilespmem:s23+$0x800] =	vst v11  }
0x366: {  	v62 =	vor.u32 $0x7, v3;
	v4 =	vor.u32 $0x7, v4;
	[tilespmem:s23+$0x810] =	vst v13;
	v3 =	vld.idx.msk [tilespmem:v6+s16+$0x0], $0xffff  }
0x367: {  	[tilespmem:s23+$0x450] =	vst v8;
	v10 =	vld.idx.msk [tilespmem:v10+s16+$0x0], $0xffff  }
0x368: {  	v63 =	vor.u32 $0x7, v2;
	[tilespmem:s23+$0x460] =	vst v18;
	v12 =	vld.idx.msk [tilespmem:v59+s16+$0x0], $0xffff  }
0x369: {  	[tilespmem:s23+$0xC70] =	vst v7;
	v8 =	vld.idx.msk [tilespmem:v9+s16+$0x0], $0xffff  }
0x36a: {  	v7 =	vld.idx.msk [tilespmem:v5+s16+$0x0], $0xffff;
	[tilespmem:s23+$0x820] =	vst v60  }
0x36b: {  	[tilespmem:s23+$0x830] =	vst v61;
	v5 =	vld.idx.msk [tilespmem:v4+s16+$0x0], $0xffff  }
0x36c: {  	v4 =	vld.idx.msk [tilespmem:v62+s16+$0x0], $0xffff;
	[tilespmem:s23+$0x840] =	vst v10  }
0x36d: {  	s24 =	simm.s32 $0x0;
	s25 =	simm.s32 $0x14F0;
	v2 =	vor.u32 $0x7, v0;
	v1 =	vor.u32 $0x7, v1;
	[tilespmem:s23+$0x850] =	vst v12;
	v6 =	vld.idx.msk [tilespmem:v63+s16+$0x0], $0xffff  }
.LBB2_12:
0x36e: {  	v0 =	vld [tilespmem:s25+$0x0];
	s24 =	sadd.s32 $0x8, s24;
	[tilespmem:s23+$0x860] =	vst v8  }
0x36f: {  	v8 =	vld [tilespmem:s25+$0xFFFFFFA0];
	p0 =	slt.u32 s24, $0x38;
	[tilespmem:s23+$0xC00] =	vst v3  }
0x370: {  	v3 =	vld [tilespmem:s25+$0xFFFFFFB0];
	[tilespmem:s23+$0xC10] =	vst v7  }
0x371: {  	v7 =	vld [tilespmem:s25+$0xFFFFFFC0];
	[tilespmem:s23+$0xC20] =	vst v5  }
0x372: {  	v5 =	vld [tilespmem:s25+$0xFFFFFFD0];
	[tilespmem:s23+$0xC30] =	vst v4  }
0x373: {  	v4 =	vld [tilespmem:s25+$0xFFFFFFE0];
	v0 =	vshll.u32 v0, $0x3;
	[tilespmem:s23+$0xC40] =	vst v6  }
0x374: {  	v6 =	vshll.u32 v8, $0x3;
	v8 =	vld [tilespmem:s25+$0xFFFFFFF0]  }
0x375: {  	v9 =	vld [tilespmem:s25+$0xFFFFFF90];
	v10 =	vor.u32 $0x1, v6;
	v17 =	vor.u32 $0x2, v6;
	v18 =	vshll.u32 v3, $0x3  }
0x376: {  	v3 =	vor.u32 $0x1, v18;
	v19 =	vor.u32 $0x2, v18;
	v20 =	vshll.u32 v7, $0x3;
	v2 =	vld.idx.msk [tilespmem:v2+s16+$0x0], $0xffff  }
0x377: {  	v7 =	vor.u32 $0x1, v20;
	v21 =	vor.u32 $0x2, v20;
	v22 =	vshll.u32 v5, $0x3;
	v1 =	vld.idx.msk [tilespmem:v1+s16+$0x0], $0xffff  }
0x378: {  	v5 =	vor.u32 $0x1, v22;
	v23 =	vor.u32 $0x2, v22;
	v24 =	vshll.u32 v4, $0x3;
	v4 =	vld.idx.msk [tilespmem:v0+s16+$0x0], $0xffff  }
0x379: {  	v11 =	vld.idx.msk [tilespmem:v6+s16+$0x0], $0xffff;
	v12 =	vor.u32 $0x1, v24;
	v25 =	vor.u32 $0x2, v24;
	v26 =	vshll.u32 v8, $0x3  }
0x37a: {  	v13 =	vor.u32 $0x1, v0;
	v8 =	vshll.u32 v9, $0x3;
	v9 =	vld.idx.msk [tilespmem:v18+s16+$0x0], $0xffff;
	v27 =	vor.u32 $0x1, v26  }
0x37b: {  	v30 =	vor.u32 $0x2, v26;
	v28 =	vor.u32 $0x1, v8;
	v29 =	vor.u32 $0x2, v8;
	v14 =	vld.idx.msk [tilespmem:v20+s16+$0x0], $0xffff  }
0x37c: {  	v32 =	vor.u32 $0x3, v6;
	v33 =	vor.u32 $0x3, v18;
	v31 =	vor.u32 $0x3, v8;
	v16 =	vld.idx.msk [tilespmem:v22+s16+$0x0], $0xffff;
	[tilespmem:s23+$0xC50] =	vst v2  }
0x37d: {  	v34 =	vor.u32 $0x3, v20;
	v35 =	vor.u32 $0x3, v22;
	v36 =	vor.u32 $0x3, v24;
	v2 =	vld.idx.msk [tilespmem:v24+s16+$0x0], $0xffff;
	[tilespmem:s23+$0xC60] =	vst v1;
	s23 =	sadd.s32 $0x80, s23  }
0x37e: {  	v38 =	vor.u32 $0x4, v6;
	v39 =	vor.u32 $0x3, v26;
	v37 =	vor.u32 $0x4, v8;
	v1 =	vld.idx.msk [tilespmem:v26+s16+$0x0], $0xffff;
	[tilespmem:s23+$0xFFFFF070] =	vst v4  }
0x37f: {  	v40 =	vor.u32 $0x4, v18;
	v41 =	vor.u32 $0x4, v20;
	v42 =	vor.u32 $0x4, v22;
	[tilespmem:s23+$0xFFFFF010] =	vst v11;
	v4 =	vld.idx.msk [tilespmem:v13+s16+$0x0], $0xffff  }
0x380: {  	v44 =	vor.u32 $0x4, v24;
	v45 =	vor.u32 $0x4, v26;
	v15 =	vor.u32 $0x5, v8;
	v43 =	vld.idx.msk [tilespmem:v8+s16+$0x0], $0xffff;
	[tilespmem:s23+$0xFFFFF020] =	vst v9  }
0x381: {  	v49 =	vor.u32 $0x2, v0;
	v47 =	vor.u32 $0x5, v6;
	v48 =	vor.u32 $0x5, v18;
	v46 =	vld.idx.msk [tilespmem:v10+s16+$0x0], $0xffff;
	[tilespmem:s23+$0xFFFFF030] =	vst v14  }
0x382: {  	v51 =	vor.u32 $0x5, v20;
	v52 =	vor.u32 $0x5, v22;
	v50 =	vld.idx.msk [tilespmem:v3+s16+$0x0], $0xffff;
	[tilespmem:s23+$0xFFFFF040] =	vst v16;
	v16 =	vor.u32 $0x5, v24  }
0x383: {  	v54 =	vor.u32 $0x5, v26;
	v13 =	vor.u32 $0x6, v8;
	v10 =	vor.u32 $0x6, v6;
	v53 =	vld.idx.msk [tilespmem:v7+s16+$0x0], $0xffff;
	[tilespmem:s23+$0xFFFFF050] =	vst v2  }
0x384: {  	v11 =	vor.u32 $0x6, v20;
	v9 =	vor.u32 $0x6, v22;
	v14 =	vor.u32 $0x6, v18;
	v55 =	vld.idx.msk [tilespmem:v5+s16+$0x0], $0xffff;
	[tilespmem:s23+$0xFFFFF060] =	vst v1  }
0x385: {  	v3 =	vor.u32 $0x7, v8;
	v8 =	vor.u32 $0x6, v26;
	v56 =	vld.idx.msk [tilespmem:v12+s16+$0x0], $0xffff;
	v12 =	vor.u32 $0x6, v24;
	[tilespmem:s23+$0xFFFFF470] =	vst v4  }
0x386: {  	v7 =	vor.u32 $0x7, v6;
	v5 =	vor.u32 $0x7, v18;
	v4 =	vor.u32 $0x7, v20;
	[tilespmem:s23+$0xFFFFF000] =	vst v43;
	v18 =	vld.idx.msk [tilespmem:v49+s16+$0x0], $0xffff  }
0x387: {  	v6 =	vor.u32 $0x7, v22;
	v2 =	vor.u32 $0x7, v24;
	v1 =	vor.u32 $0x7, v26;
	v20 =	vld.idx.msk [tilespmem:v28+s16+$0x0], $0xffff;
	[tilespmem:s23+$0xFFFFF410] =	vst v46  }
0x388: {  	v24 =	vor.u32 $0x3, v0;
	[tilespmem:s23+$0xFFFFF420] =	vst v50;
	v22 =	vld.idx.msk [tilespmem:v27+s16+$0x0], $0xffff  }
0x389: {  	v17 =	vld.idx.msk [tilespmem:v17+s16+$0x0], $0xffff;
	[tilespmem:s23+$0xFFFFF430] =	vst v53  }
0x38a: {  	v19 =	vld.idx.msk [tilespmem:v19+s16+$0x0], $0xffff;
	[tilespmem:s23+$0xFFFFF440] =	vst v55  }
0x38b: {  	v21 =	vld.idx.msk [tilespmem:v21+s16+$0x0], $0xffff;
	[tilespmem:s23+$0xFFFFF450] =	vst v56  }
0x38c: {  	v23 =	vld.idx.msk [tilespmem:v23+s16+$0x0], $0xffff;
	[tilespmem:s23+$0xFFFFF870] =	vst v18  }
0x38d: {  	[tilespmem:s23+$0xFFFFF400] =	vst v20;
	v18 =	vld.idx.msk [tilespmem:v24+s16+$0x0], $0xffff  }
0x38e: {  	v20 =	vld.idx.msk [tilespmem:v29+s16+$0x0], $0xffff;
	[tilespmem:s23+$0xFFFFF460] =	vst v22  }
0x38f: {  	v22 =	vor.u32 $0x4, v0;
	[tilespmem:s23+$0xFFFFF810] =	vst v17;
	v17 =	vld.idx.msk [tilespmem:v25+s16+$0x0], $0xffff  }
0x390: {  	[tilespmem:s23+$0xFFFFF820] =	vst v19;
	v19 =	vld.idx.msk [tilespmem:v30+s16+$0x0], $0xffff  }
0x391: {  	v24 =	vld.idx.msk [tilespmem:v32+s16+$0x0], $0xffff;
	[tilespmem:s23+$0xFFFFF830] =	vst v21  }
0x392: {  	v21 =	vld.idx.msk [tilespmem:v33+s16+$0x0], $0xffff;
	[tilespmem:s23+$0xFFFFF840] =	vst v23  }
0x393: {  	v23 =	vld.idx.msk [tilespmem:v34+s16+$0x0], $0xffff;
	[tilespmem:s23+$0xFFFFFC70] =	vst v18  }
0x394: {  	[tilespmem:s23+$0xFFFFF800] =	vst v20;
	v18 =	vld.idx.msk [tilespmem:v22+s16+$0x0], $0xffff  }
0x395: {  	v20 =	vld.idx.msk [tilespmem:v31+s16+$0x0], $0xffff;
	[tilespmem:s23+$0xFFFFF850] =	vst v17  }
0x396: {  	v17 =	vld.idx.msk [tilespmem:v35+s16+$0x0], $0xffff;
	[tilespmem:s23+$0xFFFFF860] =	vst v19;
	v19 =	vor.u32 $0x5, v0  }
0x397: {  	[tilespmem:s23+$0xFFFFFC10] =	vst v24;
	v22 =	vld.idx.msk [tilespmem:v36+s16+$0x0], $0xffff  }
0x398: {  	[tilespmem:s23+$0xFFFFFC20] =	vst v21;
	v21 =	vld.idx.msk [tilespmem:v39+s16+$0x0], $0xffff  }
0x399: {  	v24 =	vld.idx.msk [tilespmem:v38+s16+$0x0], $0xffff;
	[tilespmem:s23+$0xFFFFFC30] =	vst v23  }
0x39a: {  	v23 =	vld.idx.msk [tilespmem:v40+s16+$0x0], $0xffff;
	[tilespmem:s23+$0x70] =	vst v18  }
0x39b: {  	[tilespmem:s23+$0xFFFFFC00] =	vst v20;
	v18 =	vld.idx.msk [tilespmem:v19+s16+$0x0], $0xffff  }
0x39c: {  	v19 =	vld.idx.msk [tilespmem:v37+s16+$0x0], $0xffff;
	[tilespmem:s23+$0xFFFFFC40] =	vst v17  }
0x39d: {  	v20 =	vor.u32 $0x6, v0;
	v17 =	vld.idx.msk [tilespmem:v41+s16+$0x0], $0xffff;
	[tilespmem:s23+$0xFFFFFC50] =	vst v22  }
0x39e: {  	v22 =	vld.idx.msk [tilespmem:v42+s16+$0x0], $0xffff;
	[tilespmem:s23+$0xFFFFFC60] =	vst v21  }
0x39f: {  	[tilespmem:s23+$0x10] =	vst v24;
	v21 =	vld.idx.msk [tilespmem:v44+s16+$0x0], $0xffff  }
0x3a0: {  	[tilespmem:s23+$0x20] =	vst v23;
	v23 =	vld.idx.msk [tilespmem:v45+s16+$0x0], $0xffff  }
0x3a1: {  	v24 =	vld.idx.msk [tilespmem:v47+s16+$0x0], $0xffff;
	[tilespmem:s23+$0x470] =	vst v18  }
0x3a2: {  	[tilespmem:s23+$0x0] =	vst v19;
	v18 =	vld.idx.msk [tilespmem:v20+s16+$0x0], $0xffff  }
0x3a3: {  	v15 =	vld.idx.msk [tilespmem:v15+s16+$0x0], $0xffff;
	[tilespmem:s23+$0x30] =	vst v17  }
0x3a4: {  	v0 =	vor.u32 $0x7, v0;
	v17 =	vld.idx.msk [tilespmem:v48+s16+$0x0], $0xffff;
	[tilespmem:s23+$0x40] =	vst v22  }
0x3a5: {  	v19 =	vld.idx.msk [tilespmem:v51+s16+$0x0], $0xffff;
	[tilespmem:s23+$0x50] =	vst v21  }
0x3a6: {  	v20 =	vld.idx.msk [tilespmem:v52+s16+$0x0], $0xffff;
	[tilespmem:s23+$0x60] =	vst v23  }
0x3a7: {  	[tilespmem:s23+$0x410] =	vst v24;
	v16 =	vld.idx.msk [tilespmem:v16+s16+$0x0], $0xffff  }
0x3a8: {  	v21 =	vld.idx.msk [tilespmem:v54+s16+$0x0], $0xffff;
	[tilespmem:s23+$0x870] =	vst v18  }
0x3a9: {  	[tilespmem:s23+$0x400] =	vst v15;
	v0 =	vld.idx.msk [tilespmem:v0+s16+$0x0], $0xffff  }
0x3aa: {  	v13 =	vld.idx.msk [tilespmem:v13+s16+$0x0], $0xffff;
	[tilespmem:s23+$0x420] =	vst v17  }
0x3ab: {  	v10 =	vld.idx.msk [tilespmem:v10+s16+$0x0], $0xffff;
	[tilespmem:s23+$0x430] =	vst v19  }
0x3ac: {  	v14 =	vld.idx.msk [tilespmem:v14+s16+$0x0], $0xffff;
	[tilespmem:s23+$0x440] =	vst v20  }
0x3ad: {  	v11 =	vld.idx.msk [tilespmem:v11+s16+$0x0], $0xffff;
	[tilespmem:s23+$0x450] =	vst v16  }
0x3ae: {  	v9 =	vld.idx.msk [tilespmem:v9+s16+$0x0], $0xffff;
	[tilespmem:s23+$0x460] =	vst v21  }
0x3af: {  	v12 =	vld.idx.msk [tilespmem:v12+s16+$0x0], $0xffff;
	[tilespmem:s23+$0xC70] =	vst v0  }
0x3b0: {  	[tilespmem:s23+$0x800] =	vst v13;
	v8 =	vld.idx.msk [tilespmem:v8+s16+$0x0], $0xffff  }
.Ltmp5:
0x3b1: {  	v3 =	vld.idx.msk [tilespmem:v3+s16+$0x0], $0xffff;
	[tilespmem:s23+$0x810] =	vst v10;
	(pc) =	sbr.rel @p0 .LBB2_12-.Ltmp5, $4  }
0x3b2: {  	v7 =	vld.idx.msk [tilespmem:v7+s16+$0x0], $0xffff;
	[tilespmem:s23+$0x820] =	vst v14  }
0x3b3: {  	v5 =	vld.idx.msk [tilespmem:v5+s16+$0x0], $0xffff;
	[tilespmem:s23+$0x830] =	vst v11  }
0x3b4: {  	v4 =	vld.idx.msk [tilespmem:v4+s16+$0x0], $0xffff;
	[tilespmem:s23+$0x840] =	vst v9  }
0x3b5: {  	s25 =	sadd.s32 $0x80, s25;
	v6 =	vld.idx.msk [tilespmem:v6+s16+$0x0], $0xffff;
	[tilespmem:s23+$0x850] =	vst v12  }
0x3b6: {  	_ =	sdelay $0x2  }
0x3b7: {  	[tilespmem:s23+$0x860] =	vst v8  }
0x3b8: {  	[tilespmem:s23+$0xC00] =	vst v3;
	v0 =	vld.idx.msk [tilespmem:v2+s16+$0x0], $0xffff  }
0x3b9: {  	[tilespmem:s23+$0xC10] =	vst v7;
	v1 =	vld.idx.msk [tilespmem:v1+s16+$0x0], $0xffff  }
0x3ba: {  	[tilespmem:s23+$0xC20] =	vst v5  }
0x3bb: {  	[tilespmem:s23+$0xC30] =	vst v4  }
0x3bc: {  	[tilespmem:s23+$0xC40] =	vst v6  }
0x3bd: {  	[tilespmem:s23+$0xC50] =	vst v0  }
0x3be: {  	[tilespmem:s23+$0xC60] =	vst v1  }
0x3bf: {  	[hbm4b:s10+s3] =	stream.linear.scatter [tilespmem:s19], [sflag:$0x2], $0x2000, $0x38;
	[tilespmem:$0x8000] =	vst v63  }
0x3c0: {  	_ =	swait.ge [sflag:s20], $0x2000  }
0x3c1: {  	[sflag:s20] =	ssyncset.done $0x0  }
0x3c2: {  	s31 =	simm.s32 $0x1870;
	[sflag:s20] =	ssyncadd.s32 $0xFFFFE000  }
0x3c3: {  	v0 =	vld [tilespmem:s31+$0x0]  }
0x3c4: {  	v1 =	vld [tilespmem:s31+$0xFFFFFFA0]  }
0x3c5: {  	v2 =	vld [tilespmem:s31+$0xFFFFFFB0]  }
0x3c6: {  	v3 =	vld [tilespmem:s31+$0xFFFFFFC0]  }
0x3c7: {  	v6 =	vld [tilespmem:s31+$0xFFFFFFD0]  }
0x3c8: {  	v8 =	vld [tilespmem:s31+$0xFFFFFFE0];
	v7 =	vshll.u32 v0, $0x3  }
0x3c9: {  	v9 =	vld [tilespmem:s31+$0xFFFFFF90];
	v5 =	vshll.u32 v1, $0x3  }
0x3ca: {  	v1 =	vld [tilespmem:s31+$0xFFFFFFF0];
	v4 =	vshll.u32 v2, $0x3  }
0x3cb: {  	v3 =	vshll.u32 v3, $0x3  }
0x3cc: {  	v2 =	vshll.u32 v6, $0x3  }
0x3cd: {  	v0 =	vshll.u32 v8, $0x3;
	v8 =	vld.idx.msk [tilespmem:v7+s16+$0x0], $0xffff  }
0x3ce: {  	v6 =	vshll.u32 v9, $0x3;
	v10 =	vld.idx.msk [tilespmem:v5+s16+$0x0], $0xffff  }
0x3cf: {  	v1 =	vshll.u32 v1, $0x3;
	v11 =	vld.idx.msk [tilespmem:v4+s16+$0x0], $0xffff  }
0x3d0: {  	v12 =	vor.u32 $0x1, v7;
	v9 =	vld.idx.msk [tilespmem:v3+s16+$0x0], $0xffff  }
0x3d1: {  	v13 =	vor.u32 $0x1, v5;
	v14 =	vld.idx.msk [tilespmem:v2+s16+$0x0], $0xffff  }
0x3d2: {  	s23 =	simm.s32 $0x5000;
	v15 =	vor.u32 $0x1, v4;
	v16 =	vld.idx.msk [tilespmem:v0+s16+$0x0], $0xffff  }
0x3d3: {  	v17 =	vor.u32 $0x1, v3;
	v19 =	vld.idx.msk [tilespmem:v6+s16+$0x0], $0xffff;
	[tilespmem:s23+$0xFFFFF070] =	vst v8  }
0x3d4: {  	v26 =	vor.u32 $0x1, v0;
	v18 =	vld.idx.msk [tilespmem:v1+s16+$0x0], $0xffff;
	[tilespmem:s23+$0xFFFFF010] =	vst v10  }
0x3d5: {  	v27 =	vor.u32 $0x1, v6;
	[tilespmem:s23+$0xFFFFF020] =	vst v11;
	v10 =	vld.idx.msk [tilespmem:v12+s16+$0x0], $0xffff  }
0x3d6: {  	v8 =	vor.u32 $0x1, v2;
	[tilespmem:s23+$0xFFFFF030] =	vst v9;
	v11 =	vld.idx.msk [tilespmem:v13+s16+$0x0], $0xffff  }
0x3d7: {  	v28 =	vor.u32 $0x1, v1;
	[tilespmem:s23+$0xFFFFF040] =	vst v14;
	v15 =	vld.idx.msk [tilespmem:v15+s16+$0x0], $0xffff  }
0x3d8: {  	v9 =	vor.u32 $0x2, v7;
	[tilespmem:s23+$0xFFFFF050] =	vst v16;
	v17 =	vld.idx.msk [tilespmem:v17+s16+$0x0], $0xffff  }
0x3d9: {  	v29 =	vor.u32 $0x2, v5;
	[tilespmem:s23+$0xFFFFF000] =	vst v19;
	v12 =	vld.idx.msk [tilespmem:v26+s16+$0x0], $0xffff  }
0x3da: {  	v30 =	vor.u32 $0x2, v4;
	v13 =	vld.idx.msk [tilespmem:v27+s16+$0x0], $0xffff;
	[tilespmem:s23+$0xFFFFF060] =	vst v18  }
0x3db: {  	v33 =	vor.u32 $0x2, v6;
	v8 =	vld.idx.msk [tilespmem:v8+s16+$0x0], $0xffff;
	[tilespmem:s23+$0xFFFFF470] =	vst v10  }
0x3dc: {  	v10 =	vor.u32 $0x2, v3;
	[tilespmem:s23+$0xFFFFF410] =	vst v11;
	v11 =	vld.idx.msk [tilespmem:v28+s16+$0x0], $0xffff  }
0x3dd: {  	v31 =	vor.u32 $0x2, v2;
	[tilespmem:s23+$0xFFFFF420] =	vst v15;
	v9 =	vld.idx.msk [tilespmem:v9+s16+$0x0], $0xffff  }
0x3de: {  	v34 =	vor.u32 $0x2, v0;
	[tilespmem:s23+$0xFFFFF430] =	vst v17;
	v16 =	vld.idx.msk [tilespmem:v29+s16+$0x0], $0xffff  }
0x3df: {  	v32 =	vor.u32 $0x3, v7;
	[tilespmem:s23+$0xFFFFF400] =	vst v13;
	v18 =	vld.idx.msk [tilespmem:v30+s16+$0x0], $0xffff  }
0x3e0: {  	v35 =	vor.u32 $0x3, v5;
	[tilespmem:s23+$0xFFFFF450] =	vst v12;
	v15 =	vld.idx.msk [tilespmem:v33+s16+$0x0], $0xffff  }
0x3e1: {  	v39 =	vor.u32 $0x3, v6;
	[tilespmem:s23+$0xFFFFF440] =	vst v8;
	v10 =	vld.idx.msk [tilespmem:v10+s16+$0x0], $0xffff  }
0x3e2: {  	v8 =	vor.u32 $0x2, v1;
	v19 =	vld.idx.msk [tilespmem:v31+s16+$0x0], $0xffff;
	[tilespmem:s23+$0xFFFFF460] =	vst v11  }
0x3e3: {  	v11 =	vld.idx.msk [tilespmem:v34+s16+$0x0], $0xffff;
	[tilespmem:s23+$0xFFFFF870] =	vst v9;
	v9 =	vor.u32 $0x3, v4  }
0x3e4: {  	v37 =	vor.u32 $0x3, v3;
	[tilespmem:s23+$0xFFFFF810] =	vst v16;
	v36 =	vld.idx.msk [tilespmem:v32+s16+$0x0], $0xffff  }
0x3e5: {  	v40 =	vor.u32 $0x3, v2;
	[tilespmem:s23+$0xFFFFF800] =	vst v15;
	v12 =	vld.idx.msk [tilespmem:v35+s16+$0x0], $0xffff  }
0x3e6: {  	v38 =	vor.u32 $0x4, v7;
	[tilespmem:s23+$0xFFFFF820] =	vst v18;
	v17 =	vld.idx.msk [tilespmem:v39+s16+$0x0], $0xffff  }
0x3e7: {  	v42 =	vor.u32 $0x4, v5;
	v8 =	vld.idx.msk [tilespmem:v8+s16+$0x0], $0xffff;
	[tilespmem:s23+$0xFFFFF830] =	vst v10  }
0x3e8: {  	v45 =	vor.u32 $0x4, v6;
	[tilespmem:s23+$0xFFFFF840] =	vst v19;
	v9 =	vld.idx.msk [tilespmem:v9+s16+$0x0], $0xffff  }
0x3e9: {  	v10 =	vor.u32 $0x3, v0;
	[tilespmem:s23+$0xFFFFF850] =	vst v11;
	v14 =	vld.idx.msk [tilespmem:v37+s16+$0x0], $0xffff  }
0x3ea: {  	v41 =	vor.u32 $0x3, v1;
	v11 =	vld.idx.msk [tilespmem:v40+s16+$0x0], $0xffff;
	[tilespmem:s23+$0xFFFFFC70] =	vst v36  }
0x3eb: {  	v44 =	vor.u32 $0x4, v4;
	[tilespmem:s23+$0xFFFFFC10] =	vst v12;
	v43 =	vld.idx.msk [tilespmem:v38+s16+$0x0], $0xffff  }
0x3ec: {  	v46 =	vor.u32 $0x4, v3;
	[tilespmem:s23+$0xFFFFFC00] =	vst v17;
	v13 =	vld.idx.msk [tilespmem:v42+s16+$0x0], $0xffff  }
0x3ed: {  	v47 =	vor.u32 $0x4, v2;
	v18 =	vld.idx.msk [tilespmem:v45+s16+$0x0], $0xffff;
	[tilespmem:s23+$0xFFFFF860] =	vst v8  }
0x3ee: {  	v8 =	vor.u32 $0x5, v7;
	v10 =	vld.idx.msk [tilespmem:v10+s16+$0x0], $0xffff;
	[tilespmem:s23+$0xFFFFFC20] =	vst v9  }
0x3ef: {  	v50 =	vor.u32 $0x5, v5;
	v9 =	vld.idx.msk [tilespmem:v41+s16+$0x0], $0xffff;
	[tilespmem:s23+$0xFFFFFC30] =	vst v14  }
0x3f0: {  	v51 =	vor.u32 $0x5, v6;
	[tilespmem:s23+$0xFFFFFC40] =	vst v11;
	v16 =	vld.idx.msk [tilespmem:v44+s16+$0x0], $0xffff  }
0x3f1: {  	v48 =	vor.u32 $0x4, v0;
	v11 =	vld.idx.msk [tilespmem:v46+s16+$0x0], $0xffff;
	[tilespmem:s23+$0x70] =	vst v43  }
0x3f2: {  	v49 =	vor.u32 $0x4, v1;
	v19 =	vld.idx.msk [tilespmem:v47+s16+$0x0], $0xffff;
	[tilespmem:s23+$0x10] =	vst v13  }
0x3f3: {  	v53 =	vor.u32 $0x5, v3;
	[tilespmem:s23+$0x0] =	vst v18;
	v8 =	vld.idx.msk [tilespmem:v8+s16+$0x0], $0xffff  }
0x3f4: {  	v54 =	vor.u32 $0x5, v2;
	v17 =	vld.idx.msk [tilespmem:v50+s16+$0x0], $0xffff;
	[tilespmem:s23+$0xFFFFFC50] =	vst v10  }
0x3f5: {  	v12 =	vld.idx.msk [tilespmem:v51+s16+$0x0], $0xffff;
	v10 =	vor.u32 $0x6, v7;
	[tilespmem:s23+$0xFFFFFC60] =	vst v9  }
0x3f6: {  	v56 =	vor.u32 $0x6, v5;
	v52 =	vld.idx.msk [tilespmem:v48+s16+$0x0], $0xffff;
	[tilespmem:s23+$0x20] =	vst v16  }
0x3f7: {  	v9 =	vor.u32 $0x5, v4;
	v15 =	vld.idx.msk [tilespmem:v49+s16+$0x0], $0xffff;
	[tilespmem:s23+$0x30] =	vst v11  }
0x3f8: {  	[tilespmem:s23+$0x40] =	vst v19;
	v11 =	vor.u32 $0x6, v6;
	v14 =	vld.idx.msk [tilespmem:v53+s16+$0x0], $0xffff  }
0x3f9: {  	v55 =	vor.u32 $0x5, v1;
	v16 =	vld.idx.msk [tilespmem:v54+s16+$0x0], $0xffff;
	[tilespmem:s23+$0x470] =	vst v8  }
0x3fa: {  	v8 =	vor.u32 $0x5, v0;
	[tilespmem:s23+$0x410] =	vst v17;
	v10 =	vld.idx.msk [tilespmem:v10+s16+$0x0], $0xffff  }
0x3fb: {  	v58 =	vor.u32 $0x6, v3;
	[tilespmem:s23+$0x400] =	vst v12;
	v13 =	vld.idx.msk [tilespmem:v56+s16+$0x0], $0xffff  }
0x3fc: {  	v7 =	vor.u32 $0x7, v7;
	v9 =	vld.idx.msk [tilespmem:v9+s16+$0x0], $0xffff;
	[tilespmem:s23+$0x50] =	vst v52  }
0x3fd: {  	v57 =	vor.u32 $0x6, v4;
	[tilespmem:s23+$0x60] =	vst v15;
	v11 =	vld.idx.msk [tilespmem:v11+s16+$0x0], $0xffff  }
0x3fe: {  	v6 =	vor.u32 $0x7, v6;
	v18 =	vld.idx.msk [tilespmem:v55+s16+$0x0], $0xffff;
	[tilespmem:s23+$0x430] =	vst v14  }
0x3ff: {  	v8 =	vld.idx.msk [tilespmem:v8+s16+$0x0], $0xffff;
	[tilespmem:s23+$0x870] =	vst v10;
	v10 =	vor.u32 $0x6, v2  }
0x400: {  	v59 =	vor.u32 $0x6, v0;
	[tilespmem:s23+$0x440] =	vst v16;
	v61 =	vld.idx.msk [tilespmem:v58+s16+$0x0], $0xffff  }
0x401: {  	v7 =	vld.idx.msk [tilespmem:v7+s16+$0x0], $0xffff;
	[tilespmem:s23+$0x420] =	vst v9;
	v9 =	vor.u32 $0x6, v1  }
0x402: {  	v5 =	vor.u32 $0x7, v5;
	v60 =	vld.idx.msk [tilespmem:v57+s16+$0x0], $0xffff;
	[tilespmem:s23+$0x800] =	vst v11  }
0x403: {  	v62 =	vor.u32 $0x7, v3;
	v4 =	vor.u32 $0x7, v4;
	[tilespmem:s23+$0x810] =	vst v13;
	v3 =	vld.idx.msk [tilespmem:v6+s16+$0x0], $0xffff  }
0x404: {  	[tilespmem:s23+$0x450] =	vst v8;
	v10 =	vld.idx.msk [tilespmem:v10+s16+$0x0], $0xffff  }
0x405: {  	v63 =	vor.u32 $0x7, v2;
	[tilespmem:s23+$0x460] =	vst v18;
	v12 =	vld.idx.msk [tilespmem:v59+s16+$0x0], $0xffff  }
0x406: {  	[tilespmem:s23+$0xC70] =	vst v7;
	v8 =	vld.idx.msk [tilespmem:v9+s16+$0x0], $0xffff  }
0x407: {  	v7 =	vld.idx.msk [tilespmem:v5+s16+$0x0], $0xffff;
	[tilespmem:s23+$0x820] =	vst v60  }
0x408: {  	[tilespmem:s23+$0x830] =	vst v61;
	v5 =	vld.idx.msk [tilespmem:v4+s16+$0x0], $0xffff  }
0x409: {  	v4 =	vld.idx.msk [tilespmem:v62+s16+$0x0], $0xffff;
	[tilespmem:s23+$0x840] =	vst v10  }
0x40a: {  	s24 =	simm.s32 $0x0;
	s25 =	simm.s32 $0x18F0;
	v2 =	vor.u32 $0x7, v0;
	v1 =	vor.u32 $0x7, v1;
	[tilespmem:s23+$0x850] =	vst v12;
	v6 =	vld.idx.msk [tilespmem:v63+s16+$0x0], $0xffff  }
.LBB2_14:
0x40b: {  	v0 =	vld [tilespmem:s25+$0x0];
	s24 =	sadd.s32 $0x8, s24;
	[tilespmem:s23+$0x860] =	vst v8  }
0x40c: {  	v8 =	vld [tilespmem:s25+$0xFFFFFFA0];
	p0 =	slt.u32 s24, $0x38;
	[tilespmem:s23+$0xC00] =	vst v3  }
0x40d: {  	v3 =	vld [tilespmem:s25+$0xFFFFFFB0];
	[tilespmem:s23+$0xC10] =	vst v7  }
0x40e: {  	v7 =	vld [tilespmem:s25+$0xFFFFFFC0];
	[tilespmem:s23+$0xC20] =	vst v5  }
0x40f: {  	v5 =	vld [tilespmem:s25+$0xFFFFFFD0];
	[tilespmem:s23+$0xC30] =	vst v4  }
0x410: {  	v4 =	vld [tilespmem:s25+$0xFFFFFFE0];
	v0 =	vshll.u32 v0, $0x3;
	[tilespmem:s23+$0xC40] =	vst v6  }
0x411: {  	v6 =	vshll.u32 v8, $0x3;
	v8 =	vld [tilespmem:s25+$0xFFFFFFF0]  }
0x412: {  	v9 =	vld [tilespmem:s25+$0xFFFFFF90];
	v10 =	vor.u32 $0x1, v6;
	v17 =	vor.u32 $0x2, v6;
	v18 =	vshll.u32 v3, $0x3  }
0x413: {  	v3 =	vor.u32 $0x1, v18;
	v19 =	vor.u32 $0x2, v18;
	v20 =	vshll.u32 v7, $0x3;
	v2 =	vld.idx.msk [tilespmem:v2+s16+$0x0], $0xffff  }
0x414: {  	v7 =	vor.u32 $0x1, v20;
	v21 =	vor.u32 $0x2, v20;
	v22 =	vshll.u32 v5, $0x3;
	v1 =	vld.idx.msk [tilespmem:v1+s16+$0x0], $0xffff  }
0x415: {  	v5 =	vor.u32 $0x1, v22;
	v23 =	vor.u32 $0x2, v22;
	v24 =	vshll.u32 v4, $0x3;
	v4 =	vld.idx.msk [tilespmem:v0+s16+$0x0], $0xffff  }
0x416: {  	v11 =	vld.idx.msk [tilespmem:v6+s16+$0x0], $0xffff;
	v12 =	vor.u32 $0x1, v24;
	v25 =	vor.u32 $0x2, v24;
	v26 =	vshll.u32 v8, $0x3  }
0x417: {  	v13 =	vor.u32 $0x1, v0;
	v8 =	vshll.u32 v9, $0x3;
	v9 =	vld.idx.msk [tilespmem:v18+s16+$0x0], $0xffff;
	v27 =	vor.u32 $0x1, v26  }
0x418: {  	v30 =	vor.u32 $0x2, v26;
	v28 =	vor.u32 $0x1, v8;
	v29 =	vor.u32 $0x2, v8;
	v14 =	vld.idx.msk [tilespmem:v20+s16+$0x0], $0xffff  }
0x419: {  	v32 =	vor.u32 $0x3, v6;
	v33 =	vor.u32 $0x3, v18;
	v31 =	vor.u32 $0x3, v8;
	v16 =	vld.idx.msk [tilespmem:v22+s16+$0x0], $0xffff;
	[tilespmem:s23+$0xC50] =	vst v2  }
0x41a: {  	v34 =	vor.u32 $0x3, v20;
	v35 =	vor.u32 $0x3, v22;
	v36 =	vor.u32 $0x3, v24;
	v2 =	vld.idx.msk [tilespmem:v24+s16+$0x0], $0xffff;
	[tilespmem:s23+$0xC60] =	vst v1;
	s23 =	sadd.s32 $0x80, s23  }
0x41b: {  	v38 =	vor.u32 $0x4, v6;
	v39 =	vor.u32 $0x3, v26;
	v37 =	vor.u32 $0x4, v8;
	v1 =	vld.idx.msk [tilespmem:v26+s16+$0x0], $0xffff;
	[tilespmem:s23+$0xFFFFF070] =	vst v4  }
0x41c: {  	v40 =	vor.u32 $0x4, v18;
	v41 =	vor.u32 $0x4, v20;
	v42 =	vor.u32 $0x4, v22;
	[tilespmem:s23+$0xFFFFF010] =	vst v11;
	v4 =	vld.idx.msk [tilespmem:v13+s16+$0x0], $0xffff  }
0x41d: {  	v44 =	vor.u32 $0x4, v24;
	v45 =	vor.u32 $0x4, v26;
	v15 =	vor.u32 $0x5, v8;
	v43 =	vld.idx.msk [tilespmem:v8+s16+$0x0], $0xffff;
	[tilespmem:s23+$0xFFFFF020] =	vst v9  }
0x41e: {  	v49 =	vor.u32 $0x2, v0;
	v47 =	vor.u32 $0x5, v6;
	v48 =	vor.u32 $0x5, v18;
	v46 =	vld.idx.msk [tilespmem:v10+s16+$0x0], $0xffff;
	[tilespmem:s23+$0xFFFFF030] =	vst v14  }
0x41f: {  	v51 =	vor.u32 $0x5, v20;
	v52 =	vor.u32 $0x5, v22;
	v50 =	vld.idx.msk [tilespmem:v3+s16+$0x0], $0xffff;
	[tilespmem:s23+$0xFFFFF040] =	vst v16;
	v16 =	vor.u32 $0x5, v24  }
0x420: {  	v54 =	vor.u32 $0x5, v26;
	v13 =	vor.u32 $0x6, v8;
	v10 =	vor.u32 $0x6, v6;
	v53 =	vld.idx.msk [tilespmem:v7+s16+$0x0], $0xffff;
	[tilespmem:s23+$0xFFFFF050] =	vst v2  }
0x421: {  	v11 =	vor.u32 $0x6, v20;
	v9 =	vor.u32 $0x6, v22;
	v14 =	vor.u32 $0x6, v18;
	v55 =	vld.idx.msk [tilespmem:v5+s16+$0x0], $0xffff;
	[tilespmem:s23+$0xFFFFF060] =	vst v1  }
0x422: {  	v3 =	vor.u32 $0x7, v8;
	v8 =	vor.u32 $0x6, v26;
	v56 =	vld.idx.msk [tilespmem:v12+s16+$0x0], $0xffff;
	v12 =	vor.u32 $0x6, v24;
	[tilespmem:s23+$0xFFFFF470] =	vst v4  }
0x423: {  	v7 =	vor.u32 $0x7, v6;
	v5 =	vor.u32 $0x7, v18;
	v4 =	vor.u32 $0x7, v20;
	[tilespmem:s23+$0xFFFFF000] =	vst v43;
	v18 =	vld.idx.msk [tilespmem:v49+s16+$0x0], $0xffff  }
0x424: {  	v6 =	vor.u32 $0x7, v22;
	v2 =	vor.u32 $0x7, v24;
	v1 =	vor.u32 $0x7, v26;
	v20 =	vld.idx.msk [tilespmem:v28+s16+$0x0], $0xffff;
	[tilespmem:s23+$0xFFFFF410] =	vst v46  }
0x425: {  	v24 =	vor.u32 $0x3, v0;
	[tilespmem:s23+$0xFFFFF420] =	vst v50;
	v22 =	vld.idx.msk [tilespmem:v27+s16+$0x0], $0xffff  }
0x426: {  	v17 =	vld.idx.msk [tilespmem:v17+s16+$0x0], $0xffff;
	[tilespmem:s23+$0xFFFFF430] =	vst v53  }
0x427: {  	v19 =	vld.idx.msk [tilespmem:v19+s16+$0x0], $0xffff;
	[tilespmem:s23+$0xFFFFF440] =	vst v55  }
0x428: {  	v21 =	vld.idx.msk [tilespmem:v21+s16+$0x0], $0xffff;
	[tilespmem:s23+$0xFFFFF450] =	vst v56  }
0x429: {  	v23 =	vld.idx.msk [tilespmem:v23+s16+$0x0], $0xffff;
	[tilespmem:s23+$0xFFFFF870] =	vst v18  }
0x42a: {  	[tilespmem:s23+$0xFFFFF400] =	vst v20;
	v18 =	vld.idx.msk [tilespmem:v24+s16+$0x0], $0xffff  }
0x42b: {  	v20 =	vld.idx.msk [tilespmem:v29+s16+$0x0], $0xffff;
	[tilespmem:s23+$0xFFFFF460] =	vst v22  }
0x42c: {  	v22 =	vor.u32 $0x4, v0;
	[tilespmem:s23+$0xFFFFF810] =	vst v17;
	v17 =	vld.idx.msk [tilespmem:v25+s16+$0x0], $0xffff  }
0x42d: {  	[tilespmem:s23+$0xFFFFF820] =	vst v19;
	v19 =	vld.idx.msk [tilespmem:v30+s16+$0x0], $0xffff  }
0x42e: {  	v24 =	vld.idx.msk [tilespmem:v32+s16+$0x0], $0xffff;
	[tilespmem:s23+$0xFFFFF830] =	vst v21  }
0x42f: {  	v21 =	vld.idx.msk [tilespmem:v33+s16+$0x0], $0xffff;
	[tilespmem:s23+$0xFFFFF840] =	vst v23  }
0x430: {  	v23 =	vld.idx.msk [tilespmem:v34+s16+$0x0], $0xffff;
	[tilespmem:s23+$0xFFFFFC70] =	vst v18  }
0x431: {  	[tilespmem:s23+$0xFFFFF800] =	vst v20;
	v18 =	vld.idx.msk [tilespmem:v22+s16+$0x0], $0xffff  }
0x432: {  	v20 =	vld.idx.msk [tilespmem:v31+s16+$0x0], $0xffff;
	[tilespmem:s23+$0xFFFFF850] =	vst v17  }
0x433: {  	v17 =	vld.idx.msk [tilespmem:v35+s16+$0x0], $0xffff;
	[tilespmem:s23+$0xFFFFF860] =	vst v19;
	v19 =	vor.u32 $0x5, v0  }
0x434: {  	[tilespmem:s23+$0xFFFFFC10] =	vst v24;
	v22 =	vld.idx.msk [tilespmem:v36+s16+$0x0], $0xffff  }
0x435: {  	[tilespmem:s23+$0xFFFFFC20] =	vst v21;
	v21 =	vld.idx.msk [tilespmem:v39+s16+$0x0], $0xffff  }
0x436: {  	v24 =	vld.idx.msk [tilespmem:v38+s16+$0x0], $0xffff;
	[tilespmem:s23+$0xFFFFFC30] =	vst v23  }
0x437: {  	v23 =	vld.idx.msk [tilespmem:v40+s16+$0x0], $0xffff;
	[tilespmem:s23+$0x70] =	vst v18  }
0x438: {  	[tilespmem:s23+$0xFFFFFC00] =	vst v20;
	v18 =	vld.idx.msk [tilespmem:v19+s16+$0x0], $0xffff  }
0x439: {  	v19 =	vld.idx.msk [tilespmem:v37+s16+$0x0], $0xffff;
	[tilespmem:s23+$0xFFFFFC40] =	vst v17  }
0x43a: {  	v20 =	vor.u32 $0x6, v0;
	v17 =	vld.idx.msk [tilespmem:v41+s16+$0x0], $0xffff;
	[tilespmem:s23+$0xFFFFFC50] =	vst v22  }
0x43b: {  	v22 =	vld.idx.msk [tilespmem:v42+s16+$0x0], $0xffff;
	[tilespmem:s23+$0xFFFFFC60] =	vst v21  }
0x43c: {  	[tilespmem:s23+$0x10] =	vst v24;
	v21 =	vld.idx.msk [tilespmem:v44+s16+$0x0], $0xffff  }
0x43d: {  	[tilespmem:s23+$0x20] =	vst v23;
	v23 =	vld.idx.msk [tilespmem:v45+s16+$0x0], $0xffff  }
0x43e: {  	v24 =	vld.idx.msk [tilespmem:v47+s16+$0x0], $0xffff;
	[tilespmem:s23+$0x470] =	vst v18  }
0x43f: {  	[tilespmem:s23+$0x0] =	vst v19;
	v18 =	vld.idx.msk [tilespmem:v20+s16+$0x0], $0xffff  }
0x440: {  	v15 =	vld.idx.msk [tilespmem:v15+s16+$0x0], $0xffff;
	[tilespmem:s23+$0x30] =	vst v17  }
0x441: {  	v0 =	vor.u32 $0x7, v0;
	v17 =	vld.idx.msk [tilespmem:v48+s16+$0x0], $0xffff;
	[tilespmem:s23+$0x40] =	vst v22  }
0x442: {  	v19 =	vld.idx.msk [tilespmem:v51+s16+$0x0], $0xffff;
	[tilespmem:s23+$0x50] =	vst v21  }
0x443: {  	v20 =	vld.idx.msk [tilespmem:v52+s16+$0x0], $0xffff;
	[tilespmem:s23+$0x60] =	vst v23  }
0x444: {  	[tilespmem:s23+$0x410] =	vst v24;
	v16 =	vld.idx.msk [tilespmem:v16+s16+$0x0], $0xffff  }
0x445: {  	v21 =	vld.idx.msk [tilespmem:v54+s16+$0x0], $0xffff;
	[tilespmem:s23+$0x870] =	vst v18  }
0x446: {  	[tilespmem:s23+$0x400] =	vst v15;
	v0 =	vld.idx.msk [tilespmem:v0+s16+$0x0], $0xffff  }
0x447: {  	v13 =	vld.idx.msk [tilespmem:v13+s16+$0x0], $0xffff;
	[tilespmem:s23+$0x420] =	vst v17  }
0x448: {  	v10 =	vld.idx.msk [tilespmem:v10+s16+$0x0], $0xffff;
	[tilespmem:s23+$0x430] =	vst v19  }
0x449: {  	v14 =	vld.idx.msk [tilespmem:v14+s16+$0x0], $0xffff;
	[tilespmem:s23+$0x440] =	vst v20  }
0x44a: {  	v11 =	vld.idx.msk [tilespmem:v11+s16+$0x0], $0xffff;
	[tilespmem:s23+$0x450] =	vst v16  }
0x44b: {  	v9 =	vld.idx.msk [tilespmem:v9+s16+$0x0], $0xffff;
	[tilespmem:s23+$0x460] =	vst v21  }
0x44c: {  	v12 =	vld.idx.msk [tilespmem:v12+s16+$0x0], $0xffff;
	[tilespmem:s23+$0xC70] =	vst v0  }
0x44d: {  	[tilespmem:s23+$0x800] =	vst v13;
	v8 =	vld.idx.msk [tilespmem:v8+s16+$0x0], $0xffff  }
.Ltmp6:
0x44e: {  	v3 =	vld.idx.msk [tilespmem:v3+s16+$0x0], $0xffff;
	[tilespmem:s23+$0x810] =	vst v10;
	(pc) =	sbr.rel @p0 .LBB2_14-.Ltmp6, $4  }
0x44f: {  	v7 =	vld.idx.msk [tilespmem:v7+s16+$0x0], $0xffff;
	[tilespmem:s23+$0x820] =	vst v14  }
0x450: {  	v5 =	vld.idx.msk [tilespmem:v5+s16+$0x0], $0xffff;
	[tilespmem:s23+$0x830] =	vst v11  }
0x451: {  	v4 =	vld.idx.msk [tilespmem:v4+s16+$0x0], $0xffff;
	[tilespmem:s23+$0x840] =	vst v9  }
0x452: {  	s25 =	sadd.s32 $0x80, s25;
	v6 =	vld.idx.msk [tilespmem:v6+s16+$0x0], $0xffff;
	[tilespmem:s23+$0x850] =	vst v12  }
0x453: {  	_ =	sdelay $0x2  }
0x454: {  	[tilespmem:s23+$0x860] =	vst v8  }
0x455: {  	[tilespmem:s23+$0xC00] =	vst v3;
	v0 =	vld.idx.msk [tilespmem:v2+s16+$0x0], $0xffff  }
0x456: {  	[tilespmem:s23+$0xC10] =	vst v7;
	v1 =	vld.idx.msk [tilespmem:v1+s16+$0x0], $0xffff  }
0x457: {  	[tilespmem:s23+$0xC20] =	vst v5  }
0x458: {  	[tilespmem:s23+$0xC30] =	vst v4  }
0x459: {  	[tilespmem:s23+$0xC40] =	vst v6  }
0x45a: {  	[tilespmem:s23+$0xC50] =	vst v0  }
0x45b: {  	[tilespmem:s23+$0xC60] =	vst v1  }
0x45c: {  	[hbm4b:s11+s3] =	stream.linear.scatter [tilespmem:s18], [sflag:$0x1], $0x2000, $0x38;
	[tilespmem:$0x8000] =	vst v63  }
0x45d: {  	_ =	swait.ge [sflag:s21], $0x2000  }
0x45e: {  	[sflag:s21] =	ssyncset.done $0x0  }
0x45f: {  	s31 =	simm.s32 $0x1C70;
	[sflag:s21] =	ssyncadd.s32 $0xFFFFE000  }
0x460: {  	v0 =	vld [tilespmem:s31+$0x0]  }
0x461: {  	v1 =	vld [tilespmem:s31+$0xFFFFFFA0]  }
0x462: {  	v2 =	vld [tilespmem:s31+$0xFFFFFFB0]  }
0x463: {  	v3 =	vld [tilespmem:s31+$0xFFFFFFC0]  }
0x464: {  	v6 =	vld [tilespmem:s31+$0xFFFFFFD0]  }
0x465: {  	v8 =	vld [tilespmem:s31+$0xFFFFFFE0];
	v7 =	vshll.u32 v0, $0x3  }
0x466: {  	v9 =	vld [tilespmem:s31+$0xFFFFFF90];
	v5 =	vshll.u32 v1, $0x3  }
0x467: {  	v1 =	vld [tilespmem:s31+$0xFFFFFFF0];
	v4 =	vshll.u32 v2, $0x3  }
0x468: {  	v3 =	vshll.u32 v3, $0x3  }
0x469: {  	v2 =	vshll.u32 v6, $0x3  }
0x46a: {  	v0 =	vshll.u32 v8, $0x3;
	v8 =	vld.idx.msk [tilespmem:v7+s16+$0x0], $0xffff  }
0x46b: {  	v6 =	vshll.u32 v9, $0x3;
	v10 =	vld.idx.msk [tilespmem:v5+s16+$0x0], $0xffff  }
0x46c: {  	v1 =	vshll.u32 v1, $0x3;
	v11 =	vld.idx.msk [tilespmem:v4+s16+$0x0], $0xffff  }
0x46d: {  	v12 =	vor.u32 $0x1, v7;
	v9 =	vld.idx.msk [tilespmem:v3+s16+$0x0], $0xffff  }
0x46e: {  	v13 =	vor.u32 $0x1, v5;
	v14 =	vld.idx.msk [tilespmem:v2+s16+$0x0], $0xffff  }
0x46f: {  	s23 =	simm.s32 $0x7000;
	v15 =	vor.u32 $0x1, v4;
	v16 =	vld.idx.msk [tilespmem:v0+s16+$0x0], $0xffff  }
0x470: {  	v17 =	vor.u32 $0x1, v3;
	v19 =	vld.idx.msk [tilespmem:v6+s16+$0x0], $0xffff;
	[tilespmem:s23+$0xFFFFF070] =	vst v8  }
0x471: {  	v26 =	vor.u32 $0x1, v0;
	v18 =	vld.idx.msk [tilespmem:v1+s16+$0x0], $0xffff;
	[tilespmem:s23+$0xFFFFF010] =	vst v10  }
0x472: {  	v27 =	vor.u32 $0x1, v6;
	[tilespmem:s23+$0xFFFFF020] =	vst v11;
	v10 =	vld.idx.msk [tilespmem:v12+s16+$0x0], $0xffff  }
0x473: {  	v8 =	vor.u32 $0x1, v2;
	[tilespmem:s23+$0xFFFFF030] =	vst v9;
	v11 =	vld.idx.msk [tilespmem:v13+s16+$0x0], $0xffff  }
0x474: {  	v28 =	vor.u32 $0x1, v1;
	[tilespmem:s23+$0xFFFFF040] =	vst v14;
	v15 =	vld.idx.msk [tilespmem:v15+s16+$0x0], $0xffff  }
0x475: {  	v9 =	vor.u32 $0x2, v7;
	[tilespmem:s23+$0xFFFFF050] =	vst v16;
	v17 =	vld.idx.msk [tilespmem:v17+s16+$0x0], $0xffff  }
0x476: {  	v29 =	vor.u32 $0x2, v5;
	[tilespmem:s23+$0xFFFFF000] =	vst v19;
	v12 =	vld.idx.msk [tilespmem:v26+s16+$0x0], $0xffff  }
0x477: {  	v30 =	vor.u32 $0x2, v4;
	v13 =	vld.idx.msk [tilespmem:v27+s16+$0x0], $0xffff;
	[tilespmem:s23+$0xFFFFF060] =	vst v18  }
0x478: {  	v33 =	vor.u32 $0x2, v6;
	v8 =	vld.idx.msk [tilespmem:v8+s16+$0x0], $0xffff;
	[tilespmem:s23+$0xFFFFF470] =	vst v10  }
0x479: {  	v10 =	vor.u32 $0x2, v3;
	[tilespmem:s23+$0xFFFFF410] =	vst v11;
	v11 =	vld.idx.msk [tilespmem:v28+s16+$0x0], $0xffff  }
0x47a: {  	v31 =	vor.u32 $0x2, v2;
	[tilespmem:s23+$0xFFFFF420] =	vst v15;
	v9 =	vld.idx.msk [tilespmem:v9+s16+$0x0], $0xffff  }
0x47b: {  	v34 =	vor.u32 $0x2, v0;
	[tilespmem:s23+$0xFFFFF430] =	vst v17;
	v16 =	vld.idx.msk [tilespmem:v29+s16+$0x0], $0xffff  }
0x47c: {  	v32 =	vor.u32 $0x3, v7;
	[tilespmem:s23+$0xFFFFF400] =	vst v13;
	v18 =	vld.idx.msk [tilespmem:v30+s16+$0x0], $0xffff  }
0x47d: {  	v35 =	vor.u32 $0x3, v5;
	[tilespmem:s23+$0xFFFFF450] =	vst v12;
	v15 =	vld.idx.msk [tilespmem:v33+s16+$0x0], $0xffff  }
0x47e: {  	v39 =	vor.u32 $0x3, v6;
	[tilespmem:s23+$0xFFFFF440] =	vst v8;
	v10 =	vld.idx.msk [tilespmem:v10+s16+$0x0], $0xffff  }
0x47f: {  	v8 =	vor.u32 $0x2, v1;
	v19 =	vld.idx.msk [tilespmem:v31+s16+$0x0], $0xffff;
	[tilespmem:s23+$0xFFFFF460] =	vst v11  }
0x480: {  	v11 =	vld.idx.msk [tilespmem:v34+s16+$0x0], $0xffff;
	[tilespmem:s23+$0xFFFFF870] =	vst v9;
	v9 =	vor.u32 $0x3, v4  }
0x481: {  	v37 =	vor.u32 $0x3, v3;
	[tilespmem:s23+$0xFFFFF810] =	vst v16;
	v36 =	vld.idx.msk [tilespmem:v32+s16+$0x0], $0xffff  }
0x482: {  	v40 =	vor.u32 $0x3, v2;
	[tilespmem:s23+$0xFFFFF800] =	vst v15;
	v12 =	vld.idx.msk [tilespmem:v35+s16+$0x0], $0xffff  }
0x483: {  	v38 =	vor.u32 $0x4, v7;
	[tilespmem:s23+$0xFFFFF820] =	vst v18;
	v17 =	vld.idx.msk [tilespmem:v39+s16+$0x0], $0xffff  }
0x484: {  	v42 =	vor.u32 $0x4, v5;
	v8 =	vld.idx.msk [tilespmem:v8+s16+$0x0], $0xffff;
	[tilespmem:s23+$0xFFFFF830] =	vst v10  }
0x485: {  	v45 =	vor.u32 $0x4, v6;
	[tilespmem:s23+$0xFFFFF840] =	vst v19;
	v9 =	vld.idx.msk [tilespmem:v9+s16+$0x0], $0xffff  }
0x486: {  	v10 =	vor.u32 $0x3, v0;
	[tilespmem:s23+$0xFFFFF850] =	vst v11;
	v14 =	vld.idx.msk [tilespmem:v37+s16+$0x0], $0xffff  }
0x487: {  	v41 =	vor.u32 $0x3, v1;
	v11 =	vld.idx.msk [tilespmem:v40+s16+$0x0], $0xffff;
	[tilespmem:s23+$0xFFFFFC70] =	vst v36  }
0x488: {  	v44 =	vor.u32 $0x4, v4;
	[tilespmem:s23+$0xFFFFFC10] =	vst v12;
	v43 =	vld.idx.msk [tilespmem:v38+s16+$0x0], $0xffff  }
0x489: {  	v46 =	vor.u32 $0x4, v3;
	[tilespmem:s23+$0xFFFFFC00] =	vst v17;
	v13 =	vld.idx.msk [tilespmem:v42+s16+$0x0], $0xffff  }
0x48a: {  	v47 =	vor.u32 $0x4, v2;
	v18 =	vld.idx.msk [tilespmem:v45+s16+$0x0], $0xffff;
	[tilespmem:s23+$0xFFFFF860] =	vst v8  }
0x48b: {  	v8 =	vor.u32 $0x5, v7;
	v10 =	vld.idx.msk [tilespmem:v10+s16+$0x0], $0xffff;
	[tilespmem:s23+$0xFFFFFC20] =	vst v9  }
0x48c: {  	v50 =	vor.u32 $0x5, v5;
	v9 =	vld.idx.msk [tilespmem:v41+s16+$0x0], $0xffff;
	[tilespmem:s23+$0xFFFFFC30] =	vst v14  }
0x48d: {  	v51 =	vor.u32 $0x5, v6;
	[tilespmem:s23+$0xFFFFFC40] =	vst v11;
	v16 =	vld.idx.msk [tilespmem:v44+s16+$0x0], $0xffff  }
0x48e: {  	v48 =	vor.u32 $0x4, v0;
	v11 =	vld.idx.msk [tilespmem:v46+s16+$0x0], $0xffff;
	[tilespmem:s23+$0x70] =	vst v43  }
0x48f: {  	v49 =	vor.u32 $0x4, v1;
	v19 =	vld.idx.msk [tilespmem:v47+s16+$0x0], $0xffff;
	[tilespmem:s23+$0x10] =	vst v13  }
0x490: {  	v53 =	vor.u32 $0x5, v3;
	[tilespmem:s23+$0x0] =	vst v18;
	v8 =	vld.idx.msk [tilespmem:v8+s16+$0x0], $0xffff  }
0x491: {  	v54 =	vor.u32 $0x5, v2;
	v17 =	vld.idx.msk [tilespmem:v50+s16+$0x0], $0xffff;
	[tilespmem:s23+$0xFFFFFC50] =	vst v10  }
0x492: {  	v12 =	vld.idx.msk [tilespmem:v51+s16+$0x0], $0xffff;
	v10 =	vor.u32 $0x6, v7;
	[tilespmem:s23+$0xFFFFFC60] =	vst v9  }
0x493: {  	v56 =	vor.u32 $0x6, v5;
	v52 =	vld.idx.msk [tilespmem:v48+s16+$0x0], $0xffff;
	[tilespmem:s23+$0x20] =	vst v16  }
0x494: {  	v9 =	vor.u32 $0x5, v4;
	v15 =	vld.idx.msk [tilespmem:v49+s16+$0x0], $0xffff;
	[tilespmem:s23+$0x30] =	vst v11  }
0x495: {  	[tilespmem:s23+$0x40] =	vst v19;
	v11 =	vor.u32 $0x6, v6;
	v14 =	vld.idx.msk [tilespmem:v53+s16+$0x0], $0xffff  }
0x496: {  	v55 =	vor.u32 $0x5, v1;
	v16 =	vld.idx.msk [tilespmem:v54+s16+$0x0], $0xffff;
	[tilespmem:s23+$0x470] =	vst v8  }
0x497: {  	v8 =	vor.u32 $0x5, v0;
	[tilespmem:s23+$0x410] =	vst v17;
	v10 =	vld.idx.msk [tilespmem:v10+s16+$0x0], $0xffff  }
0x498: {  	v58 =	vor.u32 $0x6, v3;
	[tilespmem:s23+$0x400] =	vst v12;
	v13 =	vld.idx.msk [tilespmem:v56+s16+$0x0], $0xffff  }
0x499: {  	v7 =	vor.u32 $0x7, v7;
	v9 =	vld.idx.msk [tilespmem:v9+s16+$0x0], $0xffff;
	[tilespmem:s23+$0x50] =	vst v52  }
0x49a: {  	v57 =	vor.u32 $0x6, v4;
	[tilespmem:s23+$0x60] =	vst v15;
	v11 =	vld.idx.msk [tilespmem:v11+s16+$0x0], $0xffff  }
0x49b: {  	v6 =	vor.u32 $0x7, v6;
	v18 =	vld.idx.msk [tilespmem:v55+s16+$0x0], $0xffff;
	[tilespmem:s23+$0x430] =	vst v14  }
0x49c: {  	v8 =	vld.idx.msk [tilespmem:v8+s16+$0x0], $0xffff;
	[tilespmem:s23+$0x870] =	vst v10;
	v10 =	vor.u32 $0x6, v2  }
0x49d: {  	v59 =	vor.u32 $0x6, v0;
	[tilespmem:s23+$0x440] =	vst v16;
	v61 =	vld.idx.msk [tilespmem:v58+s16+$0x0], $0xffff  }
0x49e: {  	v7 =	vld.idx.msk [tilespmem:v7+s16+$0x0], $0xffff;
	[tilespmem:s23+$0x420] =	vst v9;
	v9 =	vor.u32 $0x6, v1  }
0x49f: {  	v5 =	vor.u32 $0x7, v5;
	v60 =	vld.idx.msk [tilespmem:v57+s16+$0x0], $0xffff;
	[tilespmem:s23+$0x800] =	vst v11  }
0x4a0: {  	v62 =	vor.u32 $0x7, v3;
	v4 =	vor.u32 $0x7, v4;
	[tilespmem:s23+$0x810] =	vst v13;
	v3 =	vld.idx.msk [tilespmem:v6+s16+$0x0], $0xffff  }
0x4a1: {  	[tilespmem:s23+$0x450] =	vst v8;
	v10 =	vld.idx.msk [tilespmem:v10+s16+$0x0], $0xffff  }
0x4a2: {  	v63 =	vor.u32 $0x7, v2;
	[tilespmem:s23+$0x460] =	vst v18;
	v12 =	vld.idx.msk [tilespmem:v59+s16+$0x0], $0xffff  }
0x4a3: {  	[tilespmem:s23+$0xC70] =	vst v7;
	v8 =	vld.idx.msk [tilespmem:v9+s16+$0x0], $0xffff  }
0x4a4: {  	v7 =	vld.idx.msk [tilespmem:v5+s16+$0x0], $0xffff;
	[tilespmem:s23+$0x820] =	vst v60  }
0x4a5: {  	[tilespmem:s23+$0x830] =	vst v61;
	v5 =	vld.idx.msk [tilespmem:v4+s16+$0x0], $0xffff  }
0x4a6: {  	v4 =	vld.idx.msk [tilespmem:v62+s16+$0x0], $0xffff;
	[tilespmem:s23+$0x840] =	vst v10  }
0x4a7: {  	s24 =	simm.s32 $0x0;
	s25 =	simm.s32 $0x1CF0;
	v2 =	vor.u32 $0x7, v0;
	v1 =	vor.u32 $0x7, v1;
	[tilespmem:s23+$0x850] =	vst v12;
	v6 =	vld.idx.msk [tilespmem:v63+s16+$0x0], $0xffff  }
.LBB2_16:
0x4a8: {  	v0 =	vld [tilespmem:s25+$0x0];
	s24 =	sadd.s32 $0x8, s24;
	[tilespmem:s23+$0x860] =	vst v8  }
0x4a9: {  	v8 =	vld [tilespmem:s25+$0xFFFFFFA0];
	p0 =	slt.u32 s24, $0x38;
	[tilespmem:s23+$0xC00] =	vst v3  }
0x4aa: {  	v3 =	vld [tilespmem:s25+$0xFFFFFFB0];
	[tilespmem:s23+$0xC10] =	vst v7  }
0x4ab: {  	v7 =	vld [tilespmem:s25+$0xFFFFFFC0];
	[tilespmem:s23+$0xC20] =	vst v5  }
0x4ac: {  	v5 =	vld [tilespmem:s25+$0xFFFFFFD0];
	[tilespmem:s23+$0xC30] =	vst v4  }
0x4ad: {  	v4 =	vld [tilespmem:s25+$0xFFFFFFE0];
	v0 =	vshll.u32 v0, $0x3;
	[tilespmem:s23+$0xC40] =	vst v6  }
0x4ae: {  	v6 =	vshll.u32 v8, $0x3;
	v8 =	vld [tilespmem:s25+$0xFFFFFFF0]  }
0x4af: {  	v9 =	vld [tilespmem:s25+$0xFFFFFF90];
	v10 =	vor.u32 $0x1, v6;
	v17 =	vor.u32 $0x2, v6;
	v18 =	vshll.u32 v3, $0x3  }
0x4b0: {  	v3 =	vor.u32 $0x1, v18;
	v19 =	vor.u32 $0x2, v18;
	v20 =	vshll.u32 v7, $0x3;
	v2 =	vld.idx.msk [tilespmem:v2+s16+$0x0], $0xffff  }
0x4b1: {  	v7 =	vor.u32 $0x1, v20;
	v21 =	vor.u32 $0x2, v20;
	v22 =	vshll.u32 v5, $0x3;
	v1 =	vld.idx.msk [tilespmem:v1+s16+$0x0], $0xffff  }
0x4b2: {  	v5 =	vor.u32 $0x1, v22;
	v23 =	vor.u32 $0x2, v22;
	v24 =	vshll.u32 v4, $0x3;
	v4 =	vld.idx.msk [tilespmem:v0+s16+$0x0], $0xffff  }
0x4b3: {  	v11 =	vld.idx.msk [tilespmem:v6+s16+$0x0], $0xffff;
	v12 =	vor.u32 $0x1, v24;
	v25 =	vor.u32 $0x2, v24;
	v26 =	vshll.u32 v8, $0x3  }
0x4b4: {  	v13 =	vor.u32 $0x1, v0;
	v8 =	vshll.u32 v9, $0x3;
	v9 =	vld.idx.msk [tilespmem:v18+s16+$0x0], $0xffff;
	v27 =	vor.u32 $0x1, v26  }
0x4b5: {  	v30 =	vor.u32 $0x2, v26;
	v28 =	vor.u32 $0x1, v8;
	v29 =	vor.u32 $0x2, v8;
	v14 =	vld.idx.msk [tilespmem:v20+s16+$0x0], $0xffff  }
0x4b6: {  	v32 =	vor.u32 $0x3, v6;
	v33 =	vor.u32 $0x3, v18;
	v31 =	vor.u32 $0x3, v8;
	v16 =	vld.idx.msk [tilespmem:v22+s16+$0x0], $0xffff;
	[tilespmem:s23+$0xC50] =	vst v2  }
0x4b7: {  	v34 =	vor.u32 $0x3, v20;
	v35 =	vor.u32 $0x3, v22;
	v36 =	vor.u32 $0x3, v24;
	v2 =	vld.idx.msk [tilespmem:v24+s16+$0x0], $0xffff;
	[tilespmem:s23+$0xC60] =	vst v1;
	s23 =	sadd.s32 $0x80, s23  }
0x4b8: {  	v38 =	vor.u32 $0x4, v6;
	v39 =	vor.u32 $0x3, v26;
	v37 =	vor.u32 $0x4, v8;
	v1 =	vld.idx.msk [tilespmem:v26+s16+$0x0], $0xffff;
	[tilespmem:s23+$0xFFFFF070] =	vst v4  }
0x4b9: {  	v40 =	vor.u32 $0x4, v18;
	v41 =	vor.u32 $0x4, v20;
	v42 =	vor.u32 $0x4, v22;
	[tilespmem:s23+$0xFFFFF010] =	vst v11;
	v4 =	vld.idx.msk [tilespmem:v13+s16+$0x0], $0xffff  }
0x4ba: {  	v44 =	vor.u32 $0x4, v24;
	v45 =	vor.u32 $0x4, v26;
	v15 =	vor.u32 $0x5, v8;
	v43 =	vld.idx.msk [tilespmem:v8+s16+$0x0], $0xffff;
	[tilespmem:s23+$0xFFFFF020] =	vst v9  }
0x4bb: {  	v49 =	vor.u32 $0x2, v0;
	v47 =	vor.u32 $0x5, v6;
	v48 =	vor.u32 $0x5, v18;
	v46 =	vld.idx.msk [tilespmem:v10+s16+$0x0], $0xffff;
	[tilespmem:s23+$0xFFFFF030] =	vst v14  }
0x4bc: {  	v51 =	vor.u32 $0x5, v20;
	v52 =	vor.u32 $0x5, v22;
	v50 =	vld.idx.msk [tilespmem:v3+s16+$0x0], $0xffff;
	[tilespmem:s23+$0xFFFFF040] =	vst v16;
	v16 =	vor.u32 $0x5, v24  }
0x4bd: {  	v54 =	vor.u32 $0x5, v26;
	v13 =	vor.u32 $0x6, v8;
	v10 =	vor.u32 $0x6, v6;
	v53 =	vld.idx.msk [tilespmem:v7+s16+$0x0], $0xffff;
	[tilespmem:s23+$0xFFFFF050] =	vst v2  }
0x4be: {  	v11 =	vor.u32 $0x6, v20;
	v9 =	vor.u32 $0x6, v22;
	v14 =	vor.u32 $0x6, v18;
	v55 =	vld.idx.msk [tilespmem:v5+s16+$0x0], $0xffff;
	[tilespmem:s23+$0xFFFFF060] =	vst v1  }
0x4bf: {  	v3 =	vor.u32 $0x7, v8;
	v8 =	vor.u32 $0x6, v26;
	v56 =	vld.idx.msk [tilespmem:v12+s16+$0x0], $0xffff;
	v12 =	vor.u32 $0x6, v24;
	[tilespmem:s23+$0xFFFFF470] =	vst v4  }
0x4c0: {  	v7 =	vor.u32 $0x7, v6;
	v5 =	vor.u32 $0x7, v18;
	v4 =	vor.u32 $0x7, v20;
	[tilespmem:s23+$0xFFFFF000] =	vst v43;
	v18 =	vld.idx.msk [tilespmem:v49+s16+$0x0], $0xffff  }
0x4c1: {  	v6 =	vor.u32 $0x7, v22;
	v2 =	vor.u32 $0x7, v24;
	v1 =	vor.u32 $0x7, v26;
	v20 =	vld.idx.msk [tilespmem:v28+s16+$0x0], $0xffff;
	[tilespmem:s23+$0xFFFFF410] =	vst v46  }
0x4c2: {  	v24 =	vor.u32 $0x3, v0;
	[tilespmem:s23+$0xFFFFF420] =	vst v50;
	v22 =	vld.idx.msk [tilespmem:v27+s16+$0x0], $0xffff  }
0x4c3: {  	v17 =	vld.idx.msk [tilespmem:v17+s16+$0x0], $0xffff;
	[tilespmem:s23+$0xFFFFF430] =	vst v53  }
0x4c4: {  	v19 =	vld.idx.msk [tilespmem:v19+s16+$0x0], $0xffff;
	[tilespmem:s23+$0xFFFFF440] =	vst v55  }
0x4c5: {  	v21 =	vld.idx.msk [tilespmem:v21+s16+$0x0], $0xffff;
	[tilespmem:s23+$0xFFFFF450] =	vst v56  }
0x4c6: {  	v23 =	vld.idx.msk [tilespmem:v23+s16+$0x0], $0xffff;
	[tilespmem:s23+$0xFFFFF870] =	vst v18  }
0x4c7: {  	[tilespmem:s23+$0xFFFFF400] =	vst v20;
	v18 =	vld.idx.msk [tilespmem:v24+s16+$0x0], $0xffff  }
0x4c8: {  	v20 =	vld.idx.msk [tilespmem:v29+s16+$0x0], $0xffff;
	[tilespmem:s23+$0xFFFFF460] =	vst v22  }
0x4c9: {  	v22 =	vor.u32 $0x4, v0;
	[tilespmem:s23+$0xFFFFF810] =	vst v17;
	v17 =	vld.idx.msk [tilespmem:v25+s16+$0x0], $0xffff  }
0x4ca: {  	[tilespmem:s23+$0xFFFFF820] =	vst v19;
	v19 =	vld.idx.msk [tilespmem:v30+s16+$0x0], $0xffff  }
0x4cb: {  	v24 =	vld.idx.msk [tilespmem:v32+s16+$0x0], $0xffff;
	[tilespmem:s23+$0xFFFFF830] =	vst v21  }
0x4cc: {  	v21 =	vld.idx.msk [tilespmem:v33+s16+$0x0], $0xffff;
	[tilespmem:s23+$0xFFFFF840] =	vst v23  }
0x4cd: {  	v23 =	vld.idx.msk [tilespmem:v34+s16+$0x0], $0xffff;
	[tilespmem:s23+$0xFFFFFC70] =	vst v18  }
0x4ce: {  	[tilespmem:s23+$0xFFFFF800] =	vst v20;
	v18 =	vld.idx.msk [tilespmem:v22+s16+$0x0], $0xffff  }
0x4cf: {  	v20 =	vld.idx.msk [tilespmem:v31+s16+$0x0], $0xffff;
	[tilespmem:s23+$0xFFFFF850] =	vst v17  }
0x4d0: {  	v17 =	vld.idx.msk [tilespmem:v35+s16+$0x0], $0xffff;
	[tilespmem:s23+$0xFFFFF860] =	vst v19;
	v19 =	vor.u32 $0x5, v0  }
0x4d1: {  	[tilespmem:s23+$0xFFFFFC10] =	vst v24;
	v22 =	vld.idx.msk [tilespmem:v36+s16+$0x0], $0xffff  }
0x4d2: {  	[tilespmem:s23+$0xFFFFFC20] =	vst v21;
	v21 =	vld.idx.msk [tilespmem:v39+s16+$0x0], $0xffff  }
0x4d3: {  	v24 =	vld.idx.msk [tilespmem:v38+s16+$0x0], $0xffff;
	[tilespmem:s23+$0xFFFFFC30] =	vst v23  }
0x4d4: {  	v23 =	vld.idx.msk [tilespmem:v40+s16+$0x0], $0xffff;
	[tilespmem:s23+$0x70] =	vst v18  }
0x4d5: {  	[tilespmem:s23+$0xFFFFFC00] =	vst v20;
	v18 =	vld.idx.msk [tilespmem:v19+s16+$0x0], $0xffff  }
0x4d6: {  	v19 =	vld.idx.msk [tilespmem:v37+s16+$0x0], $0xffff;
	[tilespmem:s23+$0xFFFFFC40] =	vst v17  }
0x4d7: {  	v20 =	vor.u32 $0x6, v0;
	v17 =	vld.idx.msk [tilespmem:v41+s16+$0x0], $0xffff;
	[tilespmem:s23+$0xFFFFFC50] =	vst v22  }
0x4d8: {  	v22 =	vld.idx.msk [tilespmem:v42+s16+$0x0], $0xffff;
	[tilespmem:s23+$0xFFFFFC60] =	vst v21  }
0x4d9: {  	[tilespmem:s23+$0x10] =	vst v24;
	v21 =	vld.idx.msk [tilespmem:v44+s16+$0x0], $0xffff  }
0x4da: {  	[tilespmem:s23+$0x20] =	vst v23;
	v23 =	vld.idx.msk [tilespmem:v45+s16+$0x0], $0xffff  }
0x4db: {  	v24 =	vld.idx.msk [tilespmem:v47+s16+$0x0], $0xffff;
	[tilespmem:s23+$0x470] =	vst v18  }
0x4dc: {  	[tilespmem:s23+$0x0] =	vst v19;
	v18 =	vld.idx.msk [tilespmem:v20+s16+$0x0], $0xffff  }
0x4dd: {  	v15 =	vld.idx.msk [tilespmem:v15+s16+$0x0], $0xffff;
	[tilespmem:s23+$0x30] =	vst v17  }
0x4de: {  	v0 =	vor.u32 $0x7, v0;
	v17 =	vld.idx.msk [tilespmem:v48+s16+$0x0], $0xffff;
	[tilespmem:s23+$0x40] =	vst v22  }
0x4df: {  	v19 =	vld.idx.msk [tilespmem:v51+s16+$0x0], $0xffff;
	[tilespmem:s23+$0x50] =	vst v21  }
0x4e0: {  	v20 =	vld.idx.msk [tilespmem:v52+s16+$0x0], $0xffff;
	[tilespmem:s23+$0x60] =	vst v23  }
0x4e1: {  	[tilespmem:s23+$0x410] =	vst v24;
	v16 =	vld.idx.msk [tilespmem:v16+s16+$0x0], $0xffff  }
0x4e2: {  	v21 =	vld.idx.msk [tilespmem:v54+s16+$0x0], $0xffff;
	[tilespmem:s23+$0x870] =	vst v18  }
0x4e3: {  	[tilespmem:s23+$0x400] =	vst v15;
	v0 =	vld.idx.msk [tilespmem:v0+s16+$0x0], $0xffff  }
0x4e4: {  	v13 =	vld.idx.msk [tilespmem:v13+s16+$0x0], $0xffff;
	[tilespmem:s23+$0x420] =	vst v17  }
0x4e5: {  	v10 =	vld.idx.msk [tilespmem:v10+s16+$0x0], $0xffff;
	[tilespmem:s23+$0x430] =	vst v19  }
0x4e6: {  	v14 =	vld.idx.msk [tilespmem:v14+s16+$0x0], $0xffff;
	[tilespmem:s23+$0x440] =	vst v20  }
0x4e7: {  	v11 =	vld.idx.msk [tilespmem:v11+s16+$0x0], $0xffff;
	[tilespmem:s23+$0x450] =	vst v16  }
0x4e8: {  	v9 =	vld.idx.msk [tilespmem:v9+s16+$0x0], $0xffff;
	[tilespmem:s23+$0x460] =	vst v21  }
0x4e9: {  	v12 =	vld.idx.msk [tilespmem:v12+s16+$0x0], $0xffff;
	[tilespmem:s23+$0xC70] =	vst v0  }
0x4ea: {  	[tilespmem:s23+$0x800] =	vst v13;
	v8 =	vld.idx.msk [tilespmem:v8+s16+$0x0], $0xffff  }
.Ltmp7:
0x4eb: {  	v3 =	vld.idx.msk [tilespmem:v3+s16+$0x0], $0xffff;
	[tilespmem:s23+$0x810] =	vst v10;
	(pc) =	sbr.rel @p0 .LBB2_16-.Ltmp7, $4  }
0x4ec: {  	v7 =	vld.idx.msk [tilespmem:v7+s16+$0x0], $0xffff;
	[tilespmem:s23+$0x820] =	vst v14  }
0x4ed: {  	v5 =	vld.idx.msk [tilespmem:v5+s16+$0x0], $0xffff;
	[tilespmem:s23+$0x830] =	vst v11  }
0x4ee: {  	v4 =	vld.idx.msk [tilespmem:v4+s16+$0x0], $0xffff;
	[tilespmem:s23+$0x840] =	vst v9  }
0x4ef: {  	s25 =	sadd.s32 $0x80, s25;
	v6 =	vld.idx.msk [tilespmem:v6+s16+$0x0], $0xffff;
	[tilespmem:s23+$0x850] =	vst v12  }
0x4f0: {  	_ =	sdelay $0x2  }
0x4f1: {  	[tilespmem:s23+$0x860] =	vst v8  }
0x4f2: {  	[tilespmem:s23+$0xC00] =	vst v3;
	v0 =	vld.idx.msk [tilespmem:v2+s16+$0x0], $0xffff  }
0x4f3: {  	[tilespmem:s23+$0xC10] =	vst v7;
	v1 =	vld.idx.msk [tilespmem:v1+s16+$0x0], $0xffff  }
0x4f4: {  	[tilespmem:s23+$0xC20] =	vst v5  }
0x4f5: {  	[tilespmem:s23+$0xC30] =	vst v4  }
0x4f6: {  	[tilespmem:s23+$0xC40] =	vst v6  }
0x4f7: {  	[tilespmem:s23+$0xC50] =	vst v0  }
0x4f8: {  	s22 =	sadd.s32 $0x1, s22;
	[tilespmem:s23+$0xC60] =	vst v1  }
0x4f9: {  	[hbm4b:s12+s3] =	stream.linear.scatter [tilespmem:s19], [sflag:$0x2], $0x2000, $0x38;
	[tilespmem:$0x8000] =	vst v63  }
0x4fa: {  	p0 =	sne.s32 s22, s13;
	_ =	swait.ge [sflag:s20], $0x2000  }
.Ltmp8:
0x4fb: {  	[sflag:s20] =	ssyncset.done $0x0;
	(pc) =	sbr.rel @p0 .LBB2_1-.Ltmp8, $4  }
0x4fc: {  	[sflag:s20] =	ssyncadd.s32 $0xFFFFE000  }
0x4fd: {  	_ =	swait.ge [sflag:s21], $0x2000  }
0x4fe: {  	[sflag:s21] =	ssyncset.done $0x0  }
0x4ff: {  	[sflag:s21] =	ssyncadd.s32 $0xFFFFE000  }
0x500: {  	_ =	sfence.sel $0x180000  }
0x501: {  	[bflag:$0x0] =	sbarrier.arrive $0xFFFF  }
0x502: {  	p0 =	sne.s32 s2, $0x0;
	_ =	strace $0x90000047  }
0x503: {  	s0 =	sadd.s32 @!p0 $0x100000, s0;
	[bflag:$0x2] =	sbarrier.arrive $0xFFFF  }
0x504: {  	[sflag:s0] =	ssyncadd.tile.s32 @!p0 $0x1;
	_ =	shalt  }
.Lfunc_end2:
_tile_overlayer_lowered:
.L_overlay_start_2:
0x505: {  	(tag) =	ssettag $0x2  }
0x506: {  	s0 =	rddreg [dreg:$0x0];
	s2 =	stileid.u32  }
0x507: {  	s1 =	rddreg [dreg:$0x1];
	p0 =	sne.s32 s2, $0x0  }
0x508: {  	s3 =	rddreg [dreg:$0x2];
	[bflag:$0x3] =	sbarrier.arrive $0xFFFF;
	s2 =	simm.s32 @!p0 $0x1C03  }
0x509: {  	[timem:s3], [sflag:s2] =	dma.local @!p0 [hbm:s0], s1  }
0x50a: {  	s0 =	simm.s32 @!p0 $0x3  }
0x50b: {  	_ =	swait.ge @!p0 [sflag:s0], s1  }
0x50c: {  	s1 =	ssub.s32 @!p0 $0x0, s1;
	[sflag:s0] =	ssyncset.done @!p0 $0x0  }
0x50d: {  	[sflag:s0] =	ssyncadd.s32 @!p0 s1  }
0x50e: {  	[bflag:$0x3] =	sbarrier.arrive $0xFFFF  }
0x50f: {  	_ =	shalt  }

</sc_bundles>
